<compile_context>
chip_gen: v7x
topology: tpu7x:2x2x1
jax: 0.10.2.dev20260603
libtpu: 0.0.44.dev20260713+nightly
codegen_flags: <defaults>
</compile_context>

<pallas_src>
import functools

import jax
import jax.numpy as jnp
from jax import lax
from jax.experimental import pallas as pl
from jax.experimental.pallas import tpu as pltpu
from jax.experimental.pallas import tpu_sc as plsc

DIM = 33
NLUT = DIM * DIM * DIM
B, H, W = 8, 512, 512
NW = 32
TILES_PER_IMG = NW // B
ROWS_PER_TILE = H // TILES_PER_IMG
RCHUNK = 2
NCHUNK = ROWS_PER_TILE // RCHUNK
HALF = NCHUNK // 2
GROUPS = W // 16

NLUT_PAD = NLUT + 7
_CORNER_OFF = (0, 1, DIM, DIM + 1, DIM * DIM, DIM * DIM + 1,
               DIM * DIM + DIM, DIM * DIM + DIM + 1)


def _body(x_hbm, lut_hbm, out_hbm,
          lut_v, xbufs, ybufs,
          sem_lut, sem_in0, sem_in1, sem_out0, sem_out1):
    sem_in = (sem_in0, sem_in1)
    sem_out = (sem_out0, sem_out1)

    wid = lax.axis_index("s") * 2 + lax.axis_index("c")
    img = wid // TILES_PER_IMG
    quarter = wid % TILES_PER_IMG
    row_base = quarter * ROWS_PER_TILE

    pltpu.make_async_copy(lut_hbm, lut_v, sem_lut).start()

    def in_desc(ci, p):
        r0 = row_base + ci * RCHUNK
        return pltpu.make_async_copy(
            x_hbm.at[img, :, pl.ds(r0, RCHUNK), :], xbufs[p], sem_in[p])

    def out_desc(ci, p):
        r0 = row_base + ci * RCHUNK
        return pltpu.make_async_copy(
            ybufs[p], out_hbm.at[img, :, pl.ds(r0, RCHUNK), :], sem_out[p])

    in_desc(0, 0).start()
    in_desc(1, 1).start()
    pltpu.make_async_copy(lut_hbm, lut_v, sem_lut).wait()

    lut_c0 = lut_v.at[pl.ds(0, NLUT_PAD)]
    lut_c1 = lut_v.at[pl.ds(NLUT_PAD, NLUT_PAD)]
    lut_c2 = lut_v.at[pl.ds(2 * NLUT_PAD, NLUT_PAD)]

    def compute_chunk(p):
        xbuf = xbufs[p]
        ybuf = ybufs[p]

        @plsc.parallel_loop(0, GROUPS, 1, unroll=1)
        def group_body(gi):
            s = gi * 16
            for row in range(RCHUNK):
                r = xbuf[0, row, pl.ds(s, 16)]
                g = xbuf[1, row, pl.ds(s, 16)]
                b = xbuf[2, row, pl.ds(s, 16)]
                rf = r * jnp.float32(DIM - 1)
                gf = g * jnp.float32(DIM - 1)
                bf = b * jnp.float32(DIM - 1)
                ri = rf.astype(jnp.int32)
                gi_ = gf.astype(jnp.int32)
                bi = bf.astype(jnp.int32)
                rd = rf - ri.astype(jnp.float32)
                gd = gf - gi_.astype(jnp.float32)
                bd = bf - bi.astype(jnp.float32)
                base = ri + gi_ * DIM + bi * (DIM * DIM)
                omr = 1.0 - rd
                omg = 1.0 - gd
                omb = 1.0 - bd
                a00 = omr * omg
                a10 = rd * omg
                a01 = omr * gd
                a11 = rd * gd
                ws = (a00 * omb, a10 * omb, a01 * omb, a11 * omb,
                      a00 * bd, a10 * bd, a01 * bd, a11 * bd)
                idxs = [base + o if o else base for o in _CORNER_OFF]
                acc0 = jnp.zeros((16,), jnp.float32)
                acc1 = jnp.zeros((16,), jnp.float32)
                acc2 = jnp.zeros((16,), jnp.float32)
                for k in range(8):
                    acc0 = acc0 + ws[k] * plsc.load_gather(lut_c0, [idxs[k]])
                    acc1 = acc1 + ws[k] * plsc.load_gather(lut_c1, [idxs[k]])
                    acc2 = acc2 + ws[k] * plsc.load_gather(lut_c2, [idxs[k]])
                ybuf[0, row, pl.ds(s, 16)] = acc0
                ybuf[1, row, pl.ds(s, 16)] = acc1
                ybuf[2, row, pl.ds(s, 16)] = acc2

    def half_body(i, p):
        ci = 2 * i + p
        in_desc(ci, p).wait()

        @pl.when(i >= 1)
        def _():
            out_desc(ci - 2, p).wait()

        compute_chunk(p)
        out_desc(ci, p).start()

        @pl.when(i < HALF - 1)
        def _():
            in_desc(ci + 2, p).start()

    def loop_body(i, _):
        half_body(i, 0)
        half_body(i, 1)
        return 0

    lax.fori_loop(0, HALF, loop_body, 0)
    for p in range(2):
        out_desc(NCHUNK - 2 + p, p).wait()


def kernel(x, LUT):
    k = functools.partial(
        pl.kernel,
        out_type=jax.ShapeDtypeStruct((B, 3, H, W), jnp.float32),
        mesh=plsc.VectorSubcoreMesh(core_axis_name="c", subcore_axis_name="s"),
        compiler_params=pltpu.CompilerParams(needs_layout_passes=False),
        scratch_types=[
            pltpu.VMEM((3 * NLUT_PAD,), jnp.float32),
            [pltpu.VMEM((3, RCHUNK, W), jnp.float32)] * 2,
            [pltpu.VMEM((3, RCHUNK, W), jnp.float32)] * 2,
            pltpu.SemaphoreType.DMA,
            pltpu.SemaphoreType.DMA,
            pltpu.SemaphoreType.DMA,
            pltpu.SemaphoreType.DMA,
            pltpu.SemaphoreType.DMA,
        ],
    )(_body)
    lut_pad = jnp.pad(LUT.reshape(3, NLUT), ((0, 0), (0, NLUT_PAD - NLUT)))
    out = k(x, lut_pad.reshape(-1))
    return out

# --- scband reference (transcript-rebuilt; emitter-appended) ---
"""Pipeline reference for scband-generator3-dlut-zero-73057393705705 (READ-ONLY COPY).

The authoritative reference and input builder live on the scoring server;
editing this copy changes nothing except your own understanding.
"""

import jax, jax.numpy as jnp
import numpy as np


def _trilinear_lut(x, LUT):
    # x: [B, 3, H, W] in [0, 1); LUT: [3, dim, dim, dim]
    dim = LUT.shape[1]
    binsize = 1.0 / (dim - 1)
    r = x[:, 0]
    g = x[:, 1]
    b = x[:, 2]
    rf = r / binsize
    gf = g / binsize
    bf = b / binsize
    rid = jnp.clip(jnp.floor(rf).astype(jnp.int32), 0, dim - 2)
    gid = jnp.clip(jnp.floor(gf).astype(jnp.int32), 0, dim - 2)
    bid = jnp.clip(jnp.floor(bf).astype(jnp.int32), 0, dim - 2)
    rd = rf - rid.astype(x.dtype)
    gd = gf - gid.astype(x.dtype)
    bd = bf - bid.astype(x.dtype)
    # Flattened per-channel index, matching the CUDA kernel's
    # id = r_id + g_id*dim + b_id*dim*dim layout.
    LUT_flat = LUT.reshape(3, -1)

    def corner(i, j, k):
        idx = (rid + i) + (gid + j) * dim + (bid + k) * dim * dim
        return jnp.take(LUT_flat, idx, axis=1)  # [3, B, H, W]

    w000 = (1 - rd) * (1 - gd) * (1 - bd)
    w100 = rd * (1 - gd) * (1 - bd)
    w010 = (1 - rd) * gd * (1 - bd)
    w110 = rd * gd * (1 - bd)
    w001 = (1 - rd) * (1 - gd) * bd
    w101 = rd * (1 - gd) * bd
    w011 = (1 - rd) * gd * bd
    w111 = rd * gd * bd

    out = (w000[None] * corner(0, 0, 0)
           + w100[None] * corner(1, 0, 0)
           + w010[None] * corner(0, 1, 0)
           + w110[None] * corner(1, 1, 0)
           + w001[None] * corner(0, 0, 1)
           + w101[None] * corner(1, 0, 1)
           + w011[None] * corner(0, 1, 1)
           + w111[None] * corner(1, 1, 1))  # [3, B, H, W]
    return jnp.transpose(out, (1, 0, 2, 3))  # [B, 3, H, W]


def setup_inputs(seed: int = 0) -> dict:
    key = jax.random.key(seed)
    k1, k2 = jax.random.split(key)
    x = jax.random.uniform(k1, (8, 3, 512, 512), dtype=jnp.float32)
    # Module inits LUT to zeros; use small random values so the
    # reference output/gradients are numerically meaningful.
    LUT = jax.random.normal(k2, (3, 33, 33, 33), dtype=jnp.float32) * 0.1
    return {"x": x, "LUT": LUT}


def reference(x, LUT):
    return _trilinear_lut(x, LUT)

if __name__ == "__main__":
    import jax
    _d = setup_inputs()
    print(jax.jit(kernel)(*tuple(_d.values())))

</pallas_src>

<mosaic_0001>
#map = affine_map<(d0, d1) -> (0, 0, 0, 0)>
#map1 = affine_map<(d0, d1) -> (0)>
module attributes {stable_mosaic.version = 14 : i64} {
  func.func @_body(%arg0: i32, %arg1: i32, %arg2: memref<8x3x512x512xf32, #tpu.memory_space<hbm>>, %arg3: memref<107832xf32, #tpu.memory_space<hbm>>, %arg4: memref<8x3x512x512xf32, #tpu.memory_space<hbm>>, %arg5: memref<107832xf32, #tpu.memory_space<vmem>>, %arg6: memref<3x2x512xf32, #tpu.memory_space<vmem>>, %arg7: memref<3x2x512xf32, #tpu.memory_space<vmem>>, %arg8: memref<3x2x512xf32, #tpu.memory_space<vmem>>, %arg9: memref<3x2x512xf32, #tpu.memory_space<vmem>>, %arg10: memref<!tpu.dma_semaphore, #tpu.memory_space<semaphore_mem>>, %arg11: memref<!tpu.dma_semaphore, #tpu.memory_space<semaphore_mem>>, %arg12: memref<!tpu.dma_semaphore, #tpu.memory_space<semaphore_mem>>, %arg13: memref<!tpu.dma_semaphore, #tpu.memory_space<semaphore_mem>>, %arg14: memref<!tpu.dma_semaphore, #tpu.memory_space<semaphore_mem>>) attributes {dimension_semantics = [#tpu.dimension_semantics<core_parallel>, #tpu.dimension_semantics<subcore_parallel>], iteration_bounds = array<i64: 2, 16>, scalar_prefetch = 0 : i64, scratch_operands = 10 : i64, tpu.core_type = #tpu.core_type<sc_vector_subcore>, window_params = [{transform_indices = #map}, {transform_indices = #map1}, {transform_indices = #map}]} {
    %mul3A = arith.constant 2 : i32
    %mul3A_0 = arith.muli %arg1, %mul3A : i32
    %add3A = arith.addi %mul3A_0, %arg0 : i32
    %jit3A = arith.constant 4 : i32
    %div3A = arith.divsi %add3A, %jit3A : i32
    %sign3A = arith.constant 0 : i32
    %sign3A_1 = arith.cmpi sgt, %add3A, %sign3A : i32
    %sign3A_2 = arith.extui %sign3A_1 : i1 to i32
    %sign3A_3 = arith.constant 0 : i32
    %sign3A_4 = arith.cmpi slt, %add3A, %sign3A_3 : i32
    %sign3A_5 = arith.extui %sign3A_4 : i1 to i32
    %sign3A_6 = arith.subi %sign3A_2, %sign3A_5 : i32
    %sign3A_7 = arith.constant 0 : i32
    %sign3A_8 = arith.cmpi sgt, %jit3A, %sign3A_7 : i32
    %sign3A_9 = arith.extui %sign3A_8 : i1 to i32
    %sign3A_10 = arith.constant 0 : i32
    %sign3A_11 = arith.cmpi slt, %jit3A, %sign3A_10 : i32
    %sign3A_12 = arith.extui %sign3A_11 : i1 to i32
    %sign3A_13 = arith.subi %sign3A_9, %sign3A_12 : i32
    %ne3A = arith.cmpi ne, %sign3A_6, %sign3A_13 : i32
    %rem3A = arith.remsi %add3A, %jit3A : i32
    %ne3A_14 = arith.constant 0 : i32
    %ne3A_15 = arith.cmpi ne, %rem3A, %ne3A_14 : i32
    %and3A = arith.andi %ne3A, %ne3A_15 : i1
    %sub3A = arith.constant 1 : i32
    %sub3A_16 = arith.subi %div3A, %sub3A : i32
    %select_n3A = arith.select %and3A, %sub3A_16, %div3A : i32
    %jit3A_17 = arith.constant 4 : i32
    %eq3A = arith.constant 0 : i32
    %eq3A_18 = arith.cmpi eq, %jit3A_17, %eq3A : i32
    %jit3A_19 = arith.constant 1 : i32
    %select_n3A_20 = arith.select %eq3A_18, %jit3A_19, %jit3A_17 : i32
    %rem3A_21 = arith.remsi %add3A, %select_n3A_20 : i32
    %ne3A_22 = arith.constant 0 : i32
    %ne3A_23 = arith.cmpi ne, %rem3A_21, %ne3A_22 : i32
    %lt3A = arith.constant 0 : i32
    %lt3A_24 = arith.cmpi slt, %rem3A_21, %lt3A : i32
    %lt3A_25 = arith.constant 0 : i32
    %lt3A_26 = arith.cmpi slt, %select_n3A_20, %lt3A_25 : i32
    %ne3A_27 = arith.xori %lt3A_24, %lt3A_26 : i1
    %and3A_28 = arith.andi %ne3A_27, %ne3A_23 : i1
    %add3A_29 = arith.addi %rem3A_21, %select_n3A_20 : i32
    %select_n3A_30 = arith.select %and3A_28, %add3A_29, %rem3A_21 : i32
    %mul3A_31 = arith.constant 128 : i32
    %mul3A_32 = arith.muli %select_n3A_30, %mul3A_31 : i32
    tpu.enqueue_dma source(%arg3 : memref<107832xf32, #tpu.memory_space<hbm>>) target(%arg5 : memref<107832xf32, #tpu.memory_space<vmem>>) target_semaphore(%arg10 : memref<!tpu.dma_semaphore, #tpu.memory_space<semaphore_mem>>)
    %add3A_33 = arith.constant 0 : i32
    %add3A_34 = arith.addi %mul3A_32, %add3A_33 : i32
    %dma_start3A = arith.constant 0 : i32
    %dma_start3A_35 = arith.constant 0 : i32
    %dma_start3A_36 = tpu.memref_slice %arg2[%select_n3A, %dma_start3A, %add3A_34, %dma_start3A_35] : memref<8x3x512x512xf32, #tpu.memory_space<hbm>> -> memref<1x3x2x512xf32, #tpu.memory_space<hbm>>
    %dma_start3A_37 = tpu.memref_squeeze %dma_start3A_36 : memref<1x3x2x512xf32, #tpu.memory_space<hbm>> -> memref<3x2x512xf32, #tpu.memory_space<hbm>>
    %dma_start3A_38 = arith.constant 0 : i32
    %dma_start3A_39 = arith.constant 0 : i32
    %dma_start3A_40 = tpu.memref_slice %arg2[%select_n3A, %dma_start3A_38, %add3A_34, %dma_start3A_39] : memref<8x3x512x512xf32, #tpu.memory_space<hbm>> -> memref<1x3x2x512xf32, #tpu.memory_space<hbm>>
    %dma_start3A_41 = tpu.memref_squeeze %dma_start3A_40 : memref<1x3x2x512xf32, #tpu.memory_space<hbm>> -> memref<3x2x512xf32, #tpu.memory_space<hbm>>
    tpu.enqueue_dma source(%dma_start3A_41 : memref<3x2x512xf32, #tpu.memory_space<hbm>>) target(%arg6 : memref<3x2x512xf32, #tpu.memory_space<vmem>>) target_semaphore(%arg11 : memref<!tpu.dma_semaphore, #tpu.memory_space<semaphore_mem>>)
    %add3A_42 = arith.constant 2 : i32
    %add3A_43 = arith.addi %mul3A_32, %add3A_42 : i32
    %dma_start3A_44 = arith.constant 0 : i32
    %dma_start3A_45 = arith.constant 0 : i32
    %dma_start3A_46 = tpu.memref_slice %arg2[%select_n3A, %dma_start3A_44, %add3A_43, %dma_start3A_45] : memref<8x3x512x512xf32, #tpu.memory_space<hbm>> -> memref<1x3x2x512xf32, #tpu.memory_space<hbm>>
    %dma_start3A_47 = tpu.memref_squeeze %dma_start3A_46 : memref<1x3x2x512xf32, #tpu.memory_space<hbm>> -> memref<3x2x512xf32, #tpu.memory_space<hbm>>
    %dma_start3A_48 = arith.constant 0 : i32
    %dma_start3A_49 = arith.constant 0 : i32
    %dma_start3A_50 = tpu.memref_slice %arg2[%select_n3A, %dma_start3A_48, %add3A_43, %dma_start3A_49] : memref<8x3x512x512xf32, #tpu.memory_space<hbm>> -> memref<1x3x2x512xf32, #tpu.memory_space<hbm>>
    %dma_start3A_51 = tpu.memref_squeeze %dma_start3A_50 : memref<1x3x2x512xf32, #tpu.memory_space<hbm>> -> memref<3x2x512xf32, #tpu.memory_space<hbm>>
    tpu.enqueue_dma source(%dma_start3A_51 : memref<3x2x512xf32, #tpu.memory_space<hbm>>) target(%arg7 : memref<3x2x512xf32, #tpu.memory_space<vmem>>) target_semaphore(%arg12 : memref<!tpu.dma_semaphore, #tpu.memory_space<semaphore_mem>>)
    tpu.wait_dma2 semaphore(%arg10 : memref<!tpu.dma_semaphore, #tpu.memory_space<semaphore_mem>>) src(%arg3 : memref<107832xf32, #tpu.memory_space<hbm>>) dst(%arg5 : memref<107832xf32, #tpu.memory_space<vmem>>)
    %scan3A = arith.constant 0 : i32
    %scan3A_52 = arith.constant 0 : i32
    %scan3A_53 = arith.constant 32 : i32
    %scan3A_54 = arith.addi %scan3A_52, %scan3A_53 : i32
    %scan3A_55 = arith.constant 1 : i32
    %scan3A_56 = scf.for %scan3A_77 = %scan3A_52 to %scan3A_54 step %scan3A_55 iter_args(%scan3A_78 = %scan3A) -> (i32)  : i32 {
      %mul3A_79 = arith.constant 2 : i32
      %mul3A_80 = arith.muli %mul3A_79, %scan3A_77 : i32
      %add3A_81 = arith.constant 0 : i32
      %add3A_82 = arith.addi %mul3A_80, %add3A_81 : i32
      %mul3A_83 = arith.constant 2 : i32
      %mul3A_84 = arith.muli %add3A_82, %mul3A_83 : i32
      %add3A_85 = arith.addi %mul3A_32, %mul3A_84 : i32
      %dma_wait3A_86 = arith.constant 0 : i32
      %dma_wait3A_87 = arith.constant 0 : i32
      %dma_wait3A_88 = tpu.memref_slice %arg2[%select_n3A, %dma_wait3A_86, %add3A_85, %dma_wait3A_87] : memref<8x3x512x512xf32, #tpu.memory_space<hbm>> -> memref<1x3x2x512xf32, #tpu.memory_space<hbm>>
      %dma_wait3A_89 = tpu.memref_squeeze %dma_wait3A_88 : memref<1x3x2x512xf32, #tpu.memory_space<hbm>> -> memref<3x2x512xf32, #tpu.memory_space<hbm>>
      %dma_wait3A_90 = arith.constant 0 : i32
      %dma_wait3A_91 = arith.constant 0 : i32
      %dma_wait3A_92 = tpu.memref_slice %arg2[%select_n3A, %dma_wait3A_90, %add3A_85, %dma_wait3A_91] : memref<8x3x512x512xf32, #tpu.memory_space<hbm>> -> memref<1x3x2x512xf32, #tpu.memory_space<hbm>>
      %dma_wait3A_93 = tpu.memref_squeeze %dma_wait3A_92 : memref<1x3x2x512xf32, #tpu.memory_space<hbm>> -> memref<3x2x512xf32, #tpu.memory_space<hbm>>
      tpu.wait_dma2 semaphore(%arg11 : memref<!tpu.dma_semaphore, #tpu.memory_space<semaphore_mem>>) src(%dma_wait3A_93 : memref<3x2x512xf32, #tpu.memory_space<hbm>>) dst(%arg6 : memref<3x2x512xf32, #tpu.memory_space<vmem>>)
      %ge3A = arith.constant 1 : i32
      %ge3A_94 = arith.cmpi sge, %scan3A_77, %ge3A : i32
      %convert_element_type3A = arith.extui %ge3A_94 : i1 to i32
      %cond3A = arith.constant 0 : i32
      %cond3A_95 = arith.cmpi ne, %convert_element_type3A, %cond3A : i32
      scf.if %cond3A_95 {
        %sub3A_154 = arith.constant 2 : i32
        %sub3A_155 = arith.subi %add3A_82, %sub3A_154 : i32
        %mul3A_156 = arith.constant 2 : i32
        %mul3A_157 = arith.muli %sub3A_155, %mul3A_156 : i32
        %add3A_158 = arith.addi %mul3A_32, %mul3A_157 : i32
        %dma_wait3A_159 = arith.constant 0 : i32
        %dma_wait3A_160 = arith.constant 0 : i32
        %dma_wait3A_161 = tpu.memref_slice %arg4[%select_n3A, %dma_wait3A_159, %add3A_158, %dma_wait3A_160] : memref<8x3x512x512xf32, #tpu.memory_space<hbm>> -> memref<1x3x2x512xf32, #tpu.memory_space<hbm>>
        %dma_wait3A_162 = tpu.memref_squeeze %dma_wait3A_161 : memref<1x3x2x512xf32, #tpu.memory_space<hbm>> -> memref<3x2x512xf32, #tpu.memory_space<hbm>>
        %dma_wait3A_163 = arith.constant 0 : i32
        %dma_wait3A_164 = arith.constant 0 : i32
        %dma_wait3A_165 = tpu.memref_slice %arg4[%select_n3A, %dma_wait3A_163, %add3A_158, %dma_wait3A_164] : memref<8x3x512x512xf32, #tpu.memory_space<hbm>> -> memref<1x3x2x512xf32, #tpu.memory_space<hbm>>
        %dma_wait3A_166 = tpu.memref_squeeze %dma_wait3A_165 : memref<1x3x2x512xf32, #tpu.memory_space<hbm>> -> memref<3x2x512xf32, #tpu.memory_space<hbm>>
        tpu.wait_dma2 semaphore(%arg13 : memref<!tpu.dma_semaphore, #tpu.memory_space<semaphore_mem>>) src(%arg8 : memref<3x2x512xf32, #tpu.memory_space<vmem>>) dst(%dma_wait3A_166 : memref<3x2x512xf32, #tpu.memory_space<hbm>>)
      } else {
      }
      %parallel_loop3A = arith.constant 0 : i32
      %parallel_loop3A_96 = arith.constant 32 : i32
      %parallel_loop3A_97 = arith.constant 1 : i32
      scf.for %parallel_loop3A_154 = %parallel_loop3A to %parallel_loop3A_96 step %parallel_loop3A_97  : i32 {
        %parallel_loop3A_155 = arith.constant 16 : i32
        %parallel_loop3A_156 = arith.muli %parallel_loop3A_154, %parallel_loop3A_155 : i32
        %parallel_loop3A_157 = arith.constant 0 : i32
        %parallel_loop3A_158 = arith.constant 0 : i32
        %parallel_loop3A_159 = arith.index_cast %parallel_loop3A_157 : i32 to index
        %parallel_loop3A_160 = arith.index_cast %parallel_loop3A_158 : i32 to index
        %parallel_loop3A_161 = arith.index_cast %parallel_loop3A_156 : i32 to index
        %parallel_loop3A_162 = tpu.vector_load %arg6[%parallel_loop3A_159, %parallel_loop3A_160, %parallel_loop3A_161] {strides = array<i32>} : memref<3x2x512xf32, #tpu.memory_space<vmem>>, vector<16xf32>,
        %parallel_loop3A_163 = arith.constant 1 : i32
        %parallel_loop3A_164 = arith.constant 0 : i32
        %parallel_loop3A_165 = arith.index_cast %parallel_loop3A_163 : i32 to index
        %parallel_loop3A_166 = arith.index_cast %parallel_loop3A_164 : i32 to index
        %parallel_loop3A_167 = arith.index_cast %parallel_loop3A_156 : i32 to index
        %parallel_loop3A_168 = tpu.vector_load %arg6[%parallel_loop3A_165, %parallel_loop3A_166, %parallel_loop3A_167] {strides = array<i32>} : memref<3x2x512xf32, #tpu.memory_space<vmem>>, vector<16xf32>,
        %parallel_loop3A_169 = arith.constant 2 : i32
        %parallel_loop3A_170 = arith.constant 0 : i32
        %parallel_loop3A_171 = arith.index_cast %parallel_loop3A_169 : i32 to index
        %parallel_loop3A_172 = arith.index_cast %parallel_loop3A_170 : i32 to index
        %parallel_loop3A_173 = arith.index_cast %parallel_loop3A_156 : i32 to index
        %parallel_loop3A_174 = tpu.vector_load %arg6[%parallel_loop3A_171, %parallel_loop3A_172, %parallel_loop3A_173] {strides = array<i32>} : memref<3x2x512xf32, #tpu.memory_space<vmem>>, vector<16xf32>,
        %parallel_loop3A_175 = arith.constant 3.200000e+01 : f32
        %parallel_loop3A_176 = vector.broadcast %parallel_loop3A_175 : f32 to vector<16xf32>
        %parallel_loop3A_177 = arith.mulf %parallel_loop3A_162, %parallel_loop3A_176 : vector<16xf32>
        %parallel_loop3A_178 = arith.constant 3.200000e+01 : f32
        %parallel_loop3A_179 = vector.broadcast %parallel_loop3A_178 : f32 to vector<16xf32>
        %parallel_loop3A_180 = arith.mulf %parallel_loop3A_168, %parallel_loop3A_179 : vector<16xf32>
        %parallel_loop3A_181 = arith.constant 3.200000e+01 : f32
        %parallel_loop3A_182 = vector.broadcast %parallel_loop3A_181 : f32 to vector<16xf32>
        %parallel_loop3A_183 = arith.mulf %parallel_loop3A_174, %parallel_loop3A_182 : vector<16xf32>
        %parallel_loop3A_184 = arith.fptosi %parallel_loop3A_177 : vector<16xf32> to vector<16xi32>
        %parallel_loop3A_185 = arith.fptosi %parallel_loop3A_180 : vector<16xf32> to vector<16xi32>
        %parallel_loop3A_186 = arith.fptosi %parallel_loop3A_183 : vector<16xf32> to vector<16xi32>
        %parallel_loop3A_187 = arith.sitofp %parallel_loop3A_184 : vector<16xi32> to vector<16xf32>
        %parallel_loop3A_188 = arith.subf %parallel_loop3A_177, %parallel_loop3A_187 : vector<16xf32>
        %parallel_loop3A_189 = arith.sitofp %parallel_loop3A_185 : vector<16xi32> to vector<16xf32>
        %parallel_loop3A_190 = arith.subf %parallel_loop3A_180, %parallel_loop3A_189 : vector<16xf32>
        %parallel_loop3A_191 = arith.sitofp %parallel_loop3A_186 : vector<16xi32> to vector<16xf32>
        %parallel_loop3A_192 = arith.subf %parallel_loop3A_183, %parallel_loop3A_191 : vector<16xf32>
        %parallel_loop3A_193 = arith.constant 33 : i32
        %parallel_loop3A_194 = vector.broadcast %parallel_loop3A_193 : i32 to vector<16xi32>
        %parallel_loop3A_195 = arith.muli %parallel_loop3A_185, %parallel_loop3A_194 : vector<16xi32>
        %parallel_loop3A_196 = arith.addi %parallel_loop3A_184, %parallel_loop3A_195 : vector<16xi32>
        %parallel_loop3A_197 = arith.constant 1089 : i32
        %parallel_loop3A_198 = vector.broadcast %parallel_loop3A_197 : i32 to vector<16xi32>
        %parallel_loop3A_199 = arith.muli %parallel_loop3A_186, %parallel_loop3A_198 : vector<16xi32>
        %parallel_loop3A_200 = arith.addi %parallel_loop3A_196, %parallel_loop3A_199 : vector<16xi32>
        %parallel_loop3A_201 = arith.constant 1.000000e+00 : f32
        %parallel_loop3A_202 = vector.broadcast %parallel_loop3A_201 : f32 to vector<16xf32>
        %parallel_loop3A_203 = arith.subf %parallel_loop3A_202, %parallel_loop3A_188 : vector<16xf32>
        %parallel_loop3A_204 = arith.constant 1.000000e+00 : f32
        %parallel_loop3A_205 = vector.broadcast %parallel_loop3A_204 : f32 to vector<16xf32>
        %parallel_loop3A_206 = arith.subf %parallel_loop3A_205, %parallel_loop3A_190 : vector<16xf32>
        %parallel_loop3A_207 = arith.constant 1.000000e+00 : f32
        %parallel_loop3A_208 = vector.broadcast %parallel_loop3A_207 : f32 to vector<16xf32>
        %parallel_loop3A_209 = arith.subf %parallel_loop3A_208, %parallel_loop3A_192 : vector<16xf32>
        %parallel_loop3A_210 = arith.mulf %parallel_loop3A_203, %parallel_loop3A_206 : vector<16xf32>
        %parallel_loop3A_211 = arith.mulf %parallel_loop3A_188, %parallel_loop3A_206 : vector<16xf32>
        %parallel_loop3A_212 = arith.mulf %parallel_loop3A_203, %parallel_loop3A_190 : vector<16xf32>
        %parallel_loop3A_213 = arith.mulf %parallel_loop3A_188, %parallel_loop3A_190 : vector<16xf32>
        %parallel_loop3A_214 = arith.mulf %parallel_loop3A_210, %parallel_loop3A_209 : vector<16xf32>
        %parallel_loop3A_215 = arith.mulf %parallel_loop3A_211, %parallel_loop3A_209 : vector<16xf32>
        %parallel_loop3A_216 = arith.mulf %parallel_loop3A_212, %parallel_loop3A_209 : vector<16xf32>
        %parallel_loop3A_217 = arith.mulf %parallel_loop3A_213, %parallel_loop3A_209 : vector<16xf32>
        %parallel_loop3A_218 = arith.mulf %parallel_loop3A_210, %parallel_loop3A_192 : vector<16xf32>
        %parallel_loop3A_219 = arith.mulf %parallel_loop3A_211, %parallel_loop3A_192 : vector<16xf32>
        %parallel_loop3A_220 = arith.mulf %parallel_loop3A_212, %parallel_loop3A_192 : vector<16xf32>
        %parallel_loop3A_221 = arith.mulf %parallel_loop3A_213, %parallel_loop3A_192 : vector<16xf32>
        %parallel_loop3A_222 = arith.constant 1 : i32
        %parallel_loop3A_223 = vector.broadcast %parallel_loop3A_222 : i32 to vector<16xi32>
        %parallel_loop3A_224 = arith.addi %parallel_loop3A_200, %parallel_loop3A_223 : vector<16xi32>
        %parallel_loop3A_225 = arith.constant 33 : i32
        %parallel_loop3A_226 = vector.broadcast %parallel_loop3A_225 : i32 to vector<16xi32>
        %parallel_loop3A_227 = arith.addi %parallel_loop3A_200, %parallel_loop3A_226 : vector<16xi32>
        %parallel_loop3A_228 = arith.constant 34 : i32
        %parallel_loop3A_229 = vector.broadcast %parallel_loop3A_228 : i32 to vector<16xi32>
        %parallel_loop3A_230 = arith.addi %parallel_loop3A_200, %parallel_loop3A_229 : vector<16xi32>
        %parallel_loop3A_231 = arith.constant 1089 : i32
        %parallel_loop3A_232 = vector.broadcast %parallel_loop3A_231 : i32 to vector<16xi32>
        %parallel_loop3A_233 = arith.addi %parallel_loop3A_200, %parallel_loop3A_232 : vector<16xi32>
        %parallel_loop3A_234 = arith.constant 1090 : i32
        %parallel_loop3A_235 = vector.broadcast %parallel_loop3A_234 : i32 to vector<16xi32>
        %parallel_loop3A_236 = arith.addi %parallel_loop3A_200, %parallel_loop3A_235 : vector<16xi32>
        %parallel_loop3A_237 = arith.constant 1122 : i32
        %parallel_loop3A_238 = vector.broadcast %parallel_loop3A_237 : i32 to vector<16xi32>
        %parallel_loop3A_239 = arith.addi %parallel_loop3A_200, %parallel_loop3A_238 : vector<16xi32>
        %parallel_loop3A_240 = arith.constant 1123 : i32
        %parallel_loop3A_241 = vector.broadcast %parallel_loop3A_240 : i32 to vector<16xi32>
        %parallel_loop3A_242 = arith.addi %parallel_loop3A_200, %parallel_loop3A_241 : vector<16xi32>
        %parallel_loop3A_243 = arith.constant 0.000000e+00 : f32
        %parallel_loop3A_244 = vector.broadcast %parallel_loop3A_243 : f32 to vector<16xf32>
        %parallel_loop3A_245 = arith.constant 0.000000e+00 : f32
        %parallel_loop3A_246 = vector.broadcast %parallel_loop3A_245 : f32 to vector<16xf32>
        %parallel_loop3A_247 = arith.constant 0.000000e+00 : f32
        %parallel_loop3A_248 = vector.broadcast %parallel_loop3A_247 : f32 to vector<16xf32>
        %parallel_loop3A_249 = arith.constant 0 : i32
        %parallel_loop3A_250 = tpu.memref_slice %arg5[%parallel_loop3A_249] : memref<107832xf32, #tpu.memory_space<vmem>> -> memref<35944xf32, #tpu.memory_space<vmem>>
        %parallel_loop3A_251 = tpu.vector_load_idx %parallel_loop3A_250[%parallel_loop3A_200] : memref<35944xf32, #tpu.memory_space<vmem>>[vector<16xi32>], vector<16xf32>,
        %parallel_loop3A_252 = arith.mulf %parallel_loop3A_214, %parallel_loop3A_251 : vector<16xf32>
        %parallel_loop3A_253 = arith.addf %parallel_loop3A_244, %parallel_loop3A_252 : vector<16xf32>
        %parallel_loop3A_254 = arith.constant 35944 : i32
        %parallel_loop3A_255 = tpu.memref_slice %arg5[%parallel_loop3A_254] : memref<107832xf32, #tpu.memory_space<vmem>> -> memref<35944xf32, #tpu.memory_space<vmem>>
        %parallel_loop3A_256 = tpu.vector_load_idx %parallel_loop3A_255[%parallel_loop3A_200] : memref<35944xf32, #tpu.memory_space<vmem>>[vector<16xi32>], vector<16xf32>,
        %parallel_loop3A_257 = arith.mulf %parallel_loop3A_214, %parallel_loop3A_256 : vector<16xf32>
        %parallel_loop3A_258 = arith.addf %parallel_loop3A_246, %parallel_loop3A_257 : vector<16xf32>
        %parallel_loop3A_259 = arith.constant 71888 : i32
        %parallel_loop3A_260 = tpu.memref_slice %arg5[%parallel_loop3A_259] : memref<107832xf32, #tpu.memory_space<vmem>> -> memref<35944xf32, #tpu.memory_space<vmem>>
        %parallel_loop3A_261 = tpu.vector_load_idx %parallel_loop3A_260[%parallel_loop3A_200] : memref<35944xf32, #tpu.memory_space<vmem>>[vector<16xi32>], vector<16xf32>,
        %parallel_loop3A_262 = arith.mulf %parallel_loop3A_214, %parallel_loop3A_261 : vector<16xf32>
        %parallel_loop3A_263 = arith.addf %parallel_loop3A_248, %parallel_loop3A_262 : vector<16xf32>
        %parallel_loop3A_264 = arith.constant 0 : i32
        %parallel_loop3A_265 = tpu.memref_slice %arg5[%parallel_loop3A_264] : memref<107832xf32, #tpu.memory_space<vmem>> -> memref<35944xf32, #tpu.memory_space<vmem>>
        %parallel_loop3A_266 = tpu.vector_load_idx %parallel_loop3A_265[%parallel_loop3A_224] : memref<35944xf32, #tpu.memory_space<vmem>>[vector<16xi32>], vector<16xf32>,
        %parallel_loop3A_267 = arith.mulf %parallel_loop3A_215, %parallel_loop3A_266 : vector<16xf32>
        %parallel_loop3A_268 = arith.addf %parallel_loop3A_253, %parallel_loop3A_267 : vector<16xf32>
        %parallel_loop3A_269 = arith.constant 35944 : i32
        %parallel_loop3A_270 = tpu.memref_slice %arg5[%parallel_loop3A_269] : memref<107832xf32, #tpu.memory_space<vmem>> -> memref<35944xf32, #tpu.memory_space<vmem>>
        %parallel_loop3A_271 = tpu.vector_load_idx %parallel_loop3A_270[%parallel_loop3A_224] : memref<35944xf32, #tpu.memory_space<vmem>>[vector<16xi32>], vector<16xf32>,
        %parallel_loop3A_272 = arith.mulf %parallel_loop3A_215, %parallel_loop3A_271 : vector<16xf32>
        %parallel_loop3A_273 = arith.addf %parallel_loop3A_258, %parallel_loop3A_272 : vector<16xf32>
        %parallel_loop3A_274 = arith.constant 71888 : i32
        %parallel_loop3A_275 = tpu.memref_slice %arg5[%parallel_loop3A_274] : memref<107832xf32, #tpu.memory_space<vmem>> -> memref<35944xf32, #tpu.memory_space<vmem>>
        %parallel_loop3A_276 = tpu.vector_load_idx %parallel_loop3A_275[%parallel_loop3A_224] : memref<35944xf32, #tpu.memory_space<vmem>>[vector<16xi32>], vector<16xf32>,
        %parallel_loop3A_277 = arith.mulf %parallel_loop3A_215, %parallel_loop3A_276 : vector<16xf32>
        %parallel_loop3A_278 = arith.addf %parallel_loop3A_263, %parallel_loop3A_277 : vector<16xf32>
        %parallel_loop3A_279 = arith.constant 0 : i32
        %parallel_loop3A_280 = tpu.memref_slice %arg5[%parallel_loop3A_279] : memref<107832xf32, #tpu.memory_space<vmem>> -> memref<35944xf32, #tpu.memory_space<vmem>>
        %parallel_loop3A_281 = tpu.vector_load_idx %parallel_loop3A_280[%parallel_loop3A_227] : memref<35944xf32, #tpu.memory_space<vmem>>[vector<16xi32>], vector<16xf32>,
        %parallel_loop3A_282 = arith.mulf %parallel_loop3A_216, %parallel_loop3A_281 : vector<16xf32>
        %parallel_loop3A_283 = arith.addf %parallel_loop3A_268, %parallel_loop3A_282 : vector<16xf32>
        %parallel_loop3A_284 = arith.constant 35944 : i32
        %parallel_loop3A_285 = tpu.memref_slice %arg5[%parallel_loop3A_284] : memref<107832xf32, #tpu.memory_space<vmem>> -> memref<35944xf32, #tpu.memory_space<vmem>>
        %parallel_loop3A_286 = tpu.vector_load_idx %parallel_loop3A_285[%parallel_loop3A_227] : memref<35944xf32, #tpu.memory_space<vmem>>[vector<16xi32>], vector<16xf32>,
        %parallel_loop3A_287 = arith.mulf %parallel_loop3A_216, %parallel_loop3A_286 : vector<16xf32>
        %parallel_loop3A_288 = arith.addf %parallel_loop3A_273, %parallel_loop3A_287 : vector<16xf32>
        %parallel_loop3A_289 = arith.constant 71888 : i32
        %parallel_loop3A_290 = tpu.memref_slice %arg5[%parallel_loop3A_289] : memref<107832xf32, #tpu.memory_space<vmem>> -> memref<35944xf32, #tpu.memory_space<vmem>>
        %parallel_loop3A_291 = tpu.vector_load_idx %parallel_loop3A_290[%parallel_loop3A_227] : memref<35944xf32, #tpu.memory_space<vmem>>[vector<16xi32>], vector<16xf32>,
        %parallel_loop3A_292 = arith.mulf %parallel_loop3A_216, %parallel_loop3A_291 : vector<16xf32>
        %parallel_loop3A_293 = arith.addf %parallel_loop3A_278, %parallel_loop3A_292 : vector<16xf32>
        %parallel_loop3A_294 = arith.constant 0 : i32
        %parallel_loop3A_295 = tpu.memref_slice %arg5[%parallel_loop3A_294] : memref<107832xf32, #tpu.memory_space<vmem>> -> memref<35944xf32, #tpu.memory_space<vmem>>
        %parallel_loop3A_296 = tpu.vector_load_idx %parallel_loop3A_295[%parallel_loop3A_230] : memref<35944xf32, #tpu.memory_space<vmem>>[vector<16xi32>], vector<16xf32>,
        %parallel_loop3A_297 = arith.mulf %parallel_loop3A_217, %parallel_loop3A_296 : vector<16xf32>
        %parallel_loop3A_298 = arith.addf %parallel_loop3A_283, %parallel_loop3A_297 : vector<16xf32>
        %parallel_loop3A_299 = arith.constant 35944 : i32
        %parallel_loop3A_300 = tpu.memref_slice %arg5[%parallel_loop3A_299] : memref<107832xf32, #tpu.memory_space<vmem>> -> memref<35944xf32, #tpu.memory_space<vmem>>
        %parallel_loop3A_301 = tpu.vector_load_idx %parallel_loop3A_300[%parallel_loop3A_230] : memref<35944xf32, #tpu.memory_space<vmem>>[vector<16xi32>], vector<16xf32>,
        %parallel_loop3A_302 = arith.mulf %parallel_loop3A_217, %parallel_loop3A_301 : vector<16xf32>
        %parallel_loop3A_303 = arith.addf %parallel_loop3A_288, %parallel_loop3A_302 : vector<16xf32>
        %parallel_loop3A_304 = arith.constant 71888 : i32
        %parallel_loop3A_305 = tpu.memref_slice %arg5[%parallel_loop3A_304] : memref<107832xf32, #tpu.memory_space<vmem>> -> memref<35944xf32, #tpu.memory_space<vmem>>
        %parallel_loop3A_306 = tpu.vector_load_idx %parallel_loop3A_305[%parallel_loop3A_230] : memref<35944xf32, #tpu.memory_space<vmem>>[vector<16xi32>], vector<16xf32>,
        %parallel_loop3A_307 = arith.mulf %parallel_loop3A_217, %parallel_loop3A_306 : vector<16xf32>
        %parallel_loop3A_308 = arith.addf %parallel_loop3A_293, %parallel_loop3A_307 : vector<16xf32>
        %parallel_loop3A_309 = arith.constant 0 : i32
        %parallel_loop3A_310 = tpu.memref_slice %arg5[%parallel_loop3A_309] : memref<107832xf32, #tpu.memory_space<vmem>> -> memref<35944xf32, #tpu.memory_space<vmem>>
        %parallel_loop3A_311 = tpu.vector_load_idx %parallel_loop3A_310[%parallel_loop3A_233] : memref<35944xf32, #tpu.memory_space<vmem>>[vector<16xi32>], vector<16xf32>,
        %parallel_loop3A_312 = arith.mulf %parallel_loop3A_218, %parallel_loop3A_311 : vector<16xf32>
        %parallel_loop3A_313 = arith.addf %parallel_loop3A_298, %parallel_loop3A_312 : vector<16xf32>
        %parallel_loop3A_314 = arith.constant 35944 : i32
        %parallel_loop3A_315 = tpu.memref_slice %arg5[%parallel_loop3A_314] : memref<107832xf32, #tpu.memory_space<vmem>> -> memref<35944xf32, #tpu.memory_space<vmem>>
        %parallel_loop3A_316 = tpu.vector_load_idx %parallel_loop3A_315[%parallel_loop3A_233] : memref<35944xf32, #tpu.memory_space<vmem>>[vector<16xi32>], vector<16xf32>,
        %parallel_loop3A_317 = arith.mulf %parallel_loop3A_218, %parallel_loop3A_316 : vector<16xf32>
        %parallel_loop3A_318 = arith.addf %parallel_loop3A_303, %parallel_loop3A_317 : vector<16xf32>
        %parallel_loop3A_319 = arith.constant 71888 : i32
        %parallel_loop3A_320 = tpu.memref_slice %arg5[%parallel_loop3A_319] : memref<107832xf32, #tpu.memory_space<vmem>> -> memref<35944xf32, #tpu.memory_space<vmem>>
        %parallel_loop3A_321 = tpu.vector_load_idx %parallel_loop3A_320[%parallel_loop3A_233] : memref<35944xf32, #tpu.memory_space<vmem>>[vector<16xi32>], vector<16xf32>,
        %parallel_loop3A_322 = arith.mulf %parallel_loop3A_218, %parallel_loop3A_321 : vector<16xf32>
        %parallel_loop3A_323 = arith.addf %parallel_loop3A_308, %parallel_loop3A_322 : vector<16xf32>
        %parallel_loop3A_324 = arith.constant 0 : i32
        %parallel_loop3A_325 = tpu.memref_slice %arg5[%parallel_loop3A_324] : memref<107832xf32, #tpu.memory_space<vmem>> -> memref<35944xf32, #tpu.memory_space<vmem>>
        %parallel_loop3A_326 = tpu.vector_load_idx %parallel_loop3A_325[%parallel_loop3A_236] : memref<35944xf32, #tpu.memory_space<vmem>>[vector<16xi32>], vector<16xf32>,
        %parallel_loop3A_327 = arith.mulf %parallel_loop3A_219, %parallel_loop3A_326 : vector<16xf32>
        %parallel_loop3A_328 = arith.addf %parallel_loop3A_313, %parallel_loop3A_327 : vector<16xf32>
        %parallel_loop3A_329 = arith.constant 35944 : i32
        %parallel_loop3A_330 = tpu.memref_slice %arg5[%parallel_loop3A_329] : memref<107832xf32, #tpu.memory_space<vmem>> -> memref<35944xf32, #tpu.memory_space<vmem>>
        %parallel_loop3A_331 = tpu.vector_load_idx %parallel_loop3A_330[%parallel_loop3A_236] : memref<35944xf32, #tpu.memory_space<vmem>>[vector<16xi32>], vector<16xf32>,
        %parallel_loop3A_332 = arith.mulf %parallel_loop3A_219, %parallel_loop3A_331 : vector<16xf32>
        %parallel_loop3A_333 = arith.addf %parallel_loop3A_318, %parallel_loop3A_332 : vector<16xf32>
        %parallel_loop3A_334 = arith.constant 71888 : i32
        %parallel_loop3A_335 = tpu.memref_slice %arg5[%parallel_loop3A_334] : memref<107832xf32, #tpu.memory_space<vmem>> -> memref<35944xf32, #tpu.memory_space<vmem>>
        %parallel_loop3A_336 = tpu.vector_load_idx %parallel_loop3A_335[%parallel_loop3A_236] : memref<35944xf32, #tpu.memory_space<vmem>>[vector<16xi32>], vector<16xf32>,
        %parallel_loop3A_337 = arith.mulf %parallel_loop3A_219, %parallel_loop3A_336 : vector<16xf32>
        %parallel_loop3A_338 = arith.addf %parallel_loop3A_323, %parallel_loop3A_337 : vector<16xf32>
        %parallel_loop3A_339 = arith.constant 0 : i32
        %parallel_loop3A_340 = tpu.memref_slice %arg5[%parallel_loop3A_339] : memref<107832xf32, #tpu.memory_space<vmem>> -> memref<35944xf32, #tpu.memory_space<vmem>>
        %parallel_loop3A_341 = tpu.vector_load_idx %parallel_loop3A_340[%parallel_loop3A_239] : memref<35944xf32, #tpu.memory_space<vmem>>[vector<16xi32>], vector<16xf32>,
        %parallel_loop3A_342 = arith.mulf %parallel_loop3A_220, %parallel_loop3A_341 : vector<16xf32>
        %parallel_loop3A_343 = arith.addf %parallel_loop3A_328, %parallel_loop3A_342 : vector<16xf32>
        %parallel_loop3A_344 = arith.constant 35944 : i32
        %parallel_loop3A_345 = tpu.memref_slice %arg5[%parallel_loop3A_344] : memref<107832xf32, #tpu.memory_space<vmem>> -> memref<35944xf32, #tpu.memory_space<vmem>>
        %parallel_loop3A_346 = tpu.vector_load_idx %parallel_loop3A_345[%parallel_loop3A_239] : memref<35944xf32, #tpu.memory_space<vmem>>[vector<16xi32>], vector<16xf32>,
        %parallel_loop3A_347 = arith.mulf %parallel_loop3A_220, %parallel_loop3A_346 : vector<16xf32>
        %parallel_loop3A_348 = arith.addf %parallel_loop3A_333, %parallel_loop3A_347 : vector<16xf32>
        %parallel_loop3A_349 = arith.constant 71888 : i32
        %parallel_loop3A_350 = tpu.memref_slice %arg5[%parallel_loop3A_349] : memref<107832xf32, #tpu.memory_space<vmem>> -> memref<35944xf32, #tpu.memory_space<vmem>>
        %parallel_loop3A_351 = tpu.vector_load_idx %parallel_loop3A_350[%parallel_loop3A_239] : memref<35944xf32, #tpu.memory_space<vmem>>[vector<16xi32>], vector<16xf32>,
        %parallel_loop3A_352 = arith.mulf %parallel_loop3A_220, %parallel_loop3A_351 : vector<16xf32>
        %parallel_loop3A_353 = arith.addf %parallel_loop3A_338, %parallel_loop3A_352 : vector<16xf32>
        %parallel_loop3A_354 = arith.constant 0 : i32
        %parallel_loop3A_355 = tpu.memref_slice %arg5[%parallel_loop3A_354] : memref<107832xf32, #tpu.memory_space<vmem>> -> memref<35944xf32, #tpu.memory_space<vmem>>
        %parallel_loop3A_356 = tpu.vector_load_idx %parallel_loop3A_355[%parallel_loop3A_242] : memref<35944xf32, #tpu.memory_space<vmem>>[vector<16xi32>], vector<16xf32>,
        %parallel_loop3A_357 = arith.mulf %parallel_loop3A_221, %parallel_loop3A_356 : vector<16xf32>
        %parallel_loop3A_358 = arith.addf %parallel_loop3A_343, %parallel_loop3A_357 : vector<16xf32>
        %parallel_loop3A_359 = arith.constant 35944 : i32
        %parallel_loop3A_360 = tpu.memref_slice %arg5[%parallel_loop3A_359] : memref<107832xf32, #tpu.memory_space<vmem>> -> memref<35944xf32, #tpu.memory_space<vmem>>
        %parallel_loop3A_361 = tpu.vector_load_idx %parallel_loop3A_360[%parallel_loop3A_242] : memref<35944xf32, #tpu.memory_space<vmem>>[vector<16xi32>], vector<16xf32>,
        %parallel_loop3A_362 = arith.mulf %parallel_loop3A_221, %parallel_loop3A_361 : vector<16xf32>
        %parallel_loop3A_363 = arith.addf %parallel_loop3A_348, %parallel_loop3A_362 : vector<16xf32>
        %parallel_loop3A_364 = arith.constant 71888 : i32
        %parallel_loop3A_365 = tpu.memref_slice %arg5[%parallel_loop3A_364] : memref<107832xf32, #tpu.memory_space<vmem>> -> memref<35944xf32, #tpu.memory_space<vmem>>
        %parallel_loop3A_366 = tpu.vector_load_idx %parallel_loop3A_365[%parallel_loop3A_242] : memref<35944xf32, #tpu.memory_space<vmem>>[vector<16xi32>], vector<16xf32>,
        %parallel_loop3A_367 = arith.mulf %parallel_loop3A_221, %parallel_loop3A_366 : vector<16xf32>
        %parallel_loop3A_368 = arith.addf %parallel_loop3A_353, %parallel_loop3A_367 : vector<16xf32>
        %parallel_loop3A_369 = arith.constant 0 : i32
        %parallel_loop3A_370 = arith.constant 0 : i32
        %parallel_loop3A_371 = arith.index_cast %parallel_loop3A_369 : i32 to index
        %parallel_loop3A_372 = arith.index_cast %parallel_loop3A_370 : i32 to index
        %parallel_loop3A_373 = arith.index_cast %parallel_loop3A_156 : i32 to index
        %parallel_loop3A_374 = tpu.vector_load %arg8[%parallel_loop3A_371, %parallel_loop3A_372, %parallel_loop3A_373] {strides = array<i32>} : memref<3x2x512xf32, #tpu.memory_space<vmem>>, vector<16xf32>,
        tpu.vector_store %arg8[%parallel_loop3A_371, %parallel_loop3A_372, %parallel_loop3A_373], %parallel_loop3A_358 {strides = array<i32>} : memref<3x2x512xf32, #tpu.memory_space<vmem>>, vector<16xf32>,
        %parallel_loop3A_375 = arith.constant 1 : i32
        %parallel_loop3A_376 = arith.constant 0 : i32
        %parallel_loop3A_377 = arith.index_cast %parallel_loop3A_375 : i32 to index
        %parallel_loop3A_378 = arith.index_cast %parallel_loop3A_376 : i32 to index
        %parallel_loop3A_379 = arith.index_cast %parallel_loop3A_156 : i32 to index
        %parallel_loop3A_380 = tpu.vector_load %arg8[%parallel_loop3A_377, %parallel_loop3A_378, %parallel_loop3A_379] {strides = array<i32>} : memref<3x2x512xf32, #tpu.memory_space<vmem>>, vector<16xf32>,
        tpu.vector_store %arg8[%parallel_loop3A_377, %parallel_loop3A_378, %parallel_loop3A_379], %parallel_loop3A_363 {strides = array<i32>} : memref<3x2x512xf32, #tpu.memory_space<vmem>>, vector<16xf32>,
        %parallel_loop3A_381 = arith.constant 2 : i32
        %parallel_loop3A_382 = arith.constant 0 : i32
        %parallel_loop3A_383 = arith.index_cast %parallel_loop3A_381 : i32 to index
        %parallel_loop3A_384 = arith.index_cast %parallel_loop3A_382 : i32 to index
        %parallel_loop3A_385 = arith.index_cast %parallel_loop3A_156 : i32 to index
        %parallel_loop3A_386 = tpu.vector_load %arg8[%parallel_loop3A_383, %parallel_loop3A_384, %parallel_loop3A_385] {strides = array<i32>} : memref<3x2x512xf32, #tpu.memory_space<vmem>>, vector<16xf32>,
        tpu.vector_store %arg8[%parallel_loop3A_383, %parallel_loop3A_384, %parallel_loop3A_385], %parallel_loop3A_368 {strides = array<i32>} : memref<3x2x512xf32, #tpu.memory_space<vmem>>, vector<16xf32>,
        %parallel_loop3A_387 = arith.constant 0 : i32
        %parallel_loop3A_388 = arith.constant 1 : i32
        %parallel_loop3A_389 = arith.index_cast %parallel_loop3A_387 : i32 to index
        %parallel_loop3A_390 = arith.index_cast %parallel_loop3A_388 : i32 to index
        %parallel_loop3A_391 = arith.index_cast %parallel_loop3A_156 : i32 to index
        %parallel_loop3A_392 = tpu.vector_load %arg6[%parallel_loop3A_389, %parallel_loop3A_390, %parallel_loop3A_391] {strides = array<i32>} : memref<3x2x512xf32, #tpu.memory_space<vmem>>, vector<16xf32>,
        %parallel_loop3A_393 = arith.constant 1 : i32
        %parallel_loop3A_394 = arith.constant 1 : i32
        %parallel_loop3A_395 = arith.index_cast %parallel_loop3A_393 : i32 to index
        %parallel_loop3A_396 = arith.index_cast %parallel_loop3A_394 : i32 to index
        %parallel_loop3A_397 = arith.index_cast %parallel_loop3A_156 : i32 to index
        %parallel_loop3A_398 = tpu.vector_load %arg6[%parallel_loop3A_395, %parallel_loop3A_396, %parallel_loop3A_397] {strides = array<i32>} : memref<3x2x512xf32, #tpu.memory_space<vmem>>, vector<16xf32>,
        %parallel_loop3A_399 = arith.constant 2 : i32
        %parallel_loop3A_400 = arith.constant 1 : i32
        %parallel_loop3A_401 = arith.index_cast %parallel_loop3A_399 : i32 to index
        %parallel_loop3A_402 = arith.index_cast %parallel_loop3A_400 : i32 to index
        %parallel_loop3A_403 = arith.index_cast %parallel_loop3A_156 : i32 to index
        %parallel_loop3A_404 = tpu.vector_load %arg6[%parallel_loop3A_401, %parallel_loop3A_402, %parallel_loop3A_403] {strides = array<i32>} : memref<3x2x512xf32, #tpu.memory_space<vmem>>, vector<16xf32>,
        %parallel_loop3A_405 = arith.constant 3.200000e+01 : f32
        %parallel_loop3A_406 = vector.broadcast %parallel_loop3A_405 : f32 to vector<16xf32>
        %parallel_loop3A_407 = arith.mulf %parallel_loop3A_392, %parallel_loop3A_406 : vector<16xf32>
        %parallel_loop3A_408 = arith.constant 3.200000e+01 : f32
        %parallel_loop3A_409 = vector.broadcast %parallel_loop3A_408 : f32 to vector<16xf32>
        %parallel_loop3A_410 = arith.mulf %parallel_loop3A_398, %parallel_loop3A_409 : vector<16xf32>
        %parallel_loop3A_411 = arith.constant 3.200000e+01 : f32
        %parallel_loop3A_412 = vector.broadcast %parallel_loop3A_411 : f32 to vector<16xf32>
        %parallel_loop3A_413 = arith.mulf %parallel_loop3A_404, %parallel_loop3A_412 : vector<16xf32>
        %parallel_loop3A_414 = arith.fptosi %parallel_loop3A_407 : vector<16xf32> to vector<16xi32>
        %parallel_loop3A_415 = arith.fptosi %parallel_loop3A_410 : vector<16xf32> to vector<16xi32>
        %parallel_loop3A_416 = arith.fptosi %parallel_loop3A_413 : vector<16xf32> to vector<16xi32>
        %parallel_loop3A_417 = arith.sitofp %parallel_loop3A_414 : vector<16xi32> to vector<16xf32>
        %parallel_loop3A_418 = arith.subf %parallel_loop3A_407, %parallel_loop3A_417 : vector<16xf32>
        %parallel_loop3A_419 = arith.sitofp %parallel_loop3A_415 : vector<16xi32> to vector<16xf32>
        %parallel_loop3A_420 = arith.subf %parallel_loop3A_410, %parallel_loop3A_419 : vector<16xf32>
        %parallel_loop3A_421 = arith.sitofp %parallel_loop3A_416 : vector<16xi32> to vector<16xf32>
        %parallel_loop3A_422 = arith.subf %parallel_loop3A_413, %parallel_loop3A_421 : vector<16xf32>
        %parallel_loop3A_423 = arith.constant 33 : i32
        %parallel_loop3A_424 = vector.broadcast %parallel_loop3A_423 : i32 to vector<16xi32>
        %parallel_loop3A_425 = arith.muli %parallel_loop3A_415, %parallel_loop3A_424 : vector<16xi32>
        %parallel_loop3A_426 = arith.addi %parallel_loop3A_414, %parallel_loop3A_425 : vector<16xi32>
        %parallel_loop3A_427 = arith.constant 1089 : i32
        %parallel_loop3A_428 = vector.broadcast %parallel_loop3A_427 : i32 to vector<16xi32>
        %parallel_loop3A_429 = arith.muli %parallel_loop3A_416, %parallel_loop3A_428 : vector<16xi32>
        %parallel_loop3A_430 = arith.addi %parallel_loop3A_426, %parallel_loop3A_429 : vector<16xi32>
        %parallel_loop3A_431 = arith.constant 1.000000e+00 : f32
        %parallel_loop3A_432 = vector.broadcast %parallel_loop3A_431 : f32 to vector<16xf32>
        %parallel_loop3A_433 = arith.subf %parallel_loop3A_432, %parallel_loop3A_418 : vector<16xf32>
        %parallel_loop3A_434 = arith.constant 1.000000e+00 : f32
        %parallel_loop3A_435 = vector.broadcast %parallel_loop3A_434 : f32 to vector<16xf32>
        %parallel_loop3A_436 = arith.subf %parallel_loop3A_435, %parallel_loop3A_420 : vector<16xf32>
        %parallel_loop3A_437 = arith.constant 1.000000e+00 : f32
        %parallel_loop3A_438 = vector.broadcast %parallel_loop3A_437 : f32 to vector<16xf32>
        %parallel_loop3A_439 = arith.subf %parallel_loop3A_438, %parallel_loop3A_422 : vector<16xf32>
        %parallel_loop3A_440 = arith.mulf %parallel_loop3A_433, %parallel_loop3A_436 : vector<16xf32>
        %parallel_loop3A_441 = arith.mulf %parallel_loop3A_418, %parallel_loop3A_436 : vector<16xf32>
        %parallel_loop3A_442 = arith.mulf %parallel_loop3A_433, %parallel_loop3A_420 : vector<16xf32>
        %parallel_loop3A_443 = arith.mulf %parallel_loop3A_418, %parallel_loop3A_420 : vector<16xf32>
        %parallel_loop3A_444 = arith.mulf %parallel_loop3A_440, %parallel_loop3A_439 : vector<16xf32>
        %parallel_loop3A_445 = arith.mulf %parallel_loop3A_441, %parallel_loop3A_439 : vector<16xf32>
        %parallel_loop3A_446 = arith.mulf %parallel_loop3A_442, %parallel_loop3A_439 : vector<16xf32>
        %parallel_loop3A_447 = arith.mulf %parallel_loop3A_443, %parallel_loop3A_439 : vector<16xf32>
        %parallel_loop3A_448 = arith.mulf %parallel_loop3A_440, %parallel_loop3A_422 : vector<16xf32>
        %parallel_loop3A_449 = arith.mulf %parallel_loop3A_441, %parallel_loop3A_422 : vector<16xf32>
        %parallel_loop3A_450 = arith.mulf %parallel_loop3A_442, %parallel_loop3A_422 : vector<16xf32>
        %parallel_loop3A_451 = arith.mulf %parallel_loop3A_443, %parallel_loop3A_422 : vector<16xf32>
        %parallel_loop3A_452 = arith.constant 1 : i32
        %parallel_loop3A_453 = vector.broadcast %parallel_loop3A_452 : i32 to vector<16xi32>
        %parallel_loop3A_454 = arith.addi %parallel_loop3A_430, %parallel_loop3A_453 : vector<16xi32>
        %parallel_loop3A_455 = arith.constant 33 : i32
        %parallel_loop3A_456 = vector.broadcast %parallel_loop3A_455 : i32 to vector<16xi32>
        %parallel_loop3A_457 = arith.addi %parallel_loop3A_430, %parallel_loop3A_456 : vector<16xi32>
        %parallel_loop3A_458 = arith.constant 34 : i32
        %parallel_loop3A_459 = vector.broadcast %parallel_loop3A_458 : i32 to vector<16xi32>
        %parallel_loop3A_460 = arith.addi %parallel_loop3A_430, %parallel_loop3A_459 : vector<16xi32>
        %parallel_loop3A_461 = arith.constant 1089 : i32
        %parallel_loop3A_462 = vector.broadcast %parallel_loop3A_461 : i32 to vector<16xi32>
        %parallel_loop3A_463 = arith.addi %parallel_loop3A_430, %parallel_loop3A_462 : vector<16xi32>
        %parallel_loop3A_464 = arith.constant 1090 : i32
        %parallel_loop3A_465 = vector.broadcast %parallel_loop3A_464 : i32 to vector<16xi32>
        %parallel_loop3A_466 = arith.addi %parallel_loop3A_430, %parallel_loop3A_465 : vector<16xi32>
        %parallel_loop3A_467 = arith.constant 1122 : i32
        %parallel_loop3A_468 = vector.broadcast %parallel_loop3A_467 : i32 to vector<16xi32>
        %parallel_loop3A_469 = arith.addi %parallel_loop3A_430, %parallel_loop3A_468 : vector<16xi32>
        %parallel_loop3A_470 = arith.constant 1123 : i32
        %parallel_loop3A_471 = vector.broadcast %parallel_loop3A_470 : i32 to vector<16xi32>
        %parallel_loop3A_472 = arith.addi %parallel_loop3A_430, %parallel_loop3A_471 : vector<16xi32>
        %parallel_loop3A_473 = arith.constant 0.000000e+00 : f32
        %parallel_loop3A_474 = vector.broadcast %parallel_loop3A_473 : f32 to vector<16xf32>
        %parallel_loop3A_475 = arith.constant 0.000000e+00 : f32
        %parallel_loop3A_476 = vector.broadcast %parallel_loop3A_475 : f32 to vector<16xf32>
        %parallel_loop3A_477 = arith.constant 0.000000e+00 : f32
        %parallel_loop3A_478 = vector.broadcast %parallel_loop3A_477 : f32 to vector<16xf32>
        %parallel_loop3A_479 = arith.constant 0 : i32
        %parallel_loop3A_480 = tpu.memref_slice %arg5[%parallel_loop3A_479] : memref<107832xf32, #tpu.memory_space<vmem>> -> memref<35944xf32, #tpu.memory_space<vmem>>
        %parallel_loop3A_481 = tpu.vector_load_idx %parallel_loop3A_480[%parallel_loop3A_430] : memref<35944xf32, #tpu.memory_space<vmem>>[vector<16xi32>], vector<16xf32>,
        %parallel_loop3A_482 = arith.mulf %parallel_loop3A_444, %parallel_loop3A_481 : vector<16xf32>
        %parallel_loop3A_483 = arith.addf %parallel_loop3A_474, %parallel_loop3A_482 : vector<16xf32>
        %parallel_loop3A_484 = arith.constant 35944 : i32
        %parallel_loop3A_485 = tpu.memref_slice %arg5[%parallel_loop3A_484] : memref<107832xf32, #tpu.memory_space<vmem>> -> memref<35944xf32, #tpu.memory_space<vmem>>
        %parallel_loop3A_486 = tpu.vector_load_idx %parallel_loop3A_485[%parallel_loop3A_430] : memref<35944xf32, #tpu.memory_space<vmem>>[vector<16xi32>], vector<16xf32>,
        %parallel_loop3A_487 = arith.mulf %parallel_loop3A_444, %parallel_loop3A_486 : vector<16xf32>
        %parallel_loop3A_488 = arith.addf %parallel_loop3A_476, %parallel_loop3A_487 : vector<16xf32>
        %parallel_loop3A_489 = arith.constant 71888 : i32
        %parallel_loop3A_490 = tpu.memref_slice %arg5[%parallel_loop3A_489] : memref<107832xf32, #tpu.memory_space<vmem>> -> memref<35944xf32, #tpu.memory_space<vmem>>
        %parallel_loop3A_491 = tpu.vector_load_idx %parallel_loop3A_490[%parallel_loop3A_430] : memref<35944xf32, #tpu.memory_space<vmem>>[vector<16xi32>], vector<16xf32>,
        %parallel_loop3A_492 = arith.mulf %parallel_loop3A_444, %parallel_loop3A_491 : vector<16xf32>
        %parallel_loop3A_493 = arith.addf %parallel_loop3A_478, %parallel_loop3A_492 : vector<16xf32>
        %parallel_loop3A_494 = arith.constant 0 : i32
        %parallel_loop3A_495 = tpu.memref_slice %arg5[%parallel_loop3A_494] : memref<107832xf32, #tpu.memory_space<vmem>> -> memref<35944xf32, #tpu.memory_space<vmem>>
        %parallel_loop3A_496 = tpu.vector_load_idx %parallel_loop3A_495[%parallel_loop3A_454] : memref<35944xf32, #tpu.memory_space<vmem>>[vector<16xi32>], vector<16xf32>,
        %parallel_loop3A_497 = arith.mulf %parallel_loop3A_445, %parallel_loop3A_496 : vector<16xf32>
        %parallel_loop3A_498 = arith.addf %parallel_loop3A_483, %parallel_loop3A_497 : vector<16xf32>
        %parallel_loop3A_499 = arith.constant 35944 : i32
        %parallel_loop3A_500 = tpu.memref_slice %arg5[%parallel_loop3A_499] : memref<107832xf32, #tpu.memory_space<vmem>> -> memref<35944xf32, #tpu.memory_space<vmem>>
        %parallel_loop3A_501 = tpu.vector_load_idx %parallel_loop3A_500[%parallel_loop3A_454] : memref<35944xf32, #tpu.memory_space<vmem>>[vector<16xi32>], vector<16xf32>,
        %parallel_loop3A_502 = arith.mulf %parallel_loop3A_445, %parallel_loop3A_501 : vector<16xf32>
        %parallel_loop3A_503 = arith.addf %parallel_loop3A_488, %parallel_loop3A_502 : vector<16xf32>
        %parallel_loop3A_504 = arith.constant 71888 : i32
        %parallel_loop3A_505 = tpu.memref_slice %arg5[%parallel_loop3A_504] : memref<107832xf32, #tpu.memory_space<vmem>> -> memref<35944xf32, #tpu.memory_space<vmem>>
        %parallel_loop3A_506 = tpu.vector_load_idx %parallel_loop3A_505[%parallel_loop3A_454] : memref<35944xf32, #tpu.memory_space<vmem>>[vector<16xi32>], vector<16xf32>,
        %parallel_loop3A_507 = arith.mulf %parallel_loop3A_445, %parallel_loop3A_506 : vector<16xf32>
        %parallel_loop3A_508 = arith.addf %parallel_loop3A_493, %parallel_loop3A_507 : vector<16xf32>
        %parallel_loop3A_509 = arith.constant 0 : i32
        %parallel_loop3A_510 = tpu.memref_slice %arg5[%parallel_loop3A_509] : memref<107832xf32, #tpu.memory_space<vmem>> -> memref<35944xf32, #tpu.memory_space<vmem>>
        %parallel_loop3A_511 = tpu.vector_load_idx %parallel_loop3A_510[%parallel_loop3A_457] : memref<35944xf32, #tpu.memory_space<vmem>>[vector<16xi32>], vector<16xf32>,
        %parallel_loop3A_512 = arith.mulf %parallel_loop3A_446, %parallel_loop3A_511 : vector<16xf32>
        %parallel_loop3A_513 = arith.addf %parallel_loop3A_498, %parallel_loop3A_512 : vector<16xf32>
        %parallel_loop3A_514 = arith.constant 35944 : i32
        %parallel_loop3A_515 = tpu.memref_slice %arg5[%parallel_loop3A_514] : memref<107832xf32, #tpu.memory_space<vmem>> -> memref<35944xf32, #tpu.memory_space<vmem>>
        %parallel_loop3A_516 = tpu.vector_load_idx %parallel_loop3A_515[%parallel_loop3A_457] : memref<35944xf32, #tpu.memory_space<vmem>>[vector<16xi32>], vector<16xf32>,
        %parallel_loop3A_517 = arith.mulf %parallel_loop3A_446, %parallel_loop3A_516 : vector<16xf32>
        %parallel_loop3A_518 = arith.addf %parallel_loop3A_503, %parallel_loop3A_517 : vector<16xf32>
        %parallel_loop3A_519 = arith.constant 71888 : i32
        %parallel_loop3A_520 = tpu.memref_slice %arg5[%parallel_loop3A_519] : memref<107832xf32, #tpu.memory_space<vmem>> -> memref<35944xf32, #tpu.memory_space<vmem>>
        %parallel_loop3A_521 = tpu.vector_load_idx %parallel_loop3A_520[%parallel_loop3A_457] : memref<35944xf32, #tpu.memory_space<vmem>>[vector<16xi32>], vector<16xf32>,
        %parallel_loop3A_522 = arith.mulf %parallel_loop3A_446, %parallel_loop3A_521 : vector<16xf32>
        %parallel_loop3A_523 = arith.addf %parallel_loop3A_508, %parallel_loop3A_522 : vector<16xf32>
        %parallel_loop3A_524 = arith.constant 0 : i32
        %parallel_loop3A_525 = tpu.memref_slice %arg5[%parallel_loop3A_524] : memref<107832xf32, #tpu.memory_space<vmem>> -> memref<35944xf32, #tpu.memory_space<vmem>>
        %parallel_loop3A_526 = tpu.vector_load_idx %parallel_loop3A_525[%parallel_loop3A_460] : memref<35944xf32, #tpu.memory_space<vmem>>[vector<16xi32>], vector<16xf32>,
        %parallel_loop3A_527 = arith.mulf %parallel_loop3A_447, %parallel_loop3A_526 : vector<16xf32>
        %parallel_loop3A_528 = arith.addf %parallel_loop3A_513, %parallel_loop3A_527 : vector<16xf32>
        %parallel_loop3A_529 = arith.constant 35944 : i32
        %parallel_loop3A_530 = tpu.memref_slice %arg5[%parallel_loop3A_529] : memref<107832xf32, #tpu.memory_space<vmem>> -> memref<35944xf32, #tpu.memory_space<vmem>>
        %parallel_loop3A_531 = tpu.vector_load_idx %parallel_loop3A_530[%parallel_loop3A_460] : memref<35944xf32, #tpu.memory_space<vmem>>[vector<16xi32>], vector<16xf32>,
        %parallel_loop3A_532 = arith.mulf %parallel_loop3A_447, %parallel_loop3A_531 : vector<16xf32>
        %parallel_loop3A_533 = arith.addf %parallel_loop3A_518, %parallel_loop3A_532 : vector<16xf32>
        %parallel_loop3A_534 = arith.constant 71888 : i32
        %parallel_loop3A_535 = tpu.memref_slice %arg5[%parallel_loop3A_534] : memref<107832xf32, #tpu.memory_space<vmem>> -> memref<35944xf32, #tpu.memory_space<vmem>>
        %parallel_loop3A_536 = tpu.vector_load_idx %parallel_loop3A_535[%parallel_loop3A_460] : memref<35944xf32, #tpu.memory_space<vmem>>[vector<16xi32>], vector<16xf32>,
        %parallel_loop3A_537 = arith.mulf %parallel_loop3A_447, %parallel_loop3A_536 : vector<16xf32>
        %parallel_loop3A_538 = arith.addf %parallel_loop3A_523, %parallel_loop3A_537 : vector<16xf32>
        %parallel_loop3A_539 = arith.constant 0 : i32
        %parallel_loop3A_540 = tpu.memref_slice %arg5[%parallel_loop3A_539] : memref<107832xf32, #tpu.memory_space<vmem>> -> memref<35944xf32, #tpu.memory_space<vmem>>
        %parallel_loop3A_541 = tpu.vector_load_idx %parallel_loop3A_540[%parallel_loop3A_463] : memref<35944xf32, #tpu.memory_space<vmem>>[vector<16xi32>], vector<16xf32>,
        %parallel_loop3A_542 = arith.mulf %parallel_loop3A_448, %parallel_loop3A_541 : vector<16xf32>
        %parallel_loop3A_543 = arith.addf %parallel_loop3A_528, %parallel_loop3A_542 : vector<16xf32>
        %parallel_loop3A_544 = arith.constant 35944 : i32
        %parallel_loop3A_545 = tpu.memref_slice %arg5[%parallel_loop3A_544] : memref<107832xf32, #tpu.memory_space<vmem>> -> memref<35944xf32, #tpu.memory_space<vmem>>
        %parallel_loop3A_546 = tpu.vector_load_idx %parallel_loop3A_545[%parallel_loop3A_463] : memref<35944xf32, #tpu.memory_space<vmem>>[vector<16xi32>], vector<16xf32>,
        %parallel_loop3A_547 = arith.mulf %parallel_loop3A_448, %parallel_loop3A_546 : vector<16xf32>
        %parallel_loop3A_548 = arith.addf %parallel_loop3A_533, %parallel_loop3A_547 : vector<16xf32>
        %parallel_loop3A_549 = arith.constant 71888 : i32
        %parallel_loop3A_550 = tpu.memref_slice %arg5[%parallel_loop3A_549] : memref<107832xf32, #tpu.memory_space<vmem>> -> memref<35944xf32, #tpu.memory_space<vmem>>
        %parallel_loop3A_551 = tpu.vector_load_idx %parallel_loop3A_550[%parallel_loop3A_463] : memref<35944xf32, #tpu.memory_space<vmem>>[vector<16xi32>], vector<16xf32>,
        %parallel_loop3A_552 = arith.mulf %parallel_loop3A_448, %parallel_loop3A_551 : vector<16xf32>
        %parallel_loop3A_553 = arith.addf %parallel_loop3A_538, %parallel_loop3A_552 : vector<16xf32>
        %parallel_loop3A_554 = arith.constant 0 : i32
        %parallel_loop3A_555 = tpu.memref_slice %arg5[%parallel_loop3A_554] : memref<107832xf32, #tpu.memory_space<vmem>> -> memref<35944xf32, #tpu.memory_space<vmem>>
        %parallel_loop3A_556 = tpu.vector_load_idx %parallel_loop3A_555[%parallel_loop3A_466] : memref<35944xf32, #tpu.memory_space<vmem>>[vector<16xi32>], vector<16xf32>,
        %parallel_loop3A_557 = arith.mulf %parallel_loop3A_449, %parallel_loop3A_556 : vector<16xf32>
        %parallel_loop3A_558 = arith.addf %parallel_loop3A_543, %parallel_loop3A_557 : vector<16xf32>
        %parallel_loop3A_559 = arith.constant 35944 : i32
        %parallel_loop3A_560 = tpu.memref_slice %arg5[%parallel_loop3A_559] : memref<107832xf32, #tpu.memory_space<vmem>> -> memref<35944xf32, #tpu.memory_space<vmem>>
        %parallel_loop3A_561 = tpu.vector_load_idx %parallel_loop3A_560[%parallel_loop3A_466] : memref<35944xf32, #tpu.memory_space<vmem>>[vector<16xi32>], vector<16xf32>,
        %parallel_loop3A_562 = arith.mulf %parallel_loop3A_449, %parallel_loop3A_561 : vector<16xf32>
        %parallel_loop3A_563 = arith.addf %parallel_loop3A_548, %parallel_loop3A_562 : vector<16xf32>
        %parallel_loop3A_564 = arith.constant 71888 : i32
        %parallel_loop3A_565 = tpu.memref_slice %arg5[%parallel_loop3A_564] : memref<107832xf32, #tpu.memory_space<vmem>> -> memref<35944xf32, #tpu.memory_space<vmem>>
        %parallel_loop3A_566 = tpu.vector_load_idx %parallel_loop3A_565[%parallel_loop3A_466] : memref<35944xf32, #tpu.memory_space<vmem>>[vector<16xi32>], vector<16xf32>,
        %parallel_loop3A_567 = arith.mulf %parallel_loop3A_449, %parallel_loop3A_566 : vector<16xf32>
        %parallel_loop3A_568 = arith.addf %parallel_loop3A_553, %parallel_loop3A_567 : vector<16xf32>
        %parallel_loop3A_569 = arith.constant 0 : i32
        %parallel_loop3A_570 = tpu.memref_slice %arg5[%parallel_loop3A_569] : memref<107832xf32, #tpu.memory_space<vmem>> -> memref<35944xf32, #tpu.memory_space<vmem>>
        %parallel_loop3A_571 = tpu.vector_load_idx %parallel_loop3A_570[%parallel_loop3A_469] : memref<35944xf32, #tpu.memory_space<vmem>>[vector<16xi32>], vector<16xf32>,
        %parallel_loop3A_572 = arith.mulf %parallel_loop3A_450, %parallel_loop3A_571 : vector<16xf32>
        %parallel_loop3A_573 = arith.addf %parallel_loop3A_558, %parallel_loop3A_572 : vector<16xf32>
        %parallel_loop3A_574 = arith.constant 35944 : i32
        %parallel_loop3A_575 = tpu.memref_slice %arg5[%parallel_loop3A_574] : memref<107832xf32, #tpu.memory_space<vmem>> -> memref<35944xf32, #tpu.memory_space<vmem>>
        %parallel_loop3A_576 = tpu.vector_load_idx %parallel_loop3A_575[%parallel_loop3A_469] : memref<35944xf32, #tpu.memory_space<vmem>>[vector<16xi32>], vector<16xf32>,
        %parallel_loop3A_577 = arith.mulf %parallel_loop3A_450, %parallel_loop3A_576 : vector<16xf32>
        %parallel_loop3A_578 = arith.addf %parallel_loop3A_563, %parallel_loop3A_577 : vector<16xf32>
        %parallel_loop3A_579 = arith.constant 71888 : i32
        %parallel_loop3A_580 = tpu.memref_slice %arg5[%parallel_loop3A_579] : memref<107832xf32, #tpu.memory_space<vmem>> -> memref<35944xf32, #tpu.memory_space<vmem>>
        %parallel_loop3A_581 = tpu.vector_load_idx %parallel_loop3A_580[%parallel_loop3A_469] : memref<35944xf32, #tpu.memory_space<vmem>>[vector<16xi32>], vector<16xf32>,
        %parallel_loop3A_582 = arith.mulf %parallel_loop3A_450, %parallel_loop3A_581 : vector<16xf32>
        %parallel_loop3A_583 = arith.addf %parallel_loop3A_568, %parallel_loop3A_582 : vector<16xf32>
        %parallel_loop3A_584 = arith.constant 0 : i32
        %parallel_loop3A_585 = tpu.memref_slice %arg5[%parallel_loop3A_584] : memref<107832xf32, #tpu.memory_space<vmem>> -> memref<35944xf32, #tpu.memory_space<vmem>>
        %parallel_loop3A_586 = tpu.vector_load_idx %parallel_loop3A_585[%parallel_loop3A_472] : memref<35944xf32, #tpu.memory_space<vmem>>[vector<16xi32>], vector<16xf32>,
        %parallel_loop3A_587 = arith.mulf %parallel_loop3A_451, %parallel_loop3A_586 : vector<16xf32>
        %parallel_loop3A_588 = arith.addf %parallel_loop3A_573, %parallel_loop3A_587 : vector<16xf32>
        %parallel_loop3A_589 = arith.constant 35944 : i32
        %parallel_loop3A_590 = tpu.memref_slice %arg5[%parallel_loop3A_589] : memref<107832xf32, #tpu.memory_space<vmem>> -> memref<35944xf32, #tpu.memory_space<vmem>>
        %parallel_loop3A_591 = tpu.vector_load_idx %parallel_loop3A_590[%parallel_loop3A_472] : memref<35944xf32, #tpu.memory_space<vmem>>[vector<16xi32>], vector<16xf32>,
        %parallel_loop3A_592 = arith.mulf %parallel_loop3A_451, %parallel_loop3A_591 : vector<16xf32>
        %parallel_loop3A_593 = arith.addf %parallel_loop3A_578, %parallel_loop3A_592 : vector<16xf32>
        %parallel_loop3A_594 = arith.constant 71888 : i32
        %parallel_loop3A_595 = tpu.memref_slice %arg5[%parallel_loop3A_594] : memref<107832xf32, #tpu.memory_space<vmem>> -> memref<35944xf32, #tpu.memory_space<vmem>>
        %parallel_loop3A_596 = tpu.vector_load_idx %parallel_loop3A_595[%parallel_loop3A_472] : memref<35944xf32, #tpu.memory_space<vmem>>[vector<16xi32>], vector<16xf32>,
        %parallel_loop3A_597 = arith.mulf %parallel_loop3A_451, %parallel_loop3A_596 : vector<16xf32>
        %parallel_loop3A_598 = arith.addf %parallel_loop3A_583, %parallel_loop3A_597 : vector<16xf32>
        %parallel_loop3A_599 = arith.constant 0 : i32
        %parallel_loop3A_600 = arith.constant 1 : i32
        %parallel_loop3A_601 = arith.index_cast %parallel_loop3A_599 : i32 to index
        %parallel_loop3A_602 = arith.index_cast %parallel_loop3A_600 : i32 to index
        %parallel_loop3A_603 = arith.index_cast %parallel_loop3A_156 : i32 to index
        %parallel_loop3A_604 = tpu.vector_load %arg8[%parallel_loop3A_601, %parallel_loop3A_602, %parallel_loop3A_603] {strides = array<i32>} : memref<3x2x512xf32, #tpu.memory_space<vmem>>, vector<16xf32>,
        tpu.vector_store %arg8[%parallel_loop3A_601, %parallel_loop3A_602, %parallel_loop3A_603], %parallel_loop3A_588 {strides = array<i32>} : memref<3x2x512xf32, #tpu.memory_space<vmem>>, vector<16xf32>,
        %parallel_loop3A_605 = arith.constant 1 : i32
        %parallel_loop3A_606 = arith.constant 1 : i32
        %parallel_loop3A_607 = arith.index_cast %parallel_loop3A_605 : i32 to index
        %parallel_loop3A_608 = arith.index_cast %parallel_loop3A_606 : i32 to index
        %parallel_loop3A_609 = arith.index_cast %parallel_loop3A_156 : i32 to index
        %parallel_loop3A_610 = tpu.vector_load %arg8[%parallel_loop3A_607, %parallel_loop3A_608, %parallel_loop3A_609] {strides = array<i32>} : memref<3x2x512xf32, #tpu.memory_space<vmem>>, vector<16xf32>,
        tpu.vector_store %arg8[%parallel_loop3A_607, %parallel_loop3A_608, %parallel_loop3A_609], %parallel_loop3A_593 {strides = array<i32>} : memref<3x2x512xf32, #tpu.memory_space<vmem>>, vector<16xf32>,
        %parallel_loop3A_611 = arith.constant 2 : i32
        %parallel_loop3A_612 = arith.constant 1 : i32
        %parallel_loop3A_613 = arith.index_cast %parallel_loop3A_611 : i32 to index
        %parallel_loop3A_614 = arith.index_cast %parallel_loop3A_612 : i32 to index
        %parallel_loop3A_615 = arith.index_cast %parallel_loop3A_156 : i32 to index
        %parallel_loop3A_616 = tpu.vector_load %arg8[%parallel_loop3A_613, %parallel_loop3A_614, %parallel_loop3A_615] {strides = array<i32>} : memref<3x2x512xf32, #tpu.memory_space<vmem>>, vector<16xf32>,
        tpu.vector_store %arg8[%parallel_loop3A_613, %parallel_loop3A_614, %parallel_loop3A_615], %parallel_loop3A_598 {strides = array<i32>} : memref<3x2x512xf32, #tpu.memory_space<vmem>>, vector<16xf32>,
      } {sc.loop_unroll_factor = 1 : i64, sc.parallel_access}
      %mul3A_98 = arith.constant 2 : i32
      %mul3A_99 = arith.muli %add3A_82, %mul3A_98 : i32
      %add3A_100 = arith.addi %mul3A_32, %mul3A_99 : i32
      %dma_start3A_101 = arith.constant 0 : i32
      %dma_start3A_102 = arith.constant 0 : i32
      %dma_start3A_103 = tpu.memref_slice %arg4[%select_n3A, %dma_start3A_101, %add3A_100, %dma_start3A_102] : memref<8x3x512x512xf32, #tpu.memory_space<hbm>> -> memref<1x3x2x512xf32, #tpu.memory_space<hbm>>
      %dma_start3A_104 = tpu.memref_squeeze %dma_start3A_103 : memref<1x3x2x512xf32, #tpu.memory_space<hbm>> -> memref<3x2x512xf32, #tpu.memory_space<hbm>>
      %dma_start3A_105 = arith.constant 0 : i32
      %dma_start3A_106 = arith.constant 0 : i32
      %dma_start3A_107 = tpu.memref_slice %arg4[%select_n3A, %dma_start3A_105, %add3A_100, %dma_start3A_106] : memref<8x3x512x512xf32, #tpu.memory_space<hbm>> -> memref<1x3x2x512xf32, #tpu.memory_space<hbm>>
      %dma_start3A_108 = tpu.memref_squeeze %dma_start3A_107 : memref<1x3x2x512xf32, #tpu.memory_space<hbm>> -> memref<3x2x512xf32, #tpu.memory_space<hbm>>
      tpu.enqueue_dma source(%arg8 : memref<3x2x512xf32, #tpu.memory_space<vmem>>) target(%dma_start3A_108 : memref<3x2x512xf32, #tpu.memory_space<hbm>>) target_semaphore(%arg13 : memref<!tpu.dma_semaphore, #tpu.memory_space<semaphore_mem>>)
      %lt3A_109 = arith.constant 31 : i32
      %lt3A_110 = arith.cmpi slt, %scan3A_77, %lt3A_109 : i32
      %convert_element_type3A_111 = arith.extui %lt3A_110 : i1 to i32
      %cond3A_112 = arith.constant 0 : i32
      %cond3A_113 = arith.cmpi ne, %convert_element_type3A_111, %cond3A_112 : i32
      scf.if %cond3A_113 {
        %add3A_154 = arith.constant 2 : i32
        %add3A_155 = arith.addi %add3A_82, %add3A_154 : i32
        %mul3A_156 = arith.constant 2 : i32
        %mul3A_157 = arith.muli %add3A_155, %mul3A_156 : i32
        %add3A_158 = arith.addi %mul3A_32, %mul3A_157 : i32
        %dma_start3A_159 = arith.constant 0 : i32
        %dma_start3A_160 = arith.constant 0 : i32
        %dma_start3A_161 = tpu.memref_slice %arg2[%select_n3A, %dma_start3A_159, %add3A_158, %dma_start3A_160] : memref<8x3x512x512xf32, #tpu.memory_space<hbm>> -> memref<1x3x2x512xf32, #tpu.memory_space<hbm>>
        %dma_start3A_162 = tpu.memref_squeeze %dma_start3A_161 : memref<1x3x2x512xf32, #tpu.memory_space<hbm>> -> memref<3x2x512xf32, #tpu.memory_space<hbm>>
        %dma_start3A_163 = arith.constant 0 : i32
        %dma_start3A_164 = arith.constant 0 : i32
        %dma_start3A_165 = tpu.memref_slice %arg2[%select_n3A, %dma_start3A_163, %add3A_158, %dma_start3A_164] : memref<8x3x512x512xf32, #tpu.memory_space<hbm>> -> memref<1x3x2x512xf32, #tpu.memory_space<hbm>>
        %dma_start3A_166 = tpu.memref_squeeze %dma_start3A_165 : memref<1x3x2x512xf32, #tpu.memory_space<hbm>> -> memref<3x2x512xf32, #tpu.memory_space<hbm>>
        tpu.enqueue_dma source(%dma_start3A_166 : memref<3x2x512xf32, #tpu.memory_space<hbm>>) target(%arg6 : memref<3x2x512xf32, #tpu.memory_space<vmem>>) target_semaphore(%arg11 : memref<!tpu.dma_semaphore, #tpu.memory_space<semaphore_mem>>)
      } else {
      }
      %mul3A_114 = arith.constant 2 : i32
      %mul3A_115 = arith.muli %mul3A_114, %scan3A_77 : i32
      %add3A_116 = arith.constant 1 : i32
      %add3A_117 = arith.addi %mul3A_115, %add3A_116 : i32
      %mul3A_118 = arith.constant 2 : i32
      %mul3A_119 = arith.muli %add3A_117, %mul3A_118 : i32
      %add3A_120 = arith.addi %mul3A_32, %mul3A_119 : i32
      %dma_wait3A_121 = arith.constant 0 : i32
      %dma_wait3A_122 = arith.constant 0 : i32
      %dma_wait3A_123 = tpu.memref_slice %arg2[%select_n3A, %dma_wait3A_121, %add3A_120, %dma_wait3A_122] : memref<8x3x512x512xf32, #tpu.memory_space<hbm>> -> memref<1x3x2x512xf32, #tpu.memory_space<hbm>>
      %dma_wait3A_124 = tpu.memref_squeeze %dma_wait3A_123 : memref<1x3x2x512xf32, #tpu.memory_space<hbm>> -> memref<3x2x512xf32, #tpu.memory_space<hbm>>
      %dma_wait3A_125 = arith.constant 0 : i32
      %dma_wait3A_126 = arith.constant 0 : i32
      %dma_wait3A_127 = tpu.memref_slice %arg2[%select_n3A, %dma_wait3A_125, %add3A_120, %dma_wait3A_126] : memref<8x3x512x512xf32, #tpu.memory_space<hbm>> -> memref<1x3x2x512xf32, #tpu.memory_space<hbm>>
      %dma_wait3A_128 = tpu.memref_squeeze %dma_wait3A_127 : memref<1x3x2x512xf32, #tpu.memory_space<hbm>> -> memref<3x2x512xf32, #tpu.memory_space<hbm>>
      tpu.wait_dma2 semaphore(%arg12 : memref<!tpu.dma_semaphore, #tpu.memory_space<semaphore_mem>>) src(%dma_wait3A_128 : memref<3x2x512xf32, #tpu.memory_space<hbm>>) dst(%arg7 : memref<3x2x512xf32, #tpu.memory_space<vmem>>)
      %ge3A_129 = arith.constant 1 : i32
      %ge3A_130 = arith.cmpi sge, %scan3A_77, %ge3A_129 : i32
      %convert_element_type3A_131 = arith.extui %ge3A_130 : i1 to i32
      %cond3A_132 = arith.constant 0 : i32
      %cond3A_133 = arith.cmpi ne, %convert_element_type3A_131, %cond3A_132 : i32
      scf.if %cond3A_133 {
        %sub3A_154 = arith.constant 2 : i32
        %sub3A_155 = arith.subi %add3A_117, %sub3A_154 : i32
        %mul3A_156 = arith.constant 2 : i32
        %mul3A_157 = arith.muli %sub3A_155, %mul3A_156 : i32
        %add3A_158 = arith.addi %mul3A_32, %mul3A_157 : i32
        %dma_wait3A_159 = arith.constant 0 : i32
        %dma_wait3A_160 = arith.constant 0 : i32
        %dma_wait3A_161 = tpu.memref_slice %arg4[%select_n3A, %dma_wait3A_159, %add3A_158, %dma_wait3A_160] : memref<8x3x512x512xf32, #tpu.memory_space<hbm>> -> memref<1x3x2x512xf32, #tpu.memory_space<hbm>>
        %dma_wait3A_162 = tpu.memref_squeeze %dma_wait3A_161 : memref<1x3x2x512xf32, #tpu.memory_space<hbm>> -> memref<3x2x512xf32, #tpu.memory_space<hbm>>
        %dma_wait3A_163 = arith.constant 0 : i32
        %dma_wait3A_164 = arith.constant 0 : i32
        %dma_wait3A_165 = tpu.memref_slice %arg4[%select_n3A, %dma_wait3A_163, %add3A_158, %dma_wait3A_164] : memref<8x3x512x512xf32, #tpu.memory_space<hbm>> -> memref<1x3x2x512xf32, #tpu.memory_space<hbm>>
        %dma_wait3A_166 = tpu.memref_squeeze %dma_wait3A_165 : memref<1x3x2x512xf32, #tpu.memory_space<hbm>> -> memref<3x2x512xf32, #tpu.memory_space<hbm>>
        tpu.wait_dma2 semaphore(%arg14 : memref<!tpu.dma_semaphore, #tpu.memory_space<semaphore_mem>>) src(%arg9 : memref<3x2x512xf32, #tpu.memory_space<vmem>>) dst(%dma_wait3A_166 : memref<3x2x512xf32, #tpu.memory_space<hbm>>)
      } else {
      }
      %parallel_loop3A_134 = arith.constant 0 : i32
      %parallel_loop3A_135 = arith.constant 32 : i32
      %parallel_loop3A_136 = arith.constant 1 : i32
      scf.for %parallel_loop3A_154 = %parallel_loop3A_134 to %parallel_loop3A_135 step %parallel_loop3A_136  : i32 {
        %parallel_loop3A_155 = arith.constant 16 : i32
        %parallel_loop3A_156 = arith.muli %parallel_loop3A_154, %parallel_loop3A_155 : i32
        %parallel_loop3A_157 = arith.constant 0 : i32
        %parallel_loop3A_158 = arith.constant 0 : i32
        %parallel_loop3A_159 = arith.index_cast %parallel_loop3A_157 : i32 to index
        %parallel_loop3A_160 = arith.index_cast %parallel_loop3A_158 : i32 to index
        %parallel_loop3A_161 = arith.index_cast %parallel_loop3A_156 : i32 to index
        %parallel_loop3A_162 = tpu.vector_load %arg7[%parallel_loop3A_159, %parallel_loop3A_160, %parallel_loop3A_161] {strides = array<i32>} : memref<3x2x512xf32, #tpu.memory_space<vmem>>, vector<16xf32>,
        %parallel_loop3A_163 = arith.constant 1 : i32
        %parallel_loop3A_164 = arith.constant 0 : i32
        %parallel_loop3A_165 = arith.index_cast %parallel_loop3A_163 : i32 to index
        %parallel_loop3A_166 = arith.index_cast %parallel_loop3A_164 : i32 to index
        %parallel_loop3A_167 = arith.index_cast %parallel_loop3A_156 : i32 to index
        %parallel_loop3A_168 = tpu.vector_load %arg7[%parallel_loop3A_165, %parallel_loop3A_166, %parallel_loop3A_167] {strides = array<i32>} : memref<3x2x512xf32, #tpu.memory_space<vmem>>, vector<16xf32>,
        %parallel_loop3A_169 = arith.constant 2 : i32
        %parallel_loop3A_170 = arith.constant 0 : i32
        %parallel_loop3A_171 = arith.index_cast %parallel_loop3A_169 : i32 to index
        %parallel_loop3A_172 = arith.index_cast %parallel_loop3A_170 : i32 to index
        %parallel_loop3A_173 = arith.index_cast %parallel_loop3A_156 : i32 to index
        %parallel_loop3A_174 = tpu.vector_load %arg7[%parallel_loop3A_171, %parallel_loop3A_172, %parallel_loop3A_173] {strides = array<i32>} : memref<3x2x512xf32, #tpu.memory_space<vmem>>, vector<16xf32>,
        %parallel_loop3A_175 = arith.constant 3.200000e+01 : f32
        %parallel_loop3A_176 = vector.broadcast %parallel_loop3A_175 : f32 to vector<16xf32>
        %parallel_loop3A_177 = arith.mulf %parallel_loop3A_162, %parallel_loop3A_176 : vector<16xf32>
        %parallel_loop3A_178 = arith.constant 3.200000e+01 : f32
        %parallel_loop3A_179 = vector.broadcast %parallel_loop3A_178 : f32 to vector<16xf32>
        %parallel_loop3A_180 = arith.mulf %parallel_loop3A_168, %parallel_loop3A_179 : vector<16xf32>
        %parallel_loop3A_181 = arith.constant 3.200000e+01 : f32
        %parallel_loop3A_182 = vector.broadcast %parallel_loop3A_181 : f32 to vector<16xf32>
        %parallel_loop3A_183 = arith.mulf %parallel_loop3A_174, %parallel_loop3A_182 : vector<16xf32>
        %parallel_loop3A_184 = arith.fptosi %parallel_loop3A_177 : vector<16xf32> to vector<16xi32>
        %parallel_loop3A_185 = arith.fptosi %parallel_loop3A_180 : vector<16xf32> to vector<16xi32>
        %parallel_loop3A_186 = arith.fptosi %parallel_loop3A_183 : vector<16xf32> to vector<16xi32>
        %parallel_loop3A_187 = arith.sitofp %parallel_loop3A_184 : vector<16xi32> to vector<16xf32>
        %parallel_loop3A_188 = arith.subf %parallel_loop3A_177, %parallel_loop3A_187 : vector<16xf32>
        %parallel_loop3A_189 = arith.sitofp %parallel_loop3A_185 : vector<16xi32> to vector<16xf32>
        %parallel_loop3A_190 = arith.subf %parallel_loop3A_180, %parallel_loop3A_189 : vector<16xf32>
        %parallel_loop3A_191 = arith.sitofp %parallel_loop3A_186 : vector<16xi32> to vector<16xf32>
        %parallel_loop3A_192 = arith.subf %parallel_loop3A_183, %parallel_loop3A_191 : vector<16xf32>
        %parallel_loop3A_193 = arith.constant 33 : i32
        %parallel_loop3A_194 = vector.broadcast %parallel_loop3A_193 : i32 to vector<16xi32>
        %parallel_loop3A_195 = arith.muli %parallel_loop3A_185, %parallel_loop3A_194 : vector<16xi32>
        %parallel_loop3A_196 = arith.addi %parallel_loop3A_184, %parallel_loop3A_195 : vector<16xi32>
        %parallel_loop3A_197 = arith.constant 1089 : i32
        %parallel_loop3A_198 = vector.broadcast %parallel_loop3A_197 : i32 to vector<16xi32>
        %parallel_loop3A_199 = arith.muli %parallel_loop3A_186, %parallel_loop3A_198 : vector<16xi32>
        %parallel_loop3A_200 = arith.addi %parallel_loop3A_196, %parallel_loop3A_199 : vector<16xi32>
        %parallel_loop3A_201 = arith.constant 1.000000e+00 : f32
        %parallel_loop3A_202 = vector.broadcast %parallel_loop3A_201 : f32 to vector<16xf32>
        %parallel_loop3A_203 = arith.subf %parallel_loop3A_202, %parallel_loop3A_188 : vector<16xf32>
        %parallel_loop3A_204 = arith.constant 1.000000e+00 : f32
        %parallel_loop3A_205 = vector.broadcast %parallel_loop3A_204 : f32 to vector<16xf32>
        %parallel_loop3A_206 = arith.subf %parallel_loop3A_205, %parallel_loop3A_190 : vector<16xf32>
        %parallel_loop3A_207 = arith.constant 1.000000e+00 : f32
        %parallel_loop3A_208 = vector.broadcast %parallel_loop3A_207 : f32 to vector<16xf32>
        %parallel_loop3A_209 = arith.subf %parallel_loop3A_208, %parallel_loop3A_192 : vector<16xf32>
        %parallel_loop3A_210 = arith.mulf %parallel_loop3A_203, %parallel_loop3A_206 : vector<16xf32>
        %parallel_loop3A_211 = arith.mulf %parallel_loop3A_188, %parallel_loop3A_206 : vector<16xf32>
        %parallel_loop3A_212 = arith.mulf %parallel_loop3A_203, %parallel_loop3A_190 : vector<16xf32>
        %parallel_loop3A_213 = arith.mulf %parallel_loop3A_188, %parallel_loop3A_190 : vector<16xf32>
        %parallel_loop3A_214 = arith.mulf %parallel_loop3A_210, %parallel_loop3A_209 : vector<16xf32>
        %parallel_loop3A_215 = arith.mulf %parallel_loop3A_211, %parallel_loop3A_209 : vector<16xf32>
        %parallel_loop3A_216 = arith.mulf %parallel_loop3A_212, %parallel_loop3A_209 : vector<16xf32>
        %parallel_loop3A_217 = arith.mulf %parallel_loop3A_213, %parallel_loop3A_209 : vector<16xf32>
        %parallel_loop3A_218 = arith.mulf %parallel_loop3A_210, %parallel_loop3A_192 : vector<16xf32>
        %parallel_loop3A_219 = arith.mulf %parallel_loop3A_211, %parallel_loop3A_192 : vector<16xf32>
        %parallel_loop3A_220 = arith.mulf %parallel_loop3A_212, %parallel_loop3A_192 : vector<16xf32>
        %parallel_loop3A_221 = arith.mulf %parallel_loop3A_213, %parallel_loop3A_192 : vector<16xf32>
        %parallel_loop3A_222 = arith.constant 1 : i32
        %parallel_loop3A_223 = vector.broadcast %parallel_loop3A_222 : i32 to vector<16xi32>
        %parallel_loop3A_224 = arith.addi %parallel_loop3A_200, %parallel_loop3A_223 : vector<16xi32>
        %parallel_loop3A_225 = arith.constant 33 : i32
        %parallel_loop3A_226 = vector.broadcast %parallel_loop3A_225 : i32 to vector<16xi32>
        %parallel_loop3A_227 = arith.addi %parallel_loop3A_200, %parallel_loop3A_226 : vector<16xi32>
        %parallel_loop3A_228 = arith.constant 34 : i32
        %parallel_loop3A_229 = vector.broadcast %parallel_loop3A_228 : i32 to vector<16xi32>
        %parallel_loop3A_230 = arith.addi %parallel_loop3A_200, %parallel_loop3A_229 : vector<16xi32>
        %parallel_loop3A_231 = arith.constant 1089 : i32
        %parallel_loop3A_232 = vector.broadcast %parallel_loop3A_231 : i32 to vector<16xi32>
        %parallel_loop3A_233 = arith.addi %parallel_loop3A_200, %parallel_loop3A_232 : vector<16xi32>
        %parallel_loop3A_234 = arith.constant 1090 : i32
        %parallel_loop3A_235 = vector.broadcast %parallel_loop3A_234 : i32 to vector<16xi32>
        %parallel_loop3A_236 = arith.addi %parallel_loop3A_200, %parallel_loop3A_235 : vector<16xi32>
        %parallel_loop3A_237 = arith.constant 1122 : i32
        %parallel_loop3A_238 = vector.broadcast %parallel_loop3A_237 : i32 to vector<16xi32>
        %parallel_loop3A_239 = arith.addi %parallel_loop3A_200, %parallel_loop3A_238 : vector<16xi32>
        %parallel_loop3A_240 = arith.constant 1123 : i32
        %parallel_loop3A_241 = vector.broadcast %parallel_loop3A_240 : i32 to vector<16xi32>
        %parallel_loop3A_242 = arith.addi %parallel_loop3A_200, %parallel_loop3A_241 : vector<16xi32>
        %parallel_loop3A_243 = arith.constant 0.000000e+00 : f32
        %parallel_loop3A_244 = vector.broadcast %parallel_loop3A_243 : f32 to vector<16xf32>
        %parallel_loop3A_245 = arith.constant 0.000000e+00 : f32
        %parallel_loop3A_246 = vector.broadcast %parallel_loop3A_245 : f32 to vector<16xf32>
        %parallel_loop3A_247 = arith.constant 0.000000e+00 : f32
        %parallel_loop3A_248 = vector.broadcast %parallel_loop3A_247 : f32 to vector<16xf32>
        %parallel_loop3A_249 = arith.constant 0 : i32
        %parallel_loop3A_250 = tpu.memref_slice %arg5[%parallel_loop3A_249] : memref<107832xf32, #tpu.memory_space<vmem>> -> memref<35944xf32, #tpu.memory_space<vmem>>
        %parallel_loop3A_251 = tpu.vector_load_idx %parallel_loop3A_250[%parallel_loop3A_200] : memref<35944xf32, #tpu.memory_space<vmem>>[vector<16xi32>], vector<16xf32>,
        %parallel_loop3A_252 = arith.mulf %parallel_loop3A_214, %parallel_loop3A_251 : vector<16xf32>
        %parallel_loop3A_253 = arith.addf %parallel_loop3A_244, %parallel_loop3A_252 : vector<16xf32>
        %parallel_loop3A_254 = arith.constant 35944 : i32
        %parallel_loop3A_255 = tpu.memref_slice %arg5[%parallel_loop3A_254] : memref<107832xf32, #tpu.memory_space<vmem>> -> memref<35944xf32, #tpu.memory_space<vmem>>
        %parallel_loop3A_256 = tpu.vector_load_idx %parallel_loop3A_255[%parallel_loop3A_200] : memref<35944xf32, #tpu.memory_space<vmem>>[vector<16xi32>], vector<16xf32>,
        %parallel_loop3A_257 = arith.mulf %parallel_loop3A_214, %parallel_loop3A_256 : vector<16xf32>
        %parallel_loop3A_258 = arith.addf %parallel_loop3A_246, %parallel_loop3A_257 : vector<16xf32>
        %parallel_loop3A_259 = arith.constant 71888 : i32
        %parallel_loop3A_260 = tpu.memref_slice %arg5[%parallel_loop3A_259] : memref<107832xf32, #tpu.memory_space<vmem>> -> memref<35944xf32, #tpu.memory_space<vmem>>
        %parallel_loop3A_261 = tpu.vector_load_idx %parallel_loop3A_260[%parallel_loop3A_200] : memref<35944xf32, #tpu.memory_space<vmem>>[vector<16xi32>], vector<16xf32>,
        %parallel_loop3A_262 = arith.mulf %parallel_loop3A_214, %parallel_loop3A_261 : vector<16xf32>
        %parallel_loop3A_263 = arith.addf %parallel_loop3A_248, %parallel_loop3A_262 : vector<16xf32>
        %parallel_loop3A_264 = arith.constant 0 : i32
        %parallel_loop3A_265 = tpu.memref_slice %arg5[%parallel_loop3A_264] : memref<107832xf32, #tpu.memory_space<vmem>> -> memref<35944xf32, #tpu.memory_space<vmem>>
        %parallel_loop3A_266 = tpu.vector_load_idx %parallel_loop3A_265[%parallel_loop3A_224] : memref<35944xf32, #tpu.memory_space<vmem>>[vector<16xi32>], vector<16xf32>,
        %parallel_loop3A_267 = arith.mulf %parallel_loop3A_215, %parallel_loop3A_266 : vector<16xf32>
        %parallel_loop3A_268 = arith.addf %parallel_loop3A_253, %parallel_loop3A_267 : vector<16xf32>
        %parallel_loop3A_269 = arith.constant 35944 : i32
        %parallel_loop3A_270 = tpu.memref_slice %arg5[%parallel_loop3A_269] : memref<107832xf32, #tpu.memory_space<vmem>> -> memref<35944xf32, #tpu.memory_space<vmem>>
        %parallel_loop3A_271 = tpu.vector_load_idx %parallel_loop3A_270[%parallel_loop3A_224] : memref<35944xf32, #tpu.memory_space<vmem>>[vector<16xi32>], vector<16xf32>,
        %parallel_loop3A_272 = arith.mulf %parallel_loop3A_215, %parallel_loop3A_271 : vector<16xf32>
        %parallel_loop3A_273 = arith.addf %parallel_loop3A_258, %parallel_loop3A_272 : vector<16xf32>
        %parallel_loop3A_274 = arith.constant 71888 : i32
        %parallel_loop3A_275 = tpu.memref_slice %arg5[%parallel_loop3A_274] : memref<107832xf32, #tpu.memory_space<vmem>> -> memref<35944xf32, #tpu.memory_space<vmem>>
        %parallel_loop3A_276 = tpu.vector_load_idx %parallel_loop3A_275[%parallel_loop3A_224] : memref<35944xf32, #tpu.memory_space<vmem>>[vector<16xi32>], vector<16xf32>,
        %parallel_loop3A_277 = arith.mulf %parallel_loop3A_215, %parallel_loop3A_276 : vector<16xf32>
        %parallel_loop3A_278 = arith.addf %parallel_loop3A_263, %parallel_loop3A_277 : vector<16xf32>
        %parallel_loop3A_279 = arith.constant 0 : i32
        %parallel_loop3A_280 = tpu.memref_slice %arg5[%parallel_loop3A_279] : memref<107832xf32, #tpu.memory_space<vmem>> -> memref<35944xf32, #tpu.memory_space<vmem>>
        %parallel_loop3A_281 = tpu.vector_load_idx %parallel_loop3A_280[%parallel_loop3A_227] : memref<35944xf32, #tpu.memory_space<vmem>>[vector<16xi32>], vector<16xf32>,
        %parallel_loop3A_282 = arith.mulf %parallel_loop3A_216, %parallel_loop3A_281 : vector<16xf32>
        %parallel_loop3A_283 = arith.addf %parallel_loop3A_268, %parallel_loop3A_282 : vector<16xf32>
        %parallel_loop3A_284 = arith.constant 35944 : i32
        %parallel_loop3A_285 = tpu.memref_slice %arg5[%parallel_loop3A_284] : memref<107832xf32, #tpu.memory_space<vmem>> -> memref<35944xf32, #tpu.memory_space<vmem>>
        %parallel_loop3A_286 = tpu.vector_load_idx %parallel_loop3A_285[%parallel_loop3A_227] : memref<35944xf32, #tpu.memory_space<vmem>>[vector<16xi32>], vector<16xf32>,
        %parallel_loop3A_287 = arith.mulf %parallel_loop3A_216, %parallel_loop3A_286 : vector<16xf32>
        %parallel_loop3A_288 = arith.addf %parallel_loop3A_273, %parallel_loop3A_287 : vector<16xf32>
        %parallel_loop3A_289 = arith.constant 71888 : i32
        %parallel_loop3A_290 = tpu.memref_slice %arg5[%parallel_loop3A_289] : memref<107832xf32, #tpu.memory_space<vmem>> -> memref<35944xf32, #tpu.memory_space<vmem>>
        %parallel_loop3A_291 = tpu.vector_load_idx %parallel_loop3A_290[%parallel_loop3A_227] : memref<35944xf32, #tpu.memory_space<vmem>>[vector<16xi32>], vector<16xf32>,
        %parallel_loop3A_292 = arith.mulf %parallel_loop3A_216, %parallel_loop3A_291 : vector<16xf32>
        %parallel_loop3A_293 = arith.addf %parallel_loop3A_278, %parallel_loop3A_292 : vector<16xf32>
        %parallel_loop3A_294 = arith.constant 0 : i32
        %parallel_loop3A_295 = tpu.memref_slice %arg5[%parallel_loop3A_294] : memref<107832xf32, #tpu.memory_space<vmem>> -> memref<35944xf32, #tpu.memory_space<vmem>>
        %parallel_loop3A_296 = tpu.vector_load_idx %parallel_loop3A_295[%parallel_loop3A_230] : memref<35944xf32, #tpu.memory_space<vmem>>[vector<16xi32>], vector<16xf32>,
        %parallel_loop3A_297 = arith.mulf %parallel_loop3A_217, %parallel_loop3A_296 : vector<16xf32>
        %parallel_loop3A_298 = arith.addf %parallel_loop3A_283, %parallel_loop3A_297 : vector<16xf32>
        %parallel_loop3A_299 = arith.constant 35944 : i32
        %parallel_loop3A_300 = tpu.memref_slice %arg5[%parallel_loop3A_299] : memref<107832xf32, #tpu.memory_space<vmem>> -> memref<35944xf32, #tpu.memory_space<vmem>>
        %parallel_loop3A_301 = tpu.vector_load_idx %parallel_loop3A_300[%parallel_loop3A_230] : memref<35944xf32, #tpu.memory_space<vmem>>[vector<16xi32>], vector<16xf32>,
        %parallel_loop3A_302 = arith.mulf %parallel_loop3A_217, %parallel_loop3A_301 : vector<16xf32>
        %parallel_loop3A_303 = arith.addf %parallel_loop3A_288, %parallel_loop3A_302 : vector<16xf32>
        %parallel_loop3A_304 = arith.constant 71888 : i32
        %parallel_loop3A_305 = tpu.memref_slice %arg5[%parallel_loop3A_304] : memref<107832xf32, #tpu.memory_space<vmem>> -> memref<35944xf32, #tpu.memory_space<vmem>>
        %parallel_loop3A_306 = tpu.vector_load_idx %parallel_loop3A_305[%parallel_loop3A_230] : memref<35944xf32, #tpu.memory_space<vmem>>[vector<16xi32>], vector<16xf32>,
        %parallel_loop3A_307 = arith.mulf %parallel_loop3A_217, %parallel_loop3A_306 : vector<16xf32>
        %parallel_loop3A_308 = arith.addf %parallel_loop3A_293, %parallel_loop3A_307 : vector<16xf32>
        %parallel_loop3A_309 = arith.constant 0 : i32
        %parallel_loop3A_310 = tpu.memref_slice %arg5[%parallel_loop3A_309] : memref<107832xf32, #tpu.memory_space<vmem>> -> memref<35944xf32, #tpu.memory_space<vmem>>
        %parallel_loop3A_311 = tpu.vector_load_idx %parallel_loop3A_310[%parallel_loop3A_233] : memref<35944xf32, #tpu.memory_space<vmem>>[vector<16xi32>], vector<16xf32>,
        %parallel_loop3A_312 = arith.mulf %parallel_loop3A_218, %parallel_loop3A_311 : vector<16xf32>
        %parallel_loop3A_313 = arith.addf %parallel_loop3A_298, %parallel_loop3A_312 : vector<16xf32>
        %parallel_loop3A_314 = arith.constant 35944 : i32
        %parallel_loop3A_315 = tpu.memref_slice %arg5[%parallel_loop3A_314] : memref<107832xf32, #tpu.memory_space<vmem>> -> memref<35944xf32, #tpu.memory_space<vmem>>
        %parallel_loop3A_316 = tpu.vector_load_idx %parallel_loop3A_315[%parallel_loop3A_233] : memref<35944xf32, #tpu.memory_space<vmem>>[vector<16xi32>], vector<16xf32>,
        %parallel_loop3A_317 = arith.mulf %parallel_loop3A_218, %parallel_loop3A_316 : vector<16xf32>
        %parallel_loop3A_318 = arith.addf %parallel_loop3A_303, %parallel_loop3A_317 : vector<16xf32>
        %parallel_loop3A_319 = arith.constant 71888 : i32
        %parallel_loop3A_320 = tpu.memref_slice %arg5[%parallel_loop3A_319] : memref<107832xf32, #tpu.memory_space<vmem>> -> memref<35944xf32, #tpu.memory_space<vmem>>
        %parallel_loop3A_321 = tpu.vector_load_idx %parallel_loop3A_320[%parallel_loop3A_233] : memref<35944xf32, #tpu.memory_space<vmem>>[vector<16xi32>], vector<16xf32>,
        %parallel_loop3A_322 = arith.mulf %parallel_loop3A_218, %parallel_loop3A_321 : vector<16xf32>
        %parallel_loop3A_323 = arith.addf %parallel_loop3A_308, %parallel_loop3A_322 : vector<16xf32>
        %parallel_loop3A_324 = arith.constant 0 : i32
        %parallel_loop3A_325 = tpu.memref_slice %arg5[%parallel_loop3A_324] : memref<107832xf32, #tpu.memory_space<vmem>> -> memref<35944xf32, #tpu.memory_space<vmem>>
        %parallel_loop3A_326 = tpu.vector_load_idx %parallel_loop3A_325[%parallel_loop3A_236] : memref<35944xf32, #tpu.memory_space<vmem>>[vector<16xi32>], vector<16xf32>,
        %parallel_loop3A_327 = arith.mulf %parallel_loop3A_219, %parallel_loop3A_326 : vector<16xf32>
        %parallel_loop3A_328 = arith.addf %parallel_loop3A_313, %parallel_loop3A_327 : vector<16xf32>
        %parallel_loop3A_329 = arith.constant 35944 : i32
        %parallel_loop3A_330 = tpu.memref_slice %arg5[%parallel_loop3A_329] : memref<107832xf32, #tpu.memory_space<vmem>> -> memref<35944xf32, #tpu.memory_space<vmem>>
        %parallel_loop3A_331 = tpu.vector_load_idx %parallel_loop3A_330[%parallel_loop3A_236] : memref<35944xf32, #tpu.memory_space<vmem>>[vector<16xi32>], vector<16xf32>,
        %parallel_loop3A_332 = arith.mulf %parallel_loop3A_219, %parallel_loop3A_331 : vector<16xf32>
        %parallel_loop3A_333 = arith.addf %parallel_loop3A_318, %parallel_loop3A_332 : vector<16xf32>
        %parallel_loop3A_334 = arith.constant 71888 : i32
        %parallel_loop3A_335 = tpu.memref_slice %arg5[%parallel_loop3A_334] : memref<107832xf32, #tpu.memory_space<vmem>> -> memref<35944xf32, #tpu.memory_space<vmem>>
        %parallel_loop3A_336 = tpu.vector_load_idx %parallel_loop3A_335[%parallel_loop3A_236] : memref<35944xf32, #tpu.memory_space<vmem>>[vector<16xi32>], vector<16xf32>,
        %parallel_loop3A_337 = arith.mulf %parallel_loop3A_219, %parallel_loop3A_336 : vector<16xf32>
        %parallel_loop3A_338 = arith.addf %parallel_loop3A_323, %parallel_loop3A_337 : vector<16xf32>
        %parallel_loop3A_339 = arith.constant 0 : i32
        %parallel_loop3A_340 = tpu.memref_slice %arg5[%parallel_loop3A_339] : memref<107832xf32, #tpu.memory_space<vmem>> -> memref<35944xf32, #tpu.memory_space<vmem>>
        %parallel_loop3A_341 = tpu.vector_load_idx %parallel_loop3A_340[%parallel_loop3A_239] : memref<35944xf32, #tpu.memory_space<vmem>>[vector<16xi32>], vector<16xf32>,
        %parallel_loop3A_342 = arith.mulf %parallel_loop3A_220, %parallel_loop3A_341 : vector<16xf32>
        %parallel_loop3A_343 = arith.addf %parallel_loop3A_328, %parallel_loop3A_342 : vector<16xf32>
        %parallel_loop3A_344 = arith.constant 35944 : i32
        %parallel_loop3A_345 = tpu.memref_slice %arg5[%parallel_loop3A_344] : memref<107832xf32, #tpu.memory_space<vmem>> -> memref<35944xf32, #tpu.memory_space<vmem>>
        %parallel_loop3A_346 = tpu.vector_load_idx %parallel_loop3A_345[%parallel_loop3A_239] : memref<35944xf32, #tpu.memory_space<vmem>>[vector<16xi32>], vector<16xf32>,
        %parallel_loop3A_347 = arith.mulf %parallel_loop3A_220, %parallel_loop3A_346 : vector<16xf32>
        %parallel_loop3A_348 = arith.addf %parallel_loop3A_333, %parallel_loop3A_347 : vector<16xf32>
        %parallel_loop3A_349 = arith.constant 71888 : i32
        %parallel_loop3A_350 = tpu.memref_slice %arg5[%parallel_loop3A_349] : memref<107832xf32, #tpu.memory_space<vmem>> -> memref<35944xf32, #tpu.memory_space<vmem>>
        %parallel_loop3A_351 = tpu.vector_load_idx %parallel_loop3A_350[%parallel_loop3A_239] : memref<35944xf32, #tpu.memory_space<vmem>>[vector<16xi32>], vector<16xf32>,
        %parallel_loop3A_352 = arith.mulf %parallel_loop3A_220, %parallel_loop3A_351 : vector<16xf32>
        %parallel_loop3A_353 = arith.addf %parallel_loop3A_338, %parallel_loop3A_352 : vector<16xf32>
        %parallel_loop3A_354 = arith.constant 0 : i32
        %parallel_loop3A_355 = tpu.memref_slice %arg5[%parallel_loop3A_354] : memref<107832xf32, #tpu.memory_space<vmem>> -> memref<35944xf32, #tpu.memory_space<vmem>>
        %parallel_loop3A_356 = tpu.vector_load_idx %parallel_loop3A_355[%parallel_loop3A_242] : memref<35944xf32, #tpu.memory_space<vmem>>[vector<16xi32>], vector<16xf32>,
        %parallel_loop3A_357 = arith.mulf %parallel_loop3A_221, %parallel_loop3A_356 : vector<16xf32>
        %parallel_loop3A_358 = arith.addf %parallel_loop3A_343, %parallel_loop3A_357 : vector<16xf32>
        %parallel_loop3A_359 = arith.constant 35944 : i32
        %parallel_loop3A_360 = tpu.memref_slice %arg5[%parallel_loop3A_359] : memref<107832xf32, #tpu.memory_space<vmem>> -> memref<35944xf32, #tpu.memory_space<vmem>>
        %parallel_loop3A_361 = tpu.vector_load_idx %parallel_loop3A_360[%parallel_loop3A_242] : memref<35944xf32, #tpu.memory_space<vmem>>[vector<16xi32>], vector<16xf32>,
        %parallel_loop3A_362 = arith.mulf %parallel_loop3A_221, %parallel_loop3A_361 : vector<16xf32>
        %parallel_loop3A_363 = arith.addf %parallel_loop3A_348, %parallel_loop3A_362 : vector<16xf32>
        %parallel_loop3A_364 = arith.constant 71888 : i32
        %parallel_loop3A_365 = tpu.memref_slice %arg5[%parallel_loop3A_364] : memref<107832xf32, #tpu.memory_space<vmem>> -> memref<35944xf32, #tpu.memory_space<vmem>>
        %parallel_loop3A_366 = tpu.vector_load_idx %parallel_loop3A_365[%parallel_loop3A_242] : memref<35944xf32, #tpu.memory_space<vmem>>[vector<16xi32>], vector<16xf32>,
        %parallel_loop3A_367 = arith.mulf %parallel_loop3A_221, %parallel_loop3A_366 : vector<16xf32>
        %parallel_loop3A_368 = arith.addf %parallel_loop3A_353, %parallel_loop3A_367 : vector<16xf32>
        %parallel_loop3A_369 = arith.constant 0 : i32
        %parallel_loop3A_370 = arith.constant 0 : i32
        %parallel_loop3A_371 = arith.index_cast %parallel_loop3A_369 : i32 to index
        %parallel_loop3A_372 = arith.index_cast %parallel_loop3A_370 : i32 to index
        %parallel_loop3A_373 = arith.index_cast %parallel_loop3A_156 : i32 to index
        %parallel_loop3A_374 = tpu.vector_load %arg9[%parallel_loop3A_371, %parallel_loop3A_372, %parallel_loop3A_373] {strides = array<i32>} : memref<3x2x512xf32, #tpu.memory_space<vmem>>, vector<16xf32>,
        tpu.vector_store %arg9[%parallel_loop3A_371, %parallel_loop3A_372, %parallel_loop3A_373], %parallel_loop3A_358 {strides = array<i32>} : memref<3x2x512xf32, #tpu.memory_space<vmem>>, vector<16xf32>,
        %parallel_loop3A_375 = arith.constant 1 : i32
        %parallel_loop3A_376 = arith.constant 0 : i32
        %parallel_loop3A_377 = arith.index_cast %parallel_loop3A_375 : i32 to index
        %parallel_loop3A_378 = arith.index_cast %parallel_loop3A_376 : i32 to index
        %parallel_loop3A_379 = arith.index_cast %parallel_loop3A_156 : i32 to index
        %parallel_loop3A_380 = tpu.vector_load %arg9[%parallel_loop3A_377, %parallel_loop3A_378, %parallel_loop3A_379] {strides = array<i32>} : memref<3x2x512xf32, #tpu.memory_space<vmem>>, vector<16xf32>,
        tpu.vector_store %arg9[%parallel_loop3A_377, %parallel_loop3A_378, %parallel_loop3A_379], %parallel_loop3A_363 {strides = array<i32>} : memref<3x2x512xf32, #tpu.memory_space<vmem>>, vector<16xf32>,
        %parallel_loop3A_381 = arith.constant 2 : i32
        %parallel_loop3A_382 = arith.constant 0 : i32
        %parallel_loop3A_383 = arith.index_cast %parallel_loop3A_381 : i32 to index
        %parallel_loop3A_384 = arith.index_cast %parallel_loop3A_382 : i32 to index
        %parallel_loop3A_385 = arith.index_cast %parallel_loop3A_156 : i32 to index
        %parallel_loop3A_386 = tpu.vector_load %arg9[%parallel_loop3A_383, %parallel_loop3A_384, %parallel_loop3A_385] {strides = array<i32>} : memref<3x2x512xf32, #tpu.memory_space<vmem>>, vector<16xf32>,
        tpu.vector_store %arg9[%parallel_loop3A_383, %parallel_loop3A_384, %parallel_loop3A_385], %parallel_loop3A_368 {strides = array<i32>} : memref<3x2x512xf32, #tpu.memory_space<vmem>>, vector<16xf32>,
        %parallel_loop3A_387 = arith.constant 0 : i32
        %parallel_loop3A_388 = arith.constant 1 : i32
        %parallel_loop3A_389 = arith.index_cast %parallel_loop3A_387 : i32 to index
        %parallel_loop3A_390 = arith.index_cast %parallel_loop3A_388 : i32 to index
        %parallel_loop3A_391 = arith.index_cast %parallel_loop3A_156 : i32 to index
        %parallel_loop3A_392 = tpu.vector_load %arg7[%parallel_loop3A_389, %parallel_loop3A_390, %parallel_loop3A_391] {strides = array<i32>} : memref<3x2x512xf32, #tpu.memory_space<vmem>>, vector<16xf32>,
        %parallel_loop3A_393 = arith.constant 1 : i32
        %parallel_loop3A_394 = arith.constant 1 : i32
        %parallel_loop3A_395 = arith.index_cast %parallel_loop3A_393 : i32 to index
        %parallel_loop3A_396 = arith.index_cast %parallel_loop3A_394 : i32 to index
        %parallel_loop3A_397 = arith.index_cast %parallel_loop3A_156 : i32 to index
        %parallel_loop3A_398 = tpu.vector_load %arg7[%parallel_loop3A_395, %parallel_loop3A_396, %parallel_loop3A_397] {strides = array<i32>} : memref<3x2x512xf32, #tpu.memory_space<vmem>>, vector<16xf32>,
        %parallel_loop3A_399 = arith.constant 2 : i32
        %parallel_loop3A_400 = arith.constant 1 : i32
        %parallel_loop3A_401 = arith.index_cast %parallel_loop3A_399 : i32 to index
        %parallel_loop3A_402 = arith.index_cast %parallel_loop3A_400 : i32 to index
        %parallel_loop3A_403 = arith.index_cast %parallel_loop3A_156 : i32 to index
        %parallel_loop3A_404 = tpu.vector_load %arg7[%parallel_loop3A_401, %parallel_loop3A_402, %parallel_loop3A_403] {strides = array<i32>} : memref<3x2x512xf32, #tpu.memory_space<vmem>>, vector<16xf32>,
        %parallel_loop3A_405 = arith.constant 3.200000e+01 : f32
        %parallel_loop3A_406 = vector.broadcast %parallel_loop3A_405 : f32 to vector<16xf32>
        %parallel_loop3A_407 = arith.mulf %parallel_loop3A_392, %parallel_loop3A_406 : vector<16xf32>
        %parallel_loop3A_408 = arith.constant 3.200000e+01 : f32
        %parallel_loop3A_409 = vector.broadcast %parallel_loop3A_408 : f32 to vector<16xf32>
        %parallel_loop3A_410 = arith.mulf %parallel_loop3A_398, %parallel_loop3A_409 : vector<16xf32>
        %parallel_loop3A_411 = arith.constant 3.200000e+01 : f32
        %parallel_loop3A_412 = vector.broadcast %parallel_loop3A_411 : f32 to vector<16xf32>
        %parallel_loop3A_413 = arith.mulf %parallel_loop3A_404, %parallel_loop3A_412 : vector<16xf32>
        %parallel_loop3A_414 = arith.fptosi %parallel_loop3A_407 : vector<16xf32> to vector<16xi32>
        %parallel_loop3A_415 = arith.fptosi %parallel_loop3A_410 : vector<16xf32> to vector<16xi32>
        %parallel_loop3A_416 = arith.fptosi %parallel_loop3A_413 : vector<16xf32> to vector<16xi32>
        %parallel_loop3A_417 = arith.sitofp %parallel_loop3A_414 : vector<16xi32> to vector<16xf32>
        %parallel_loop3A_418 = arith.subf %parallel_loop3A_407, %parallel_loop3A_417 : vector<16xf32>
        %parallel_loop3A_419 = arith.sitofp %parallel_loop3A_415 : vector<16xi32> to vector<16xf32>
        %parallel_loop3A_420 = arith.subf %parallel_loop3A_410, %parallel_loop3A_419 : vector<16xf32>
        %parallel_loop3A_421 = arith.sitofp %parallel_loop3A_416 : vector<16xi32> to vector<16xf32>
        %parallel_loop3A_422 = arith.subf %parallel_loop3A_413, %parallel_loop3A_421 : vector<16xf32>
        %parallel_loop3A_423 = arith.constant 33 : i32
        %parallel_loop3A_424 = vector.broadcast %parallel_loop3A_423 : i32 to vector<16xi32>
        %parallel_loop3A_425 = arith.muli %parallel_loop3A_415, %parallel_loop3A_424 : vector<16xi32>
        %parallel_loop3A_426 = arith.addi %parallel_loop3A_414, %parallel_loop3A_425 : vector<16xi32>
        %parallel_loop3A_427 = arith.constant 1089 : i32
        %parallel_loop3A_428 = vector.broadcast %parallel_loop3A_427 : i32 to vector<16xi32>
        %parallel_loop3A_429 = arith.muli %parallel_loop3A_416, %parallel_loop3A_428 : vector<16xi32>
        %parallel_loop3A_430 = arith.addi %parallel_loop3A_426, %parallel_loop3A_429 : vector<16xi32>
        %parallel_loop3A_431 = arith.constant 1.000000e+00 : f32
        %parallel_loop3A_432 = vector.broadcast %parallel_loop3A_431 : f32 to vector<16xf32>
        %parallel_loop3A_433 = arith.subf %parallel_loop3A_432, %parallel_loop3A_418 : vector<16xf32>
        %parallel_loop3A_434 = arith.constant 1.000000e+00 : f32
        %parallel_loop3A_435 = vector.broadcast %parallel_loop3A_434 : f32 to vector<16xf32>
        %parallel_loop3A_436 = arith.subf %parallel_loop3A_435, %parallel_loop3A_420 : vector<16xf32>
        %parallel_loop3A_437 = arith.constant 1.000000e+00 : f32
        %parallel_loop3A_438 = vector.broadcast %parallel_loop3A_437 : f32 to vector<16xf32>
        %parallel_loop3A_439 = arith.subf %parallel_loop3A_438, %parallel_loop3A_422 : vector<16xf32>
        %parallel_loop3A_440 = arith.mulf %parallel_loop3A_433, %parallel_loop3A_436 : vector<16xf32>
        %parallel_loop3A_441 = arith.mulf %parallel_loop3A_418, %parallel_loop3A_436 : vector<16xf32>
        %parallel_loop3A_442 = arith.mulf %parallel_loop3A_433, %parallel_loop3A_420 : vector<16xf32>
        %parallel_loop3A_443 = arith.mulf %parallel_loop3A_418, %parallel_loop3A_420 : vector<16xf32>
        %parallel_loop3A_444 = arith.mulf %parallel_loop3A_440, %parallel_loop3A_439 : vector<16xf32>
        %parallel_loop3A_445 = arith.mulf %parallel_loop3A_441, %parallel_loop3A_439 : vector<16xf32>
        %parallel_loop3A_446 = arith.mulf %parallel_loop3A_442, %parallel_loop3A_439 : vector<16xf32>
        %parallel_loop3A_447 = arith.mulf %parallel_loop3A_443, %parallel_loop3A_439 : vector<16xf32>
        %parallel_loop3A_448 = arith.mulf %parallel_loop3A_440, %parallel_loop3A_422 : vector<16xf32>
        %parallel_loop3A_449 = arith.mulf %parallel_loop3A_441, %parallel_loop3A_422 : vector<16xf32>
        %parallel_loop3A_450 = arith.mulf %parallel_loop3A_442, %parallel_loop3A_422 : vector<16xf32>
        %parallel_loop3A_451 = arith.mulf %parallel_loop3A_443, %parallel_loop3A_422 : vector<16xf32>
        %parallel_loop3A_452 = arith.constant 1 : i32
        %parallel_loop3A_453 = vector.broadcast %parallel_loop3A_452 : i32 to vector<16xi32>
        %parallel_loop3A_454 = arith.addi %parallel_loop3A_430, %parallel_loop3A_453 : vector<16xi32>
        %parallel_loop3A_455 = arith.constant 33 : i32
        %parallel_loop3A_456 = vector.broadcast %parallel_loop3A_455 : i32 to vector<16xi32>
        %parallel_loop3A_457 = arith.addi %parallel_loop3A_430, %parallel_loop3A_456 : vector<16xi32>
        %parallel_loop3A_458 = arith.constant 34 : i32
        %parallel_loop3A_459 = vector.broadcast %parallel_loop3A_458 : i32 to vector<16xi32>
        %parallel_loop3A_460 = arith.addi %parallel_loop3A_430, %parallel_loop3A_459 : vector<16xi32>
        %parallel_loop3A_461 = arith.constant 1089 : i32
        %parallel_loop3A_462 = vector.broadcast %parallel_loop3A_461 : i32 to vector<16xi32>
        %parallel_loop3A_463 = arith.addi %parallel_loop3A_430, %parallel_loop3A_462 : vector<16xi32>
        %parallel_loop3A_464 = arith.constant 1090 : i32
        %parallel_loop3A_465 = vector.broadcast %parallel_loop3A_464 : i32 to vector<16xi32>
        %parallel_loop3A_466 = arith.addi %parallel_loop3A_430, %parallel_loop3A_465 : vector<16xi32>
        %parallel_loop3A_467 = arith.constant 1122 : i32
        %parallel_loop3A_468 = vector.broadcast %parallel_loop3A_467 : i32 to vector<16xi32>
        %parallel_loop3A_469 = arith.addi %parallel_loop3A_430, %parallel_loop3A_468 : vector<16xi32>
        %parallel_loop3A_470 = arith.constant 1123 : i32
        %parallel_loop3A_471 = vector.broadcast %parallel_loop3A_470 : i32 to vector<16xi32>
        %parallel_loop3A_472 = arith.addi %parallel_loop3A_430, %parallel_loop3A_471 : vector<16xi32>
        %parallel_loop3A_473 = arith.constant 0.000000e+00 : f32
        %parallel_loop3A_474 = vector.broadcast %parallel_loop3A_473 : f32 to vector<16xf32>
        %parallel_loop3A_475 = arith.constant 0.000000e+00 : f32
        %parallel_loop3A_476 = vector.broadcast %parallel_loop3A_475 : f32 to vector<16xf32>
        %parallel_loop3A_477 = arith.constant 0.000000e+00 : f32
        %parallel_loop3A_478 = vector.broadcast %parallel_loop3A_477 : f32 to vector<16xf32>
        %parallel_loop3A_479 = arith.constant 0 : i32
        %parallel_loop3A_480 = tpu.memref_slice %arg5[%parallel_loop3A_479] : memref<107832xf32, #tpu.memory_space<vmem>> -> memref<35944xf32, #tpu.memory_space<vmem>>
        %parallel_loop3A_481 = tpu.vector_load_idx %parallel_loop3A_480[%parallel_loop3A_430] : memref<35944xf32, #tpu.memory_space<vmem>>[vector<16xi32>], vector<16xf32>,
        %parallel_loop3A_482 = arith.mulf %parallel_loop3A_444, %parallel_loop3A_481 : vector<16xf32>
        %parallel_loop3A_483 = arith.addf %parallel_loop3A_474, %parallel_loop3A_482 : vector<16xf32>
        %parallel_loop3A_484 = arith.constant 35944 : i32
        %parallel_loop3A_485 = tpu.memref_slice %arg5[%parallel_loop3A_484] : memref<107832xf32, #tpu.memory_space<vmem>> -> memref<35944xf32, #tpu.memory_space<vmem>>
        %parallel_loop3A_486 = tpu.vector_load_idx %parallel_loop3A_485[%parallel_loop3A_430] : memref<35944xf32, #tpu.memory_space<vmem>>[vector<16xi32>], vector<16xf32>,
        %parallel_loop3A_487 = arith.mulf %parallel_loop3A_444, %parallel_loop3A_486 : vector<16xf32>
        %parallel_loop3A_488 = arith.addf %parallel_loop3A_476, %parallel_loop3A_487 : vector<16xf32>
        %parallel_loop3A_489 = arith.constant 71888 : i32
        %parallel_loop3A_490 = tpu.memref_slice %arg5[%parallel_loop3A_489] : memref<107832xf32, #tpu.memory_space<vmem>> -> memref<35944xf32, #tpu.memory_space<vmem>>
        %parallel_loop3A_491 = tpu.vector_load_idx %parallel_loop3A_490[%parallel_loop3A_430] : memref<35944xf32, #tpu.memory_space<vmem>>[vector<16xi32>], vector<16xf32>,
        %parallel_loop3A_492 = arith.mulf %parallel_loop3A_444, %parallel_loop3A_491 : vector<16xf32>
        %parallel_loop3A_493 = arith.addf %parallel_loop3A_478, %parallel_loop3A_492 : vector<16xf32>
        %parallel_loop3A_494 = arith.constant 0 : i32
        %parallel_loop3A_495 = tpu.memref_slice %arg5[%parallel_loop3A_494] : memref<107832xf32, #tpu.memory_space<vmem>> -> memref<35944xf32, #tpu.memory_space<vmem>>
        %parallel_loop3A_496 = tpu.vector_load_idx %parallel_loop3A_495[%parallel_loop3A_454] : memref<35944xf32, #tpu.memory_space<vmem>>[vector<16xi32>], vector<16xf32>,
        %parallel_loop3A_497 = arith.mulf %parallel_loop3A_445, %parallel_loop3A_496 : vector<16xf32>
        %parallel_loop3A_498 = arith.addf %parallel_loop3A_483, %parallel_loop3A_497 : vector<16xf32>
        %parallel_loop3A_499 = arith.constant 35944 : i32
        %parallel_loop3A_500 = tpu.memref_slice %arg5[%parallel_loop3A_499] : memref<107832xf32, #tpu.memory_space<vmem>> -> memref<35944xf32, #tpu.memory_space<vmem>>
        %parallel_loop3A_501 = tpu.vector_load_idx %parallel_loop3A_500[%parallel_loop3A_454] : memref<35944xf32, #tpu.memory_space<vmem>>[vector<16xi32>], vector<16xf32>,
        %parallel_loop3A_502 = arith.mulf %parallel_loop3A_445, %parallel_loop3A_501 : vector<16xf32>
        %parallel_loop3A_503 = arith.addf %parallel_loop3A_488, %parallel_loop3A_502 : vector<16xf32>
        %parallel_loop3A_504 = arith.constant 71888 : i32
        %parallel_loop3A_505 = tpu.memref_slice %arg5[%parallel_loop3A_504] : memref<107832xf32, #tpu.memory_space<vmem>> -> memref<35944xf32, #tpu.memory_space<vmem>>
        %parallel_loop3A_506 = tpu.vector_load_idx %parallel_loop3A_505[%parallel_loop3A_454] : memref<35944xf32, #tpu.memory_space<vmem>>[vector<16xi32>], vector<16xf32>,
        %parallel_loop3A_507 = arith.mulf %parallel_loop3A_445, %parallel_loop3A_506 : vector<16xf32>
        %parallel_loop3A_508 = arith.addf %parallel_loop3A_493, %parallel_loop3A_507 : vector<16xf32>
        %parallel_loop3A_509 = arith.constant 0 : i32
        %parallel_loop3A_510 = tpu.memref_slice %arg5[%parallel_loop3A_509] : memref<107832xf32, #tpu.memory_space<vmem>> -> memref<35944xf32, #tpu.memory_space<vmem>>
        %parallel_loop3A_511 = tpu.vector_load_idx %parallel_loop3A_510[%parallel_loop3A_457] : memref<35944xf32, #tpu.memory_space<vmem>>[vector<16xi32>], vector<16xf32>,
        %parallel_loop3A_512 = arith.mulf %parallel_loop3A_446, %parallel_loop3A_511 : vector<16xf32>
        %parallel_loop3A_513 = arith.addf %parallel_loop3A_498, %parallel_loop3A_512 : vector<16xf32>
        %parallel_loop3A_514 = arith.constant 35944 : i32
        %parallel_loop3A_515 = tpu.memref_slice %arg5[%parallel_loop3A_514] : memref<107832xf32, #tpu.memory_space<vmem>> -> memref<35944xf32, #tpu.memory_space<vmem>>
        %parallel_loop3A_516 = tpu.vector_load_idx %parallel_loop3A_515[%parallel_loop3A_457] : memref<35944xf32, #tpu.memory_space<vmem>>[vector<16xi32>], vector<16xf32>,
        %parallel_loop3A_517 = arith.mulf %parallel_loop3A_446, %parallel_loop3A_516 : vector<16xf32>
        %parallel_loop3A_518 = arith.addf %parallel_loop3A_503, %parallel_loop3A_517 : vector<16xf32>
        %parallel_loop3A_519 = arith.constant 71888 : i32
        %parallel_loop3A_520 = tpu.memref_slice %arg5[%parallel_loop3A_519] : memref<107832xf32, #tpu.memory_space<vmem>> -> memref<35944xf32, #tpu.memory_space<vmem>>
        %parallel_loop3A_521 = tpu.vector_load_idx %parallel_loop3A_520[%parallel_loop3A_457] : memref<35944xf32, #tpu.memory_space<vmem>>[vector<16xi32>], vector<16xf32>,
        %parallel_loop3A_522 = arith.mulf %parallel_loop3A_446, %parallel_loop3A_521 : vector<16xf32>
        %parallel_loop3A_523 = arith.addf %parallel_loop3A_508, %parallel_loop3A_522 : vector<16xf32>
        %parallel_loop3A_524 = arith.constant 0 : i32
        %parallel_loop3A_525 = tpu.memref_slice %arg5[%parallel_loop3A_524] : memref<107832xf32, #tpu.memory_space<vmem>> -> memref<35944xf32, #tpu.memory_space<vmem>>
        %parallel_loop3A_526 = tpu.vector_load_idx %parallel_loop3A_525[%parallel_loop3A_460] : memref<35944xf32, #tpu.memory_space<vmem>>[vector<16xi32>], vector<16xf32>,
        %parallel_loop3A_527 = arith.mulf %parallel_loop3A_447, %parallel_loop3A_526 : vector<16xf32>
        %parallel_loop3A_528 = arith.addf %parallel_loop3A_513, %parallel_loop3A_527 : vector<16xf32>
        %parallel_loop3A_529 = arith.constant 35944 : i32
        %parallel_loop3A_530 = tpu.memref_slice %arg5[%parallel_loop3A_529] : memref<107832xf32, #tpu.memory_space<vmem>> -> memref<35944xf32, #tpu.memory_space<vmem>>
        %parallel_loop3A_531 = tpu.vector_load_idx %parallel_loop3A_530[%parallel_loop3A_460] : memref<35944xf32, #tpu.memory_space<vmem>>[vector<16xi32>], vector<16xf32>,
        %parallel_loop3A_532 = arith.mulf %parallel_loop3A_447, %parallel_loop3A_531 : vector<16xf32>
        %parallel_loop3A_533 = arith.addf %parallel_loop3A_518, %parallel_loop3A_532 : vector<16xf32>
        %parallel_loop3A_534 = arith.constant 71888 : i32
        %parallel_loop3A_535 = tpu.memref_slice %arg5[%parallel_loop3A_534] : memref<107832xf32, #tpu.memory_space<vmem>> -> memref<35944xf32, #tpu.memory_space<vmem>>
        %parallel_loop3A_536 = tpu.vector_load_idx %parallel_loop3A_535[%parallel_loop3A_460] : memref<35944xf32, #tpu.memory_space<vmem>>[vector<16xi32>], vector<16xf32>,
        %parallel_loop3A_537 = arith.mulf %parallel_loop3A_447, %parallel_loop3A_536 : vector<16xf32>
        %parallel_loop3A_538 = arith.addf %parallel_loop3A_523, %parallel_loop3A_537 : vector<16xf32>
        %parallel_loop3A_539 = arith.constant 0 : i32
        %parallel_loop3A_540 = tpu.memref_slice %arg5[%parallel_loop3A_539] : memref<107832xf32, #tpu.memory_space<vmem>> -> memref<35944xf32, #tpu.memory_space<vmem>>
        %parallel_loop3A_541 = tpu.vector_load_idx %parallel_loop3A_540[%parallel_loop3A_463] : memref<35944xf32, #tpu.memory_space<vmem>>[vector<16xi32>], vector<16xf32>,
        %parallel_loop3A_542 = arith.mulf %parallel_loop3A_448, %parallel_loop3A_541 : vector<16xf32>
        %parallel_loop3A_543 = arith.addf %parallel_loop3A_528, %parallel_loop3A_542 : vector<16xf32>
        %parallel_loop3A_544 = arith.constant 35944 : i32
        %parallel_loop3A_545 = tpu.memref_slice %arg5[%parallel_loop3A_544] : memref<107832xf32, #tpu.memory_space<vmem>> -> memref<35944xf32, #tpu.memory_space<vmem>>
        %parallel_loop3A_546 = tpu.vector_load_idx %parallel_loop3A_545[%parallel_loop3A_463] : memref<35944xf32, #tpu.memory_space<vmem>>[vector<16xi32>], vector<16xf32>,
        %parallel_loop3A_547 = arith.mulf %parallel_loop3A_448, %parallel_loop3A_546 : vector<16xf32>
        %parallel_loop3A_548 = arith.addf %parallel_loop3A_533, %parallel_loop3A_547 : vector<16xf32>
        %parallel_loop3A_549 = arith.constant 71888 : i32
        %parallel_loop3A_550 = tpu.memref_slice %arg5[%parallel_loop3A_549] : memref<107832xf32, #tpu.memory_space<vmem>> -> memref<35944xf32, #tpu.memory_space<vmem>>
        %parallel_loop3A_551 = tpu.vector_load_idx %parallel_loop3A_550[%parallel_loop3A_463] : memref<35944xf32, #tpu.memory_space<vmem>>[vector<16xi32>], vector<16xf32>,
        %parallel_loop3A_552 = arith.mulf %parallel_loop3A_448, %parallel_loop3A_551 : vector<16xf32>
        %parallel_loop3A_553 = arith.addf %parallel_loop3A_538, %parallel_loop3A_552 : vector<16xf32>
        %parallel_loop3A_554 = arith.constant 0 : i32
        %parallel_loop3A_555 = tpu.memref_slice %arg5[%parallel_loop3A_554] : memref<107832xf32, #tpu.memory_space<vmem>> -> memref<35944xf32, #tpu.memory_space<vmem>>
        %parallel_loop3A_556 = tpu.vector_load_idx %parallel_loop3A_555[%parallel_loop3A_466] : memref<35944xf32, #tpu.memory_space<vmem>>[vector<16xi32>], vector<16xf32>,
        %parallel_loop3A_557 = arith.mulf %parallel_loop3A_449, %parallel_loop3A_556 : vector<16xf32>
        %parallel_loop3A_558 = arith.addf %parallel_loop3A_543, %parallel_loop3A_557 : vector<16xf32>
        %parallel_loop3A_559 = arith.constant 35944 : i32
        %parallel_loop3A_560 = tpu.memref_slice %arg5[%parallel_loop3A_559] : memref<107832xf32, #tpu.memory_space<vmem>> -> memref<35944xf32, #tpu.memory_space<vmem>>
        %parallel_loop3A_561 = tpu.vector_load_idx %parallel_loop3A_560[%parallel_loop3A_466] : memref<35944xf32, #tpu.memory_space<vmem>>[vector<16xi32>], vector<16xf32>,
        %parallel_loop3A_562 = arith.mulf %parallel_loop3A_449, %parallel_loop3A_561 : vector<16xf32>
        %parallel_loop3A_563 = arith.addf %parallel_loop3A_548, %parallel_loop3A_562 : vector<16xf32>
        %parallel_loop3A_564 = arith.constant 71888 : i32
        %parallel_loop3A_565 = tpu.memref_slice %arg5[%parallel_loop3A_564] : memref<107832xf32, #tpu.memory_space<vmem>> -> memref<35944xf32, #tpu.memory_space<vmem>>
        %parallel_loop3A_566 = tpu.vector_load_idx %parallel_loop3A_565[%parallel_loop3A_466] : memref<35944xf32, #tpu.memory_space<vmem>>[vector<16xi32>], vector<16xf32>,
        %parallel_loop3A_567 = arith.mulf %parallel_loop3A_449, %parallel_loop3A_566 : vector<16xf32>
        %parallel_loop3A_568 = arith.addf %parallel_loop3A_553, %parallel_loop3A_567 : vector<16xf32>
        %parallel_loop3A_569 = arith.constant 0 : i32
        %parallel_loop3A_570 = tpu.memref_slice %arg5[%parallel_loop3A_569] : memref<107832xf32, #tpu.memory_space<vmem>> -> memref<35944xf32, #tpu.memory_space<vmem>>
        %parallel_loop3A_571 = tpu.vector_load_idx %parallel_loop3A_570[%parallel_loop3A_469] : memref<35944xf32, #tpu.memory_space<vmem>>[vector<16xi32>], vector<16xf32>,
        %parallel_loop3A_572 = arith.mulf %parallel_loop3A_450, %parallel_loop3A_571 : vector<16xf32>
        %parallel_loop3A_573 = arith.addf %parallel_loop3A_558, %parallel_loop3A_572 : vector<16xf32>
        %parallel_loop3A_574 = arith.constant 35944 : i32
        %parallel_loop3A_575 = tpu.memref_slice %arg5[%parallel_loop3A_574] : memref<107832xf32, #tpu.memory_space<vmem>> -> memref<35944xf32, #tpu.memory_space<vmem>>
        %parallel_loop3A_576 = tpu.vector_load_idx %parallel_loop3A_575[%parallel_loop3A_469] : memref<35944xf32, #tpu.memory_space<vmem>>[vector<16xi32>], vector<16xf32>,
        %parallel_loop3A_577 = arith.mulf %parallel_loop3A_450, %parallel_loop3A_576 : vector<16xf32>
        %parallel_loop3A_578 = arith.addf %parallel_loop3A_563, %parallel_loop3A_577 : vector<16xf32>
        %parallel_loop3A_579 = arith.constant 71888 : i32
        %parallel_loop3A_580 = tpu.memref_slice %arg5[%parallel_loop3A_579] : memref<107832xf32, #tpu.memory_space<vmem>> -> memref<35944xf32, #tpu.memory_space<vmem>>
        %parallel_loop3A_581 = tpu.vector_load_idx %parallel_loop3A_580[%parallel_loop3A_469] : memref<35944xf32, #tpu.memory_space<vmem>>[vector<16xi32>], vector<16xf32>,
        %parallel_loop3A_582 = arith.mulf %parallel_loop3A_450, %parallel_loop3A_581 : vector<16xf32>
        %parallel_loop3A_583 = arith.addf %parallel_loop3A_568, %parallel_loop3A_582 : vector<16xf32>
        %parallel_loop3A_584 = arith.constant 0 : i32
        %parallel_loop3A_585 = tpu.memref_slice %arg5[%parallel_loop3A_584] : memref<107832xf32, #tpu.memory_space<vmem>> -> memref<35944xf32, #tpu.memory_space<vmem>>
        %parallel_loop3A_586 = tpu.vector_load_idx %parallel_loop3A_585[%parallel_loop3A_472] : memref<35944xf32, #tpu.memory_space<vmem>>[vector<16xi32>], vector<16xf32>,
        %parallel_loop3A_587 = arith.mulf %parallel_loop3A_451, %parallel_loop3A_586 : vector<16xf32>
        %parallel_loop3A_588 = arith.addf %parallel_loop3A_573, %parallel_loop3A_587 : vector<16xf32>
        %parallel_loop3A_589 = arith.constant 35944 : i32
        %parallel_loop3A_590 = tpu.memref_slice %arg5[%parallel_loop3A_589] : memref<107832xf32, #tpu.memory_space<vmem>> -> memref<35944xf32, #tpu.memory_space<vmem>>
        %parallel_loop3A_591 = tpu.vector_load_idx %parallel_loop3A_590[%parallel_loop3A_472] : memref<35944xf32, #tpu.memory_space<vmem>>[vector<16xi32>], vector<16xf32>,
        %parallel_loop3A_592 = arith.mulf %parallel_loop3A_451, %parallel_loop3A_591 : vector<16xf32>
        %parallel_loop3A_593 = arith.addf %parallel_loop3A_578, %parallel_loop3A_592 : vector<16xf32>
        %parallel_loop3A_594 = arith.constant 71888 : i32
        %parallel_loop3A_595 = tpu.memref_slice %arg5[%parallel_loop3A_594] : memref<107832xf32, #tpu.memory_space<vmem>> -> memref<35944xf32, #tpu.memory_space<vmem>>
        %parallel_loop3A_596 = tpu.vector_load_idx %parallel_loop3A_595[%parallel_loop3A_472] : memref<35944xf32, #tpu.memory_space<vmem>>[vector<16xi32>], vector<16xf32>,
        %parallel_loop3A_597 = arith.mulf %parallel_loop3A_451, %parallel_loop3A_596 : vector<16xf32>
        %parallel_loop3A_598 = arith.addf %parallel_loop3A_583, %parallel_loop3A_597 : vector<16xf32>
        %parallel_loop3A_599 = arith.constant 0 : i32
        %parallel_loop3A_600 = arith.constant 1 : i32
        %parallel_loop3A_601 = arith.index_cast %parallel_loop3A_599 : i32 to index
        %parallel_loop3A_602 = arith.index_cast %parallel_loop3A_600 : i32 to index
        %parallel_loop3A_603 = arith.index_cast %parallel_loop3A_156 : i32 to index
        %parallel_loop3A_604 = tpu.vector_load %arg9[%parallel_loop3A_601, %parallel_loop3A_602, %parallel_loop3A_603] {strides = array<i32>} : memref<3x2x512xf32, #tpu.memory_space<vmem>>, vector<16xf32>,
        tpu.vector_store %arg9[%parallel_loop3A_601, %parallel_loop3A_602, %parallel_loop3A_603], %parallel_loop3A_588 {strides = array<i32>} : memref<3x2x512xf32, #tpu.memory_space<vmem>>, vector<16xf32>,
        %parallel_loop3A_605 = arith.constant 1 : i32
        %parallel_loop3A_606 = arith.constant 1 : i32
        %parallel_loop3A_607 = arith.index_cast %parallel_loop3A_605 : i32 to index
        %parallel_loop3A_608 = arith.index_cast %parallel_loop3A_606 : i32 to index
        %parallel_loop3A_609 = arith.index_cast %parallel_loop3A_156 : i32 to index
        %parallel_loop3A_610 = tpu.vector_load %arg9[%parallel_loop3A_607, %parallel_loop3A_608, %parallel_loop3A_609] {strides = array<i32>} : memref<3x2x512xf32, #tpu.memory_space<vmem>>, vector<16xf32>,
        tpu.vector_store %arg9[%parallel_loop3A_607, %parallel_loop3A_608, %parallel_loop3A_609], %parallel_loop3A_593 {strides = array<i32>} : memref<3x2x512xf32, #tpu.memory_space<vmem>>, vector<16xf32>,
        %parallel_loop3A_611 = arith.constant 2 : i32
        %parallel_loop3A_612 = arith.constant 1 : i32
        %parallel_loop3A_613 = arith.index_cast %parallel_loop3A_611 : i32 to index
        %parallel_loop3A_614 = arith.index_cast %parallel_loop3A_612 : i32 to index
        %parallel_loop3A_615 = arith.index_cast %parallel_loop3A_156 : i32 to index
        %parallel_loop3A_616 = tpu.vector_load %arg9[%parallel_loop3A_613, %parallel_loop3A_614, %parallel_loop3A_615] {strides = array<i32>} : memref<3x2x512xf32, #tpu.memory_space<vmem>>, vector<16xf32>,
        tpu.vector_store %arg9[%parallel_loop3A_613, %parallel_loop3A_614, %parallel_loop3A_615], %parallel_loop3A_598 {strides = array<i32>} : memref<3x2x512xf32, #tpu.memory_space<vmem>>, vector<16xf32>,
      } {sc.loop_unroll_factor = 1 : i64, sc.parallel_access}
      %mul3A_137 = arith.constant 2 : i32
      %mul3A_138 = arith.muli %add3A_117, %mul3A_137 : i32
      %add3A_139 = arith.addi %mul3A_32, %mul3A_138 : i32
      %dma_start3A_140 = arith.constant 0 : i32
      %dma_start3A_141 = arith.constant 0 : i32
      %dma_start3A_142 = tpu.memref_slice %arg4[%select_n3A, %dma_start3A_140, %add3A_139, %dma_start3A_141] : memref<8x3x512x512xf32, #tpu.memory_space<hbm>> -> memref<1x3x2x512xf32, #tpu.memory_space<hbm>>
      %dma_start3A_143 = tpu.memref_squeeze %dma_start3A_142 : memref<1x3x2x512xf32, #tpu.memory_space<hbm>> -> memref<3x2x512xf32, #tpu.memory_space<hbm>>
      %dma_start3A_144 = arith.constant 0 : i32
      %dma_start3A_145 = arith.constant 0 : i32
      %dma_start3A_146 = tpu.memref_slice %arg4[%select_n3A, %dma_start3A_144, %add3A_139, %dma_start3A_145] : memref<8x3x512x512xf32, #tpu.memory_space<hbm>> -> memref<1x3x2x512xf32, #tpu.memory_space<hbm>>
      %dma_start3A_147 = tpu.memref_squeeze %dma_start3A_146 : memref<1x3x2x512xf32, #tpu.memory_space<hbm>> -> memref<3x2x512xf32, #tpu.memory_space<hbm>>
      tpu.enqueue_dma source(%arg9 : memref<3x2x512xf32, #tpu.memory_space<vmem>>) target(%dma_start3A_147 : memref<3x2x512xf32, #tpu.memory_space<hbm>>) target_semaphore(%arg14 : memref<!tpu.dma_semaphore, #tpu.memory_space<semaphore_mem>>)
      %lt3A_148 = arith.constant 31 : i32
      %lt3A_149 = arith.cmpi slt, %scan3A_77, %lt3A_148 : i32
      %convert_element_type3A_150 = arith.extui %lt3A_149 : i1 to i32
      %cond3A_151 = arith.constant 0 : i32
      %cond3A_152 = arith.cmpi ne, %convert_element_type3A_150, %cond3A_151 : i32
      scf.if %cond3A_152 {
        %add3A_154 = arith.constant 2 : i32
        %add3A_155 = arith.addi %add3A_117, %add3A_154 : i32
        %mul3A_156 = arith.constant 2 : i32
        %mul3A_157 = arith.muli %add3A_155, %mul3A_156 : i32
        %add3A_158 = arith.addi %mul3A_32, %mul3A_157 : i32
        %dma_start3A_159 = arith.constant 0 : i32
        %dma_start3A_160 = arith.constant 0 : i32
        %dma_start3A_161 = tpu.memref_slice %arg2[%select_n3A, %dma_start3A_159, %add3A_158, %dma_start3A_160] : memref<8x3x512x512xf32, #tpu.memory_space<hbm>> -> memref<1x3x2x512xf32, #tpu.memory_space<hbm>>
        %dma_start3A_162 = tpu.memref_squeeze %dma_start3A_161 : memref<1x3x2x512xf32, #tpu.memory_space<hbm>> -> memref<3x2x512xf32, #tpu.memory_space<hbm>>
        %dma_start3A_163 = arith.constant 0 : i32
        %dma_start3A_164 = arith.constant 0 : i32
        %dma_start3A_165 = tpu.memref_slice %arg2[%select_n3A, %dma_start3A_163, %add3A_158, %dma_start3A_164] : memref<8x3x512x512xf32, #tpu.memory_space<hbm>> -> memref<1x3x2x512xf32, #tpu.memory_space<hbm>>
        %dma_start3A_166 = tpu.memref_squeeze %dma_start3A_165 : memref<1x3x2x512xf32, #tpu.memory_space<hbm>> -> memref<3x2x512xf32, #tpu.memory_space<hbm>>
        tpu.enqueue_dma source(%dma_start3A_166 : memref<3x2x512xf32, #tpu.memory_space<hbm>>) target(%arg7 : memref<3x2x512xf32, #tpu.memory_space<vmem>>) target_semaphore(%arg12 : memref<!tpu.dma_semaphore, #tpu.memory_space<semaphore_mem>>)
      } else {
      }
      %scan3A_153 = arith.constant 0 : i32
      scf.yield %scan3A_153 : i32
    }
    %scan3A_57 = arith.constant 32 : i32
    %add3A_58 = arith.constant 124 : i32
    %add3A_59 = arith.addi %mul3A_32, %add3A_58 : i32
    %dma_wait3A = arith.constant 0 : i32
    %dma_wait3A_60 = arith.constant 0 : i32
    %dma_wait3A_61 = tpu.memref_slice %arg4[%select_n3A, %dma_wait3A, %add3A_59, %dma_wait3A_60] : memref<8x3x512x512xf32, #tpu.memory_space<hbm>> -> memref<1x3x2x512xf32, #tpu.memory_space<hbm>>
    %dma_wait3A_62 = tpu.memref_squeeze %dma_wait3A_61 : memref<1x3x2x512xf32, #tpu.memory_space<hbm>> -> memref<3x2x512xf32, #tpu.memory_space<hbm>>
    %dma_wait3A_63 = arith.constant 0 : i32
    %dma_wait3A_64 = arith.constant 0 : i32
    %dma_wait3A_65 = tpu.memref_slice %arg4[%select_n3A, %dma_wait3A_63, %add3A_59, %dma_wait3A_64] : memref<8x3x512x512xf32, #tpu.memory_space<hbm>> -> memref<1x3x2x512xf32, #tpu.memory_space<hbm>>
    %dma_wait3A_66 = tpu.memref_squeeze %dma_wait3A_65 : memref<1x3x2x512xf32, #tpu.memory_space<hbm>> -> memref<3x2x512xf32, #tpu.memory_space<hbm>>
    tpu.wait_dma2 semaphore(%arg13 : memref<!tpu.dma_semaphore, #tpu.memory_space<semaphore_mem>>) src(%arg8 : memref<3x2x512xf32, #tpu.memory_space<vmem>>) dst(%dma_wait3A_66 : memref<3x2x512xf32, #tpu.memory_space<hbm>>)
    %add3A_67 = arith.constant 126 : i32
    %add3A_68 = arith.addi %mul3A_32, %add3A_67 : i32
    %dma_wait3A_69 = arith.constant 0 : i32
    %dma_wait3A_70 = arith.constant 0 : i32
    %dma_wait3A_71 = tpu.memref_slice %arg4[%select_n3A, %dma_wait3A_69, %add3A_68, %dma_wait3A_70] : memref<8x3x512x512xf32, #tpu.memory_space<hbm>> -> memref<1x3x2x512xf32, #tpu.memory_space<hbm>>
    %dma_wait3A_72 = tpu.memref_squeeze %dma_wait3A_71 : memref<1x3x2x512xf32, #tpu.memory_space<hbm>> -> memref<3x2x512xf32, #tpu.memory_space<hbm>>
    %dma_wait3A_73 = arith.constant 0 : i32
    %dma_wait3A_74 = arith.constant 0 : i32
    %dma_wait3A_75 = tpu.memref_slice %arg4[%select_n3A, %dma_wait3A_73, %add3A_68, %dma_wait3A_74] : memref<8x3x512x512xf32, #tpu.memory_space<hbm>> -> memref<1x3x2x512xf32, #tpu.memory_space<hbm>>
    %dma_wait3A_76 = tpu.memref_squeeze %dma_wait3A_75 : memref<1x3x2x512xf32, #tpu.memory_space<hbm>> -> memref<3x2x512xf32, #tpu.memory_space<hbm>>
    tpu.wait_dma2 semaphore(%arg14 : memref<!tpu.dma_semaphore, #tpu.memory_space<semaphore_mem>>) src(%arg9 : memref<3x2x512xf32, #tpu.memory_space<vmem>>) dst(%dma_wait3A_76 : memref<3x2x512xf32, #tpu.memory_space<hbm>>)
    return
  }
}

</mosaic_0001>

<sc_bundles>
// kernel: kernel.3.cloned.1.call-start
scs
__scs_entry_jumppad:
0x0: {  	(pc) =	sbr.rel $0x88, $3  }
0x1: {  	(tag) =	ssettag $0x0;
	lr =	simm.s32 $0x1  }
0x2: {  	[smem:$0x3F9F] =	sst lr;
	_ =	strace $0xD0000000  }
0x3: {  	_ = 	snop  }
0x4: {  	_ = 	snop  }
0x5: {  	_ = 	snop  }
0x6: {  	_ = 	snop  }
0x7: {  	_ = 	snop  }
__scs_overlays_trampoline_lowered:
0x8: {  	[smem:$0x3FAE] =	sst s0  }
0x9: {  	[smem:$0x3FAF] =	sst s1  }
0xa: {  	[smem:$0x3FB0] =	sst s2  }
0xb: {  	[smem:$0x3FB1] =	sst s3  }
0xc: {  	[smem:$0x3FB2] =	sst s4  }
0xd: {  	[smem:$0x3FB3] =	sst s5  }
0xe: {  	[smem:$0x3FB4] =	sst s6  }
0xf: {  	[smem:$0x3FB5] =	sst s7  }
0x10: {  	[smem:$0x3FB6] =	sst s8  }
0x11: {  	[smem:$0x3FB7] =	sst s9;
	s0 =	simm.s32 @!p0 $0x0  }
0x12: {  	s1 =	sld [smem:$0x3F9D];
	s0 =	simm.s32 @p0 $0x1  }
0x13: {  	[smem:$0x3FB8] =	sst s0;
	s0 =	simm.s32 @!p1 $0x0  }
0x14: {  	s2 =	sld [smem:$0x3F9C];
	s0 =	simm.s32 @p1 $0x1  }
0x15: {  	[smem:$0x3FB9] =	sst s0;
	s0 =	simm.s32 @!p2 $0x0  }
0x16: {  	s3 =	sld [smem:$0x3FDB];
	s0 =	simm.s32 @p2 $0x1  }
0x17: {  	s4 =	simm.s32 $0x1BF5;
	[smem:$0x3FBB] =	sst s0  }
0x18: {  	s0 =	sld [smem:$0x3F9E];
	_ =	swait.ge [sflag:s4], $0x0  }
0x19: {  	s7 =	sld [smem:$0x3F9F]  }
0x1a: {  	s8 =	sadd.s32 $0xFFFFE003, lr  }
0x1b: {  	s9 =	sadd.s32 $0xFFFFFEF7, lr;
	s5 =	simm.s32 $0xFFFFFFFF;
	p2 =	slt.u32 s8, $0xFFFFF086  }
0x1c: {  	p1 =	slt.u32 s9, $0xF7A;
	s5 =	simm.s32 @!p2 $0x0  }
0x1d: {  	s5 =	simm.s32 @p1 $0x1;
	p0 =	seq.s32 s7, s2  }
0x1e: {  	s7 =	smul.u32 @!p0 $0xF7A, s2;
	p2 =	seq.s32 @!p0 s5, $0x0  }
0x1f: {  	s9 =	smul.u32 $0xF7A, s1;
	s8 =	simm.s32 @!p0 $0x1BF5;
	p2 =	por !p2, p0  }
0x20: {  	[sflag:s8] =	ssyncset.s32 @!p0 $0xFFFFF086;
	s6 =	sadd.s32 @!p0 s3, s7;
	s7 =	simm.s32 @!p0 $0x108  }
0x21: {  	s3 =	sadd.s32 s3, s9;
	s6 =	sadd.s32 @!p0 $0x88, s6;
	s7 =	simm.s32 @p2 $0x1082  }
0x22: {  	[simem:s7], [sflag:s8] =	dma.local @!p0 [hbm:s6], $0xF7A  }
0x23: {  	s9 =	sor.u32 $0xD0000000, s2;
	s6 =	simm.s32 $0x108;
	_ =	swait.ge @!p0 [sflag:s8], $0x0  }
0x24: {  	s3 =	sadd.s32 $0x88, s3;
	s6 =	simm.s32 @!p1 $0x1082;
	[sflag:s4] =	ssyncset.s32 $0xFFFFF086  }
0x25: {  	[simem:s6], [sflag:s4] =	dma.local [hbm:s3], $0xF7A  }
0x26: {  	[smem:$0x3F9F] =	sst s1;
	(tag) =	ssettag s2;
	_ =	strace s9  }
0x27: {  	s1 =	sld [smem:$0x3FAF]  }
0x28: {  	s2 =	sld [smem:$0x3FB0]  }
0x29: {  	s4 =	sld [smem:$0x3FB2]  }
0x2a: {  	p0 =	seq.s32 s5, $0x0;
	s5 =	sld [smem:$0x3FB3]  }
0x2b: {  	s6 =	sld [smem:$0x3FB4]  }
0x2c: {  	s7 =	sld [smem:$0x3FB5]  }
0x2d: {  	s3 =	simm.s32 $0x108;
	s8 =	sld [smem:$0x3FB6]  }
0x2e: {  	s3 =	simm.s32 @!p0 $0x1082;
	s9 =	sld [smem:$0x3FB7]  }
0x2f: {  	lr =	sadd.s32 s0, s3;
	s0 =	sld [smem:$0x3FAE]  }
0x30: {  	s3 =	sld [smem:$0x3FB1]  }
0x31: {  	[smem:$0x3FBA] =	sst s10  }
0x32: {  	s10 =	sld [smem:$0x3FB8];
	_ =	sdelay $0x3  }
0x33: {  	p0 =	seq.s32 s10, $0x1;
	s10 =	sld [smem:$0x3FBA];
	_ =	sdelay $0x3  }
0x34: {  	[smem:$0x3FBA] =	sst s10  }
0x35: {  	s10 =	sld [smem:$0x3FB9];
	_ =	sdelay $0x3  }
0x36: {  	p1 =	seq.s32 s10, $0x1;
	s10 =	sld [smem:$0x3FBA];
	_ =	sdelay $0x3  }
0x37: {  	[smem:$0x3FBA] =	sst s10  }
0x38: {  	s10 =	sld [smem:$0x3FBB]  }
0x39: {  	_ = 	snop;
	(pc) =	sbr.ind lr, $3  }
0x3a: {  	_ = 	snop  }
0x3b: {  	_ = 	snop  }
0x3c: {  	p2 =	seq.s32 s10, $0x1;
	s10 =	sld [smem:$0x3FBA]  }
0x3d: {  	_ =	shalt  }
0x3e: {  	_ =	shalt  }
0x3f: {  	_ =	shalt  }
0x40: {  	_ =	shalt  }
0x41: {  	_ =	shalt  }
0x42: {  	_ =	shalt  }
0x43: {  	_ =	shalt  }
0x44: {  	_ =	shalt  }
0x45: {  	_ =	shalt  }
0x46: {  	_ =	shalt  }
0x47: {  	_ =	shalt  }
0x48: {  	_ =	shalt  }
0x49: {  	_ =	shalt  }
0x4a: {  	_ =	shalt  }
0x4b: {  	_ =	shalt  }
0x4c: {  	_ =	shalt  }
0x4d: {  	_ =	shalt  }
0x4e: {  	_ =	shalt  }
0x4f: {  	_ =	shalt  }
0x50: {  	_ =	shalt  }
0x51: {  	_ =	shalt  }
0x52: {  	_ =	shalt  }
0x53: {  	_ =	shalt  }
0x54: {  	_ =	shalt  }
0x55: {  	_ =	shalt  }
0x56: {  	_ =	shalt  }
0x57: {  	_ =	shalt  }
0x58: {  	_ =	shalt  }
0x59: {  	_ =	shalt  }
0x5a: {  	_ =	shalt  }
0x5b: {  	_ =	shalt  }
0x5c: {  	_ =	shalt  }
0x5d: {  	_ =	shalt  }
0x5e: {  	_ =	shalt  }
0x5f: {  	_ =	shalt  }
0x60: {  	_ =	shalt  }
0x61: {  	_ =	shalt  }
0x62: {  	_ =	shalt  }
0x63: {  	_ =	shalt  }
0x64: {  	_ =	shalt  }
0x65: {  	_ =	shalt  }
0x66: {  	_ =	shalt  }
0x67: {  	_ =	shalt  }
0x68: {  	_ =	shalt  }
0x69: {  	_ =	shalt  }
0x6a: {  	_ =	shalt  }
0x6b: {  	_ =	shalt  }
0x6c: {  	_ =	shalt  }
0x6d: {  	_ =	shalt  }
0x6e: {  	_ =	shalt  }
0x6f: {  	_ =	shalt  }
0x70: {  	_ =	shalt  }
0x71: {  	_ =	shalt  }
0x72: {  	_ =	shalt  }
0x73: {  	_ =	shalt  }
0x74: {  	_ =	shalt  }
0x75: {  	_ =	shalt  }
0x76: {  	_ =	shalt  }
0x77: {  	_ =	shalt  }
0x78: {  	_ =	shalt  }
0x79: {  	_ =	shalt  }
0x7a: {  	_ =	shalt  }
0x7b: {  	_ =	shalt  }
0x7c: {  	_ =	shalt  }
0x7d: {  	_ =	shalt  }
0x7e: {  	_ =	shalt  }
0x7f: {  	_ =	shalt  }
0x80: {  	_ =	shalt  }
0x81: {  	_ =	shalt  }
0x82: {  	_ =	shalt  }
0x83: {  	_ =	shalt  }
0x84: {  	_ =	shalt  }
0x85: {  	_ =	shalt  }
0x86: {  	_ =	shalt  }
0x87: {  	_ =	shalt  }
.Lfunc_end0:
.L_simem_size_0:
called_computation_lowered:
.L_overlay_start_0:
0x88: {  	s2 =	sld [smem:$0x3FD9]  }
0x89: {  	s3 =	sld [smem:$0x3FFE];
	_ =	sdelay $0x1  }
0x8a: {  	s1 =	srdreg.scid  }
0x8b: {  	s0 =	sand.u32 $0x1, s1  }
0x8c: {  	s17 =	sshll.u32 s0, $0xA;
	s2 =	sadd.s32 s3, s2  }
0x8d: {  	s2 =	sadd.s32 s2, s17  }
0x8e: {  	[smem:$0x3FC6] =	sst s2  }
0x8f: {  	_ = 	snop  }
0x90: {  	s2 =	sld [smem:$0x3FC9]  }
0x91: {  	s18 =	sld [smem:$0x3FD0];
	(tm) =	ssettm $0x1  }
0x92: {  	s4 =	sld [smem:$0x3FFB];
	_ =	sdelay $0x3  }
0x93: {  	_ =	strace s4  }
0x94: {  	s4 =	sld [smem:$0x3FFC];
	_ =	sdelay $0x3  }
0x95: {  	_ =	strace s4  }
0x96: {  	s4 =	sld [smem:$0x3FFD];
	_ =	sdelay $0x3  }
0x97: {  	_ =	strace s4  }
0x98: {  	_ =	strace $0x8FFFFFFF  }
0x99: {  	s19 =	sld [smem:$0x3FDB];
	_ =	sdelay $0x1  }
0x9a: {  	s5 =	simm.s32 $_scs_section_size  }
0x9b: {  	s6 =	simm.s32 $_size__tile_overlayer_lowered;
	s7 =	simm.s32 $_tile_overlayer_lowered  }
0x9c: {  	s22 =	simm.s32 $0x1BFF;
	s21 =	sshll.u32 s7, $0x1;
	s4 =	sadd.s32 s5, s19  }
0x9d: {  	s8 =	simm.s32 $0x0;
	s20 =	sshll.u32 s6, $0x1;
	s6 =	sadd.s32 s21, s4  }
0x9e: {  	[timem:s8], [sflag:s22] =	dma.local [hbm:s6], s20  }
0x9f: {  	_ =	swait.ge [sflag:s22], s20  }
0xa0: {  	s5 =	ssub.s32 $0x0, s20;
	[sflag:s22] =	ssyncset.done $0x0  }
0xa1: {  	[sflag:s22] =	ssyncadd.s32 s5;
	_ =	sdelay $0x1  }
0xa2: {  	s23 =	simm.s32 $0x1B8B  }
0xa3: {  	_ =	swait.ge [sflag:s23], $0x1  }
0xa4: {  	[sflag:s23] =	ssyncset.done $0x0  }
0xa5: {  	s25 =	simm.s32 $0x1B8E;
	s24 =	sld [smem:$0x3FFE];
	[sflag:s23] =	ssyncadd.s32 $0xFFFFFFFF  }
0xa6: {  	s26 =	simm.s32 $execute0_lowered;
	[smem:$0x3FD2] =	sst s25  }
0xa7: {  	s6 =	sshll.u32 s26, $0x1;
	_ =	strace $0x80000046;
	[dreg:$0x1] =	wrdreg $0xFFFFFFFF  }
0xa8: {  	s28 =	simm.s32 $_size_execute0_lowered;
	s4 =	sadd.s32 s4, s6;
	[dreg:$0x0] =	wrdreg $0x0  }
0xa9: {  	s6 =	sshll.u32 s28, $0x1;
	[dreg:$0x2] =	wrdreg s4  }
0xaa: {  	[dreg:$0x3] =	wrdreg s6  }
0xab: {  	[dreg:$0x4] =	wrdreg $0xC0  }
0xac: {  	_ =	task [dreg:s8], $0x5FFFF  }
0xad: {  	[dreg:$0x1] =	wrdreg $0xFFFFFFFF  }
0xae: {  	[dreg:$0x0] =	wrdreg $0x60  }
0xaf: {  	[dreg:$0x2] =	wrdreg s2  }
0xb0: {  	[dreg:$0x3] =	wrdreg s24  }
0xb1: {  	[dreg:$0x4] =	wrdreg s18  }
0xb2: {  	[dreg:$0x5] =	wrdreg $0x9  }
0xb3: {  	_ =	task.clear_ibuf [dreg:s8], $0x6FFFF;
	_ =	strace $0x90000046  }
0xb4: {  	s29 =	simm.s32 $0x9;
	_ =	strace $0x80000048  }
0xb5: {  	_ =	swait.ge [sflag:s29], $0x1  }
0xb6: {  	[sflag:s29] =	ssyncadd.s32 $0xFFFFFFFF  }
0xb7: {  	_ =	strace $0x90000048  }
0xb8: {  	_ =	sfence  }
0xb9: {  	s30 =	sld [smem:$0x0];
	_ =	sdelay $0x2  }
0xba: {  	s31 =	sshll.u32 s1, $0xD;
	s1 =	sshrl.u32 s1, $0x2  }
0xbb: {  	s3 =	sand.u32 $0x4000, s31;
	s1 =	sadd.s32 s1, s30  }
0xbc: {  	s0 =	sor.u32 s3, s0;
	s1 =	sshll.u32 s1, $0x11  }
0xbd: {  	s0 =	sor.u32 s1, s0  }
0xbe: {  	s0 =	sadd.s32 $0x8F2B, s0  }
0xbf: {  	[sflag:s0] =	ssyncadd.remote.s32 $0x1  }
0xc0: {  	_ =	sfence.sel $0xFFFF  }
0xc1: {  	[dreg:$0x0] =	wrdreg $0xFFFFFFFF;
	(pc) =	sbr.abs _section_cstart, $3  }
0xc2: {  	[dreg:$0x1] =	wrdreg $0xFFFFFFFF  }
0xc3: {  	_ =	task.clear_ibuf [dreg:s8], $0x2FFFF;
	_ =	strace $0x9FFFFFFF  }
0xc4: {  	(tm) =	ssettm $0x7FFFFFFF  }
0xc5: {  	_ =	shalt  }
tec
execute0_lowered:
.L_overlay_start_1:
0x0: {  	(tag) =	ssettag $0x1  }
0x1: {  	s1 =	rddreg [dreg:$0x0]  }
0x2: {  	s4 =	stileid.u32;
	s0 =	rddreg [dreg:$0x1]  }
0x3: {  	s2 =	srdreg.scid;
	s16 =	simm.s32 $0x100;
	s17 =	simm.s32 $0x400  }
0x4: {  	s28 =	simm.s32 $0x118D0;
	s29 =	simm.s32 $0x1BD80;
	s30 =	simm.s32 $0x1C180  }
0x5: {  	s31 =	simm.s32 $0x1C580;
	s3 =	sshll.u32 s4, $0x1;
	s2 =	sand.u32 $0x1, s2  }
0x6: {  	s4 =	sshrl.u32 s4, $0x1;
	s0 =	sadd.s32 $0x400, s0;
	s5 =	sand.u32 $0x2, s3  }
0x7: {  	s3 =	rddreg [dreg:$0x2];
	s4 =	smul.u32 $0xC0000, s4;
	s7 =	sor.u32 s2, s5  }
0x8: {  	s5 =	simm.s32 $0x0;
	s2 =	ssub.s32 $0x2, s2;
	s6 =	sshll.u32 s7, $0x10  }
0x9: {  	[smem:$0x7FF] =	sst s5;
	s21 =	sshrl.u32 s2, $0x1;
	s6 =	sor.u32 s4, s6  }
0xa: {  	_ =	strace $0x80000047;
	[dreg:$0x4] =	wrdreg s0;
	s0 =	ssub.s32 s2, s21  }
0xb: {  	s18 =	simm.s32 $0x1CD80;
	s8 =	sshrl.u32 s6, $0x3;
	s0 =	smax.u32 s0, $0x1  }
0xc: {  	s19 =	simm.s32 $0x1D180;
	s8 =	sadd.s32 s1, s8;
	[dreg:$0x7] =	wrdreg s0  }
0xd: {  	s10 =	simm.s32 $0x0;
	s22 =	sadd.s32 $0x20, s8;
	[dreg:$0x5] =	wrdreg s8  }
0xe: {  	s9 =	sshll.u32 s7, $0x7;
	s23 =	sadd.s32 $0x8000, s8;
	[dreg:$0x6] =	wrdreg s22  }
.Ltmp0:
0xf: {  	s24 =	sadd.s32 $0x10000, s8;
	[dreg:$0x8] =	wrdreg s23;
	(pc) =	sbr.rel .LBB2_1-.Ltmp0, $4  }
0x10: {  	s21 =	simm.s32 $0x1B180;
	s25 =	sadd.s32 $0x8020, s8;
	[dreg:$0x9] =	wrdreg s24  }
0x11: {  	s2 =	simm.s32 $0x3;
	s26 =	sadd.s32 $0x10020, s8;
	[dreg:$0xa] =	wrdreg s25  }
0x12: {  	s0 =	simm.s32 $0x1C980;
	[dreg:$0xb] =	wrdreg s26;
	s22 =	simm.s32 $0x1B580  }
0x13: {  	s23 =	simm.s32 $0x1B980;
	s25 =	simm.s32 $0x2;
	s26 =	simm.s32 $0x8C68  }
.LBB2_8:
0x14: {  	s7 =	simm.s32 $0x4  }
0x15: {  	_ =	swait.ge [sflag:s7], $0xC00  }
0x16: {  	[sflag:s7] =	ssyncset.done $0x0  }
0x17: {  	s8 =	simm.s32 $0x5;
	[sflag:s7] =	ssyncadd.s32 $0xFFFFF400  }
0x18: {  	_ =	swait.ge [sflag:s8], $0xC00  }
0x19: {  	s10 =	rddreg [dreg:$0xc]  }
0x1a: {  	s24 =	rddreg [dreg:$0x7];
	s10 =	sadd.s32 $0x1, s10  }
0x1b: {  	p0 =	sne.s32 s10, s24  }
.Ltmp1:
0x1c: {  	_ = 	snop;
	(pc) =	sbr.rel @!p0 .LBB2_9-.Ltmp1, $3  }
0x1d: {  	_ =	sdelay $0x1  }
0x1e: {  	[sflag:s8] =	ssyncset.done $0x0  }
0x1f: {  	[sflag:s8] =	ssyncadd.s32 $0xFFFFF400  }
.LBB2_1:
0x20: {  	[dreg:$0xc] =	wrdreg s10  }
0x21: {  	s7 =	rddreg [dreg:$0x4]  }
0x22: {  	[tilespmem:s5], [sflag:$0x1] =	stream.linear.gather [hbm4b:s7+s5], $0x1A580, $0x38;
	[tilespmem:$0x1D580] =	vst v63  }
0x23: {  	s24 =	rddreg [dreg:$0x5];
	s8 =	simm.s32 $0x1A580  }
0x24: {  	[tilespmem:s8], [sflag:$0x2] =	stream.strided.gather [hbm4b:s24+s16], $0x400, s17, s16, $0x38;
	[tilespmem:$0x1D580] =	vst v63  }
0x25: {  	s10 =	rddreg [dreg:$0x8];
	s11 =	simm.s32 $0x1A980  }
0x26: {  	[tilespmem:s11], [sflag:$0x2] =	stream.strided.gather [hbm4b:s10+s16], $0x400, s17, s16, $0x38;
	[tilespmem:$0x1D580] =	vst v63  }
0x27: {  	s12 =	rddreg [dreg:$0x9];
	s13 =	simm.s32 $0x1AD80  }
0x28: {  	[tilespmem:s13], [sflag:$0x2] =	stream.strided.gather [hbm4b:s12+s16], $0x400, s17, s16, $0x38;
	[tilespmem:$0x1D580] =	vst v63  }
0x29: {  	s14 =	rddreg [dreg:$0x6]  }
0x2a: {  	[tilespmem:s21], [sflag:$0x3] =	stream.strided.gather [hbm4b:s14+s16], $0x400, s17, s16, $0x38;
	[tilespmem:$0x1D580] =	vst v63  }
0x2b: {  	s15 =	rddreg [dreg:$0xa]  }
0x2c: {  	[tilespmem:s22], [sflag:$0x3] =	stream.strided.gather [hbm4b:s15+s16], $0x400, s17, s16, $0x38;
	[tilespmem:$0x1D580] =	vst v63  }
0x2d: {  	s20 =	rddreg [dreg:$0xb];
	s24 =	simm.s32 $0x1  }
0x2e: {  	[tilespmem:s23], [sflag:$0x3] =	stream.strided.gather [hbm4b:s20+s16], $0x400, s17, s16, $0x38;
	[tilespmem:$0x1D580] =	vst v63  }
0x2f: {  	_ =	swait.ge [sflag:s24], $0x1A580  }
0x30: {  	[sflag:s24] =	ssyncset.done $0x0  }
0x31: {  	s11 =	simm.s32 $0x0;
	[sflag:s24] =	ssyncadd.s32 $0xFFFE5A80  }
.LBB2_2:
0x32: {  	_ =	swait.ge [sflag:s25], $0xC00  }
0x33: {  	p0 =	seq.s32 s11, $0x0;
	[sflag:s25] =	ssyncset.done $0x0  }
0x34: {  	s7 =	simm.s32 @!p0 $0x4;
	[sflag:s25] =	ssyncadd.s32 $0xFFFFF400  }
0x35: {  	s8 =	simm.s32 $0x0;
	_ =	swait.ge @!p0 [sflag:s7], $0xC00  }
0x36: {  	s12 =	sand.u32 $0x70, s8;
	s8 =	sand.u32 $0x300, s8;
	[sflag:s7] =	ssyncset.done @!p0 $0x0  }
0x37: {  	s14 =	sor.u32 s12, s8;
	[sflag:s7] =	ssyncadd.s32 @!p0 $0xFFFFF400  }
0x38: {  	v0 =	vld [tilespmem:s14+$0x1A980]  }
0x39: {  	v1 =	vld [tilespmem:s14+$0x1AD80]  }
0x3a: {  	v2 =	vld [tilespmem:s14+$0x1A580];
	_ =	sdelay $0x2  }
0x3b: {  	v0 =	vmul.f32 $3.200000000e+01, v0  }
0x3c: {  	v1 =	vmul.f32 $3.200000000e+01, v1  }
0x3d: {  	v2 =	vmul.f32 $3.200000000e+01, v2;
	v3 =	vtrunc.f32 v0  }
0x3e: {  	v4 =	vtrunc.f32 v1;
	v3 =	vcvt.f32.s32 v3  }
0x3f: {  	v5 =	vtrunc.f32 v2;
	v4 =	vcvt.f32.s32 v4  }
0x40: {  	v7 =	vld [tilespmem:s14+$0x1A600];
	v5 =	vcvt.f32.s32 v5;
	v6 =	vmul.u32 $0x21, v3  }
0x41: {  	v9 =	vld [tilespmem:s14+$0x1AE00];
	v8 =	vmul.u32 $0x441, v4  }
0x42: {  	v10 =	vld [tilespmem:s14+$0x1AA00];
	v6 =	vadd.s32 v5, v6  }
0x43: {  	v6 =	vadd.s32 v8, v6;
	_ =	sdelay $0x2  }
0x44: {  	v12 =	vmul.f32 $3.200000000e+01, v7;
	v8 =	vadd.s32 $0x463, v6  }
0x45: {  	v10 =	vmul.f32 $3.200000000e+01, v10;
	v9 =	vmul.f32 $3.200000000e+01, v9;
	v11 =	vadd.s32 $0x462, v6  }
0x46: {  	v20 =	vtrunc.f32 v12;
	v3 =	vcvt.s32.f32 v3;
	v14 =	vadd.s32 $0x441, v6;
	v13 =	vld.idx.msk [tilespmem:v6+s5+$0x0], $0xffff  }
0x47: {  	v21 =	vtrunc.f32 v9;
	v5 =	vcvt.s32.f32 v5;
	v16 =	vadd.s32 $0x22, v6;
	v15 =	vld.idx.msk [tilespmem:v6+s26+$0x0], $0xffff  }
0x48: {  	v4 =	vcvt.s32.f32 v4;
	v0 =	vsub.f32 v0, v3;
	v18 =	vadd.s32 $0x21, v6;
	v17 =	vld.idx.msk [tilespmem:v6+s28+$0x0], $0xffff  }
0x49: {  	v20 =	vcvt.f32.s32 v20;
	v2 =	vsub.f32 v2, v5;
	v3 =	vadd.s32 $0x1, v6;
	v19 =	vld.idx.msk [tilespmem:v8+s5+$0x0], $0xffff  }
0x4a: {  	v21 =	vcvt.f32.s32 v21;
	v1 =	vsub.f32 v1, v4;
	v25 =	vsub.f32 $1.000000000e+00, v0;
	v5 =	vld.idx.msk [tilespmem:v11+s5+$0x0], $0xffff  }
0x4b: {  	v7 =	vadd.s32 $0x442, v6;
	v4 =	vmul.f32 v0, v2;
	v24 =	vsub.f32 $1.000000000e+00, v2;
	v23 =	vld.idx.msk [tilespmem:v14+s5+$0x0], $0xffff  }
0x4c: {  	v27 =	vsub.f32 $1.000000000e+00, v1;
	v2 =	vmul.f32 v25, v2;
	v6 =	vtrunc.f32 v10;
	v26 =	vld.idx.msk [tilespmem:v16+s5+$0x0], $0xffff  }
0x4d: {  	v28 =	vmul.f32 v1, v4;
	v30 =	vmul.f32 v25, v24;
	v29 =	vld.idx.msk [tilespmem:v18+s5+$0x0], $0xffff  }
0x4e: {  	v0 =	vmul.f32 v0, v24;
	v4 =	vmul.f32 v27, v4;
	v24 =	vld.idx.msk [tilespmem:v3+s5+$0x0], $0xffff  }
0x4f: {  	v6 =	vcvt.f32.s32 v6;
	v25 =	vld.idx.msk [tilespmem:v3+s26+$0x0], $0xffff;
	v31 =	vmul.f32 v27, v30  }
0x50: {  	v3 =	vld.idx.msk [tilespmem:v3+s28+$0x0], $0xffff;
	v32 =	vmul.f32 v1, v0;
	v30 =	vmul.f32 v30, v1  }
0x51: {  	v34 =	vld.idx.msk [tilespmem:v18+s26+$0x0], $0xffff;
	v1 =	vmul.f32 v2, v1;
	v2 =	vmul.f32 v27, v2  }
0x52: {  	v35 =	vmul.u32 $0x441, v21;
	v18 =	vld.idx.msk [tilespmem:v18+s28+$0x0], $0xffff;
	v0 =	vmul.f32 v27, v0;
	v13 =	vmul.f32 v31, v13  }
0x53: {  	v54 =	vld.idx.msk [tilespmem:v16+s26+$0x0], $0xffff;
	v33 =	vmul.u32 $0x21, v6;
	v6 =	vcvt.s32.f32 v6;
	v15 =	vmul.f32 v31, v15  }
0x54: {  	v16 =	vld.idx.msk [tilespmem:v16+s28+$0x0], $0xffff;
	v17 =	vmul.f32 v31, v17;
	v24 =	vmul.f32 v2, v24;
	v13 =	vadd.f32 $0.0e+00, v13  }
0x55: {  	v31 =	vld.idx.msk [tilespmem:v14+s26+$0x0], $0xffff;
	v25 =	vmul.f32 v2, v25;
	v29 =	vmul.f32 v29, v0;
	v15 =	vadd.f32 $0.0e+00, v15  }
0x56: {  	v2 =	vmul.f32 v3, v2;
	v3 =	vld.idx.msk [tilespmem:v14+s28+$0x0], $0xffff;
	v17 =	vadd.f32 $0.0e+00, v17;
	v13 =	vadd.f32 v13, v24  }
0x57: {  	v22 =	vld.idx.msk [tilespmem:v7+s5+$0x0], $0xffff;
	v14 =	vadd.f32 v15, v25;
	v15 =	vmul.f32 v34, v0;
	v24 =	vmul.f32 v26, v4  }
0x58: {  	v25 =	vld.idx.msk [tilespmem:v7+s26+$0x0], $0xffff;
	v2 =	vadd.f32 v17, v2;
	v0 =	vmul.f32 v18, v0;
	v13 =	vadd.f32 v13, v29  }
0x59: {  	v7 =	vld.idx.msk [tilespmem:v7+s28+$0x0], $0xffff;
	v17 =	vmul.f32 v23, v30;
	v14 =	vadd.f32 v15, v14;
	v15 =	vmul.f32 v54, v4  }
0x5a: {  	v18 =	vld.idx.msk [tilespmem:v11+s26+$0x0], $0xffff;
	v0 =	vadd.f32 v0, v2;
	v4 =	vmul.f32 v16, v4;
	v2 =	vadd.f32 v24, v13  }
0x5b: {  	v11 =	vld.idx.msk [tilespmem:v11+s28+$0x0], $0xffff;
	v3 =	vmul.f32 v3, v30;
	v13 =	vadd.f32 v15, v14;
	v14 =	vmul.f32 v31, v30  }
0x5c: {  	v16 =	vld.idx.msk [tilespmem:v8+s26+$0x0], $0xffff;
	v15 =	vmul.f32 v22, v1;
	v0 =	vadd.f32 v4, v0;
	v2 =	vadd.f32 v17, v2  }
0x5d: {  	v5 =	vmul.f32 v5, v32;
	v4 =	vld.idx.msk [tilespmem:v8+s28+$0x0], $0xffff;
	v8 =	vadd.f32 v14, v13;
	v13 =	vmul.f32 v25, v1  }
0x5e: {  	v0 =	vadd.f32 v3, v0;
	v1 =	vmul.f32 v7, v1;
	v2 =	vadd.f32 v15, v2  }
0x5f: {  	v7 =	vmul.f32 v18, v32;
	v3 =	vadd.f32 v13, v8;
	v8 =	vmul.f32 v19, v28  }
0x60: {  	v0 =	vadd.f32 v1, v0;
	v1 =	vadd.f32 v5, v2;
	v2 =	vmul.f32 v11, v32  }
0x61: {  	v27 =	vadd.s32 v20, v33;
	v3 =	vadd.f32 v7, v3;
	v7 =	vmul.f32 v16, v28  }
0x62: {  	s20 =	simm.s32 $0x10;
	s24 =	simm.s32 $0x20;
	v5 =	vadd.s32 v35, v27;
	v0 =	vadd.f32 v2, v0;
	v1 =	vadd.f32 v8, v1  }
0x63: {  	s8 =	sand.u32 $0x300, s24;
	s7 =	sand.u32 $0x70, s20;
	v2 =	vmul.f32 v4, v28;
	v3 =	vadd.f32 v7, v3;
	v4 =	vcvt.s32.f32 v20  }
0x64: {  	s15 =	sor.u32 s7, s8;
	v10 =	vsub.f32 v10, v6;
	v7 =	vadd.s32 $0x1, v5;
	[tilespmem:s14+$0x1BD80] =	vst v1  }
0x65: {  	v60 =	vld [tilespmem:s15+$0x1AA00];
	v0 =	vadd.f32 v2, v0;
	v1 =	vcvt.s32.f32 v21;
	[tilespmem:s14+$0x1C180] =	vst v3;
	v3 =	vsub.f32 v12, v4  }
0x66: {  	v6 =	vsub.f32 $1.000000000e+00, v10;
	v13 =	vld [tilespmem:s15+$0x1AD80]  }
0x67: {  	v15 =	vld [tilespmem:s15+$0x1A980];
	[tilespmem:s14+$0x1C580] =	vst v0;
	v0 =	vsub.f32 v9, v1;
	v1 =	vadd.s32 $0x21, v5;
	v4 =	vsub.f32 $1.000000000e+00, v3  }
0x68: {  	v9 =	vld.idx.msk [tilespmem:v5+s28+$0x0], $0xffff  }
0x69: {  	v11 =	vld [tilespmem:s15+$0x1AE00];
	v14 =	vadd.s32 $0x22, v5;
	v16 =	vsub.f32 $1.000000000e+00, v0;
	v17 =	vmul.f32 v6, v4  }
0x6a: {  	v20 =	vadd.s32 $0x462, v5;
	v18 =	vld.idx.msk [tilespmem:v7+s28+$0x0], $0xffff  }
0x6b: {  	v8 =	vld [tilespmem:s15+$0x1A600];
	v21 =	vmul.f32 v6, v3;
	v6 =	vmul.f32 v16, v17  }
0x6c: {  	v19 =	vadd.s32 $0x441, v5;
	v15 =	vmul.f32 $3.200000000e+01, v15;
	v25 =	vmul.f32 v10, v4;
	v22 =	vld.idx.msk [tilespmem:v1+s28+$0x0], $0xffff  }
0x6d: {  	v24 =	vadd.s32 $0x442, v5;
	v2 =	vld [tilespmem:s15+$0x1A580];
	v4 =	vmul.f32 v16, v21;
	v9 =	vmul.f32 v6, v9  }
0x6e: {  	v31 =	vmul.f32 $3.200000000e+01, v13;
	v12 =	vadd.s32 $0x463, v5;
	v3 =	vmul.f32 v10, v3;
	v26 =	vld.idx.msk [tilespmem:v14+s28+$0x0], $0xffff  }
0x6f: {  	v29 =	vld.idx.msk [tilespmem:v20+s5+$0x0], $0xffff;
	v28 =	vmul.f32 v16, v25;
	v18 =	vmul.f32 v18, v4;
	v9 =	vadd.f32 $0.0e+00, v9  }
0x70: {  	v55 =	vtrunc.f32 v15;
	v57 =	vtrunc.f32 v31;
	v59 =	vld.idx.msk [tilespmem:v14+s5+$0x0], $0xffff  }
0x71: {  	v10 =	vld.idx.msk [tilespmem:v19+s28+$0x0], $0xffff;
	v16 =	vmul.f32 v16, v3;
	v9 =	vadd.f32 v9, v18;
	v18 =	vmul.f32 v22, v28  }
0x72: {  	v11 =	vmul.f32 $3.200000000e+01, v11;
	v30 =	vmul.f32 $3.200000000e+01, v2;
	v2 =	vld.idx.msk [tilespmem:v24+s28+$0x0], $0xffff  }
0x73: {  	v33 =	vcvt.f32.s32 v57;
	v23 =	vld.idx.msk [tilespmem:v12+s5+$0x0], $0xffff;
	v9 =	vadd.f32 v18, v9;
	v18 =	vmul.f32 v26, v16  }
0x74: {  	v13 =	vmul.f32 v17, v0;
	v17 =	vld.idx.msk [tilespmem:v20+s28+$0x0], $0xffff;
	v21 =	vmul.f32 v21, v0  }
0x75: {  	v25 =	vmul.f32 v0, v25;
	v26 =	vld.idx.msk [tilespmem:v24+s5+$0x0], $0xffff;
	v9 =	vadd.f32 v18, v9;
	v18 =	vcvt.f32.s32 v55  }
0x76: {  	v10 =	vmul.f32 v10, v13;
	v22 =	vld.idx.msk [tilespmem:v20+s26+$0x0], $0xffff;
	v20 =	vtrunc.f32 v30  }
0x77: {  	v58 =	vmul.f32 v2, v21;
	v36 =	vcvt.f32.s32 v20;
	v24 =	vld.idx.msk [tilespmem:v24+s26+$0x0], $0xffff;
	v2 =	vmul.u32 $0x21, v18  }
0x78: {  	v10 =	vadd.f32 v10, v9;
	v9 =	vmul.f32 v0, v3;
	v0 =	vld.idx.msk [tilespmem:v14+s26+$0x0], $0xffff;
	v3 =	vmul.u32 $0x441, v33  }
0x79: {  	v41 =	vtrunc.f32 v11;
	v14 =	vld.idx.msk [tilespmem:v1+s5+$0x0], $0xffff;
	v2 =	vadd.s32 v36, v2  }
0x7a: {  	v37 =	vmul.f32 v17, v25;
	v17 =	vmul.f32 v26, v21;
	v26 =	vld.idx.msk [tilespmem:v1+s26+$0x0], $0xffff;
	v38 =	vadd.s32 v3, v2  }
0x7b: {  	v56 =	vld.idx.msk [tilespmem:v19+s5+$0x0], $0xffff;
	v8 =	vmul.f32 $3.200000000e+01, v8;
	v41 =	vcvt.f32.s32 v41  }
0x7c: {  	v19 =	vld.idx.msk [tilespmem:v19+s26+$0x0], $0xffff;
	v18 =	vcvt.s32.f32 v18;
	v1 =	vmul.f32 v22, v25  }
0x7d: {  	v27 =	vld.idx.msk [tilespmem:v12+s28+$0x0], $0xffff;
	v3 =	vmul.f32 v24, v21;
	v2 =	vmul.f32 v29, v25;
	v25 =	vadd.s32 $0x462, v38  }
0x7e: {  	v29 =	vadd.s32 $0x441, v38;
	v21 =	vmul.f32 v0, v16;
	v22 =	vmul.f32 v14, v28;
	v14 =	vld.idx.msk [tilespmem:v12+s26+$0x0], $0xffff  }
0x7f: {  	v34 =	vadd.s32 $0x22, v38;
	v0 =	vmul.f32 v23, v9;
	v23 =	vmul.f32 v26, v28;
	v28 =	vld.idx.msk [tilespmem:v38+s5+$0x0], $0xffff  }
0x80: {  	v40 =	vtrunc.f32 v8;
	v24 =	vcvt.s32.f32 v36;
	v63 =	vadd.s32 $0x21, v38;
	v61 =	vld.idx.msk [tilespmem:v38+s26+$0x0], $0xffff  }
0x81: {  	v40 =	vcvt.f32.s32 v40;
	v15 =	vsub.f32 v15, v18;
	v18 =	vadd.s32 $0x1, v38;
	v62 =	vld.idx.msk [tilespmem:v38+s28+$0x0], $0xffff  }
0x82: {  	v19 =	vmul.f32 v19, v13;
	v33 =	vcvt.s32.f32 v33;
	v24 =	vsub.f32 v30, v24;
	v30 =	vld.idx.msk [tilespmem:v25+s5+$0x0], $0xffff  }
0x83: {  	v20 =	vmul.f32 v56, v13;
	v13 =	vmul.f32 v59, v16;
	v10 =	vadd.f32 v58, v10;
	v43 =	vld.idx.msk [tilespmem:v29+s5+$0x0], $0xffff  }
0x84: {  	v31 =	vsub.f32 v31, v33;
	v45 =	vsub.f32 $1.000000000e+00, v15;
	v12 =	vmul.f32 $3.200000000e+01, v60;
	v46 =	vld.idx.msk [tilespmem:v34+s5+$0x0], $0xffff  }
0x85: {  	v27 =	vmul.f32 v27, v9;
	v10 =	vadd.f32 v37, v10;
	v44 =	vsub.f32 $1.000000000e+00, v24;
	v58 =	vld.idx.msk [tilespmem:v63+s5+$0x0], $0xffff  }
0x86: {  	v47 =	vsub.f32 $1.000000000e+00, v31;
	v56 =	vtrunc.f32 v12;
	v57 =	vmul.f32 v15, v24;
	v59 =	vld.idx.msk [tilespmem:v18+s5+$0x0], $0xffff  }
0x87: {  	v49 =	vmul.f32 v45, v44;
	v45 =	vmul.f32 v45, v24;
	v24 =	vadd.f32 v27, v10;
	v10 =	vld.idx.msk [tilespmem:v18+s26+$0x0], $0xffff  }
0x88: {  	v16 =	vadd.s32 $0x463, v38;
	v26 =	vadd.s32 $0x442, v38;
	v38 =	vcvt.f32.s32 v56;
	v18 =	vld.idx.msk [tilespmem:v18+s28+$0x0], $0xffff  }
0x89: {  	v48 =	vmul.f32 v31, v57;
	v15 =	vmul.f32 v15, v44;
	v52 =	vld.idx.msk [tilespmem:v63+s26+$0x0], $0xffff  }
0x8a: {  	v33 =	vmul.f32 v47, v57;
	v36 =	vld.idx.msk [tilespmem:v63+s28+$0x0], $0xffff;
	v27 =	vmul.f32 v47, v49  }
0x8b: {  	v60 =	vld.idx.msk [tilespmem:v34+s26+$0x0], $0xffff;
	v50 =	vmul.f32 v31, v15;
	v49 =	vmul.f32 v49, v31  }
0x8c: {  	v34 =	vld.idx.msk [tilespmem:v34+s28+$0x0], $0xffff;
	v51 =	vmul.u32 $0x21, v38;
	v31 =	vmul.f32 v45, v31;
	v45 =	vmul.f32 v47, v45  }
0x8d: {  	v53 =	vmul.u32 $0x441, v41;
	v56 =	vld.idx.msk [tilespmem:v25+s26+$0x0], $0xffff;
	v15 =	vmul.f32 v47, v15;
	v28 =	vmul.f32 v27, v28  }
0x8e: {  	v25 =	vld.idx.msk [tilespmem:v25+s28+$0x0], $0xffff;
	v47 =	vadd.s32 v40, v51;
	v32 =	vmul.f32 v27, v61;
	v27 =	vmul.f32 v27, v62  }
0x8f: {  	v42 =	vld.idx.msk [tilespmem:v26+s5+$0x0], $0xffff;
	v61 =	vmul.f32 v45, v59;
	v10 =	vmul.f32 v45, v10;
	v28 =	vadd.f32 $0.0e+00, v28  }
0x90: {  	v54 =	vld.idx.msk [tilespmem:v26+s26+$0x0], $0xffff;
	v37 =	vmul.f32 v58, v15;
	v18 =	vmul.f32 v18, v45;
	v32 =	vadd.f32 $0.0e+00, v32  }
0x91: {  	v62 =	vld.idx.msk [tilespmem:v29+s26+$0x0], $0xffff;
	v63 =	vmul.f32 v52, v15;
	v27 =	vadd.f32 $0.0e+00, v27;
	v28 =	vadd.f32 v28, v61  }
0x92: {  	v29 =	vld.idx.msk [tilespmem:v29+s28+$0x0], $0xffff;
	v52 =	vmul.f32 v46, v33;
	v15 =	vmul.f32 v36, v15;
	v10 =	vadd.f32 v32, v10  }
0x93: {  	v26 =	vld.idx.msk [tilespmem:v26+s28+$0x0], $0xffff;
	v55 =	vmul.f32 v43, v49;
	v18 =	vadd.f32 v27, v18;
	v27 =	vadd.f32 v28, v37  }
0x94: {  	v39 =	vld.idx.msk [tilespmem:v16+s5+$0x0], $0xffff;
	v25 =	vmul.f32 v25, v50;
	v10 =	vadd.f32 v63, v10;
	v28 =	vmul.f32 v60, v33  }
0x95: {  	v58 =	vld.idx.msk [tilespmem:v16+s26+$0x0], $0xffff;
	v15 =	vadd.f32 v15, v18;
	v18 =	vadd.f32 v52, v27;
	v27 =	vmul.f32 v34, v33  }
0x96: {  	v59 =	vld.idx.msk [tilespmem:v5+s5+$0x0], $0xffff;
	v57 =	vmul.f32 v42, v31;
	v10 =	vadd.f32 v28, v10;
	v28 =	vmul.f32 v62, v49  }
0x97: {  	v5 =	vld.idx.msk [tilespmem:v5+s26+$0x0], $0xffff;
	v15 =	vadd.f32 v27, v15;
	v18 =	vadd.f32 v55, v18;
	v27 =	vmul.f32 v29, v49  }
0x98: {  	v26 =	vmul.f32 v26, v31;
	v29 =	vld.idx.msk [tilespmem:v16+s28+$0x0], $0xffff;
	v10 =	vadd.f32 v28, v10;
	v16 =	vmul.f32 v54, v31  }
0x99: {  	v28 =	vmul.f32 v30, v50;
	v30 =	vld.idx.msk [tilespmem:v7+s5+$0x0], $0xffff;
	v15 =	vadd.f32 v27, v15;
	v18 =	vadd.f32 v57, v18  }
0x9a: {  	s10 =	simm.s32 $0x20;
	s20 =	simm.s32 $0x40;
	v60 =	vcvt.s32.f32 v38;
	v27 =	vld.idx.msk [tilespmem:v7+s26+$0x0], $0xffff;
	v7 =	vadd.f32 v16, v10;
	v10 =	vmul.f32 v56, v50  }
0x9b: {  	s7 =	sand.u32 $0x70, s10;
	s12 =	sand.u32 $0x300, s20;
	v31 =	vmul.f32 v39, v48;
	v15 =	vadd.f32 v26, v15;
	v18 =	vadd.f32 v28, v18  }
0x9c: {  	s8 =	sor.u32 s7, s12;
	v5 =	vmul.f32 v6, v5;
	v10 =	vadd.f32 v10, v7;
	v26 =	vmul.f32 v58, v48  }
0x9d: {  	v61 =	vld [tilespmem:s8+$0x1A580];
	v29 =	vmul.f32 v29, v48;
	v25 =	vadd.f32 v25, v15;
	v28 =	vadd.f32 v31, v18  }
0x9e: {  	v63 =	vld [tilespmem:s8+$0x1AD80];
	v7 =	vadd.s32 v53, v47;
	v26 =	vadd.f32 v26, v10;
	v31 =	vcvt.s32.f32 v40  }
0x9f: {  	v49 =	vld [tilespmem:s8+$0x1A980];
	v10 =	vadd.s32 $0x1, v7;
	v25 =	vadd.f32 v29, v25;
	[tilespmem:s15+$0x1BD80] =	vst v28;
	v28 =	vcvt.s32.f32 v41  }
0xa0: {  	v16 =	vld [tilespmem:s8+$0x1A600];
	v62 =	vadd.s32 $0x463, v7;
	[tilespmem:s15+$0x1C180] =	vst v26;
	v26 =	vsub.f32 v8, v31;
	v31 =	vsub.f32 v12, v60  }
0xa1: {  	v5 =	vadd.f32 $0.0e+00, v5;
	v15 =	vld [tilespmem:s8+$0x1AE00];
	v8 =	vmul.f32 v6, v59;
	v29 =	vsub.f32 v11, v28  }
0xa2: {  	v18 =	vld [tilespmem:s8+$0x1AA00];
	[tilespmem:s15+$0x1C580] =	vst v25;
	v11 =	vadd.s32 $0x21, v7;
	v28 =	vsub.f32 $1.000000000e+00, v26;
	v47 =	vsub.f32 $1.000000000e+00, v31  }
0xa3: {  	v30 =	vmul.f32 v4, v30;
	v53 =	vadd.s32 $0x462, v7;
	v12 =	vadd.s32 $0x22, v7;
	v48 =	vld.idx.msk [tilespmem:v7+s28+$0x0], $0xffff  }
0xa4: {  	v6 =	vadd.f32 $0.0e+00, v8;
	v52 =	vld.idx.msk [tilespmem:v10+s28+$0x0], $0xffff;
	v50 =	vsub.f32 $1.000000000e+00, v29;
	v51 =	vmul.f32 v47, v28  }
0xa5: {  	v55 =	vadd.s32 $0x442, v7;
	v27 =	vmul.f32 v4, v27;
	v25 =	vadd.s32 $0x441, v7;
	v8 =	vld.idx.msk [tilespmem:v62+s5+$0x0], $0xffff  }
0xa6: {  	v4 =	vld.idx.msk [tilespmem:v62+s26+$0x0], $0xffff;
	v30 =	vadd.f32 v6, v30;
	v32 =	vmul.f32 v47, v26;
	v6 =	vmul.f32 v50, v51  }
0xa7: {  	v9 =	vmul.f32 v14, v9;
	v27 =	vadd.f32 v5, v27;
	v35 =	vmul.f32 v31, v28;
	v54 =	vld.idx.msk [tilespmem:v11+s28+$0x0], $0xffff  }
0xa8: {  	v34 =	vld.idx.msk [tilespmem:v53+s26+$0x0], $0xffff;
	v5 =	vmul.f32 v50, v32;
	v28 =	vmul.f32 v6, v48  }
0xa9: {  	v36 =	vmul.f32 v31, v26;
	v23 =	vadd.f32 v23, v27;
	v56 =	vld.idx.msk [tilespmem:v12+s28+$0x0], $0xffff;
	v22 =	vadd.f32 v30, v22  }
0xaa: {  	v39 =	vld.idx.msk [tilespmem:v55+s26+$0x0], $0xffff;
	v14 =	vmul.f32 v50, v35;
	v30 =	vmul.f32 v52, v5;
	v28 =	vadd.f32 $0.0e+00, v28  }
0xab: {  	v27 =	vmul.f32 $3.200000000e+01, v61;
	v58 =	vadd.f32 v21, v23;
	v57 =	vld.idx.msk [tilespmem:v25+s28+$0x0], $0xffff;
	v22 =	vadd.f32 v13, v22  }
0xac: {  	v26 =	vld.idx.msk [tilespmem:v62+s28+$0x0], $0xffff;
	v13 =	vmul.f32 v50, v36;
	v23 =	vadd.f32 v28, v30;
	v59 =	vmul.f32 v54, v14  }
0xad: {  	v21 =	vld.idx.msk [tilespmem:v55+s28+$0x0], $0xffff;
	v38 =	vmul.f32 v51, v29;
	v33 =	vadd.f32 v19, v58;
	v19 =	vmul.f32 v32, v29  }
0xae: {  	s13 =	sshll.u32 s11, $0xB;
	v31 =	vld.idx.msk [tilespmem:v53+s5+$0x0], $0xffff;
	v62 =	vmul.f32 v56, v13;
	v30 =	vmul.f32 $3.200000000e+01, v49;
	v61 =	vadd.f32 v59, v23  }
0xaf: {  	s24 =	sshll.u32 s11, $0x9;
	s7 =	sand.u32 $0xF000, s13;
	v60 =	vadd.f32 v20, v22;
	v20 =	vld.idx.msk [tilespmem:v53+s28+$0x0], $0xffff;
	v22 =	vtrunc.f32 v27;
	v28 =	vmul.f32 $3.200000000e+01, v63  }
0xb0: {  	s13 =	sand.u32 $0x200, s24;
	s7 =	sor.u32 s6, s7;
	v41 =	vmul.f32 v57, v38;
	v63 =	vtrunc.f32 v30;
	v23 =	vld.idx.msk [tilespmem:v55+s5+$0x0], $0xffff;
	v40 =	vadd.f32 v62, v61  }
0xb1: {  	s12 =	sshll.u32 s11, $0x2;
	s24 =	sor.u32 s13, s7;
	s7 =	simm.s32 $0x30;
	[tilespmem:s14+$0x1C600] =	vst v24;
	v24 =	vld.idx.msk [tilespmem:v25+s5+$0x0], $0xffff;
	v32 =	vadd.f32 v17, v60;
	v42 =	vtrunc.f32 v28;
	v37 =	vcvt.f32.s32 v63  }
.LBB2_3:
0xb2: {  	p1 =	sne.s32 s7, $0x1F0;
	v35 =	vmul.f32 v29, v35;
	v43 =	vld.idx.msk [tilespmem:v25+s26+$0x0], $0xffff;
	v17 =	vadd.f32 v41, v40;
	v25 =	vmul.f32 v21, v19  }
0xb3: {  	v40 =	vcvt.f32.s32 v22;
	v41 =	vcvt.f32.s32 v42;
	v22 =	vmul.u32 $0x21, v37;
	v42 =	vld.idx.msk [tilespmem:v12+s5+$0x0], $0xffff  }
0xb4: {  	v21 =	vmul.f32 v29, v36;
	v29 =	vld.idx.msk [tilespmem:v12+s26+$0x0], $0xffff;
	v12 =	vadd.f32 v25, v17;
	v20 =	vmul.f32 v20, v35  }
0xb5: {  	v33 =	vadd.f32 v3, v33;
	v25 =	vmul.u32 $0x441, v41;
	v17 =	vmul.f32 v23, v19;
	v36 =	vld.idx.msk [tilespmem:v11+s5+$0x0], $0xffff  }
0xb6: {  	v3 =	vadd.s32 v40, v22;
	v22 =	vmul.f32 v26, v21;
	v11 =	vld.idx.msk [tilespmem:v11+s26+$0x0], $0xffff;
	v12 =	vadd.f32 v20, v12  }
0xb7: {  	v44 =	vadd.s32 v25, v3;
	v20 =	vmul.f32 v24, v38;
	v3 =	vmul.f32 v39, v19;
	v25 =	vld.idx.msk [tilespmem:v10+s5+$0x0], $0xffff  }
0xb8: {  	v31 =	vmul.f32 v31, v35;
	v19 =	vmul.f32 v43, v38;
	v23 =	vld.idx.msk [tilespmem:v10+s26+$0x0], $0xffff;
	v24 =	vadd.f32 v22, v12  }
0xb9: {  	v32 =	vadd.f32 v2, v32;
	v34 =	vmul.f32 v34, v35;
	v22 =	vmul.f32 v42, v13;
	v12 =	vld.idx.msk [tilespmem:v7+s5+$0x0], $0xffff  }
0xba: {  	v10 =	vadd.s32 $0x463, v44;
	v13 =	vmul.f32 v29, v13;
	v26 =	vld.idx.msk [tilespmem:v7+s26+$0x0], $0xffff;
	[tilespmem:s15+$0x1C600] =	vst v24;
	v7 =	vadd.f32 v1, v33  }
0xbb: {  	v35 =	vmul.f32 v8, v21;
	v2 =	vmovc v31;
	v33 =	vadd.s32 $0x462, v44;
	v24 =	vmul.f32 v36, v14;
	v1 =	vmovc v34  }
0xbc: {  	v8 =	vmul.f32 $3.200000000e+01, v16;
	v31 =	vadd.s32 $0x442, v44;
	v14 =	vmul.f32 v11, v14;
	v34 =	vld.idx.msk [tilespmem:v44+s5+$0x0], $0xffff  }
0xbd: {  	v16 =	vadd.s32 $0x441, v44;
	v29 =	vmul.f32 $3.200000000e+01, v18;
	v11 =	vmul.f32 $3.200000000e+01, v15;
	v36 =	vld.idx.msk [tilespmem:v44+s26+$0x0], $0xffff  }
0xbe: {  	v18 =	vcvt.s32.f32 v37;
	v37 =	vadd.s32 $0x22, v44;
	v15 =	vcvt.s32.f32 v40;
	v38 =	vld.idx.msk [tilespmem:v44+s28+$0x0], $0xffff  }
0xbf: {  	v39 =	vcvt.s32.f32 v41;
	v42 =	vtrunc.f32 v8;
	v40 =	vadd.s32 $0x21, v44;
	v41 =	vld.idx.msk [tilespmem:v10+s5+$0x0], $0xffff  }
0xc0: {  	v18 =	vsub.f32 v30, v18;
	v15 =	vsub.f32 v27, v15;
	v27 =	vadd.s32 $0x1, v44;
	v30 =	vld.idx.msk [tilespmem:v33+s5+$0x0], $0xffff  }
0xc1: {  	v32 =	vadd.f32 v0, v32;
	v0 =	vmovc v35;
	v45 =	vtrunc.f32 v11;
	v44 =	vtrunc.f32 v29;
	v43 =	vld.idx.msk [tilespmem:v31+s5+$0x0], $0xffff  }
0xc2: {  	v28 =	vsub.f32 v28, v39;
	v42 =	vcvt.f32.s32 v42;
	v35 =	vmul.f32 v18, v15;
	v39 =	vld.idx.msk [tilespmem:v16+s5+$0x0], $0xffff  }
0xc3: {  	v47 =	vsub.f32 $1.000000000e+00, v18;
	v45 =	vcvt.f32.s32 v45;
	v46 =	vsub.f32 $1.000000000e+00, v15;
	v48 =	vld.idx.msk [tilespmem:v37+s5+$0x0], $0xffff;
	[tilespmem:s14+$0x1BE00] =	vst v32  }
0xc4: {  	v44 =	vcvt.f32.s32 v44;
	v49 =	vmul.f32 v28, v35;
	v32 =	vsub.f32 $1.000000000e+00, v28;
	v50 =	vld.idx.msk [tilespmem:v40+s5+$0x0], $0xffff  }
0xc5: {  	v7 =	vadd.f32 v9, v7;
	v51 =	vmul.f32 v47, v46;
	v18 =	vmul.f32 v18, v46;
	v46 =	vld.idx.msk [tilespmem:v27+s5+$0x0], $0xffff  }
0xc6: {  	v9 =	vmul.f32 v47, v15;
	v15 =	vmul.f32 v32, v35;
	v35 =	vld.idx.msk [tilespmem:v27+s26+$0x0], $0xffff  }
0xc7: {  	v52 =	vmul.f32 v28, v18;
	v47 =	vmul.f32 v32, v51;
	v27 =	vld.idx.msk [tilespmem:v27+s28+$0x0], $0xffff;
	[tilespmem:s14+$0x1C200] =	vst v7;
	s14 =	smov.u32 s15;
	s15 =	smov.u32 s8  }
0xc8: {  	v53 =	vmul.u32 $0x21, v44;
	v7 =	vmul.f32 v51, v28;
	v28 =	vmul.f32 v9, v28;
	v51 =	vld.idx.msk [tilespmem:v40+s26+$0x0], $0xffff  }
0xc9: {  	v54 =	vmul.u32 $0x441, v45;
	v9 =	vmul.f32 v32, v9;
	v34 =	vmul.f32 v47, v34;
	v40 =	vld.idx.msk [tilespmem:v40+s28+$0x0], $0xffff  }
0xca: {  	v53 =	vadd.s32 v42, v53;
	v18 =	vmul.f32 v32, v18;
	v32 =	vmul.f32 v47, v36;
	v36 =	vld.idx.msk [tilespmem:v37+s26+$0x0], $0xffff  }
0xcb: {  	v38 =	vmul.f32 v47, v38;
	v34 =	vadd.f32 $0.0e+00, v34;
	v46 =	vmul.f32 v9, v46;
	v37 =	vld.idx.msk [tilespmem:v37+s28+$0x0], $0xffff  }
0xcc: {  	v32 =	vadd.f32 $0.0e+00, v32;
	v47 =	vmul.f32 v50, v18;
	v35 =	vmul.f32 v9, v35;
	v50 =	vld.idx.msk [tilespmem:v16+s26+$0x0], $0xffff  }
0xcd: {  	v38 =	vadd.f32 $0.0e+00, v38;
	v34 =	vadd.f32 v34, v46;
	v9 =	vmul.f32 v27, v9;
	v16 =	vld.idx.msk [tilespmem:v16+s28+$0x0], $0xffff  }
0xce: {  	v27 =	vadd.f32 v32, v35;
	v32 =	vmul.f32 v51, v18;
	v35 =	vmul.f32 v48, v15;
	v46 =	vld.idx.msk [tilespmem:v31+s26+$0x0], $0xffff  }
0xcf: {  	v9 =	vadd.f32 v38, v9;
	v34 =	vadd.f32 v34, v47;
	v18 =	vmul.f32 v40, v18;
	v31 =	vld.idx.msk [tilespmem:v31+s28+$0x0], $0xffff  }
0xd0: {  	v27 =	vadd.f32 v32, v27;
	v32 =	vmul.f32 v36, v15;
	v36 =	vmul.f32 v39, v7;
	v38 =	vld.idx.msk [tilespmem:v33+s26+$0x0], $0xffff  }
0xd1: {  	v9 =	vadd.f32 v18, v9;
	v18 =	vadd.f32 v35, v34;
	v15 =	vmul.f32 v37, v15;
	v33 =	vld.idx.msk [tilespmem:v33+s28+$0x0], $0xffff  }
0xd2: {  	v34 =	vmul.f32 v43, v28;
	v27 =	vadd.f32 v32, v27;
	v32 =	vmul.f32 v50, v7;
	v35 =	vld.idx.msk [tilespmem:v10+s26+$0x0], $0xffff  }
0xd3: {  	v9 =	vadd.f32 v15, v9;
	v15 =	vadd.f32 v36, v18;
	v7 =	vmul.f32 v16, v7;
	v10 =	vld.idx.msk [tilespmem:v10+s28+$0x0], $0xffff  }
0xd4: {  	v16 =	vadd.f32 v32, v27;
	v18 =	vmul.f32 v46, v28;
	v27 =	vmul.f32 v30, v52  }
0xd5: {  	v7 =	vadd.f32 v7, v9;
	v9 =	vadd.f32 v34, v15;
	v15 =	vmul.f32 v31, v28  }
0xd6: {  	s20 =	sadd.s32 $0x20, s20;
	v28 =	vmul.f32 v41, v49;
	v16 =	vadd.f32 v18, v16;
	v18 =	vmul.f32 v38, v52  }
0xd7: {  	s10 =	sand.u32 $0x300, s20;
	s8 =	sand.u32 $0x70, s7;
	v15 =	vadd.f32 v15, v7;
	v9 =	vadd.f32 v27, v9;
	v27 =	vmul.f32 v33, v52  }
0xd8: {  	s8 =	sor.u32 s8, s10;
	v7 =	vadd.s32 v54, v53;
	v18 =	vadd.f32 v18, v16;
	v30 =	vmul.f32 v35, v49  }
0xd9: {  	v27 =	vadd.f32 v27, v15;
	v9 =	vadd.f32 v28, v9;
	v10 =	vmul.f32 v10, v49;
	v16 =	vld [tilespmem:s8+$0x1A600]  }
0xda: {  	v31 =	vcvt.s32.f32 v44;
	v28 =	vadd.f32 v30, v18;
	v30 =	vcvt.s32.f32 v42;
	v15 =	vld [tilespmem:s8+$0x1AE00]  }
0xdb: {  	v27 =	vadd.f32 v10, v27;
	v10 =	vadd.s32 $0x1, v7;
	v18 =	vld [tilespmem:s8+$0x1AA00];
	[tilespmem:s15+$0x1BD80] =	vst v9;
	v9 =	vcvt.s32.f32 v45  }
0xdc: {  	v32 =	vld [tilespmem:s8+$0x1A580];
	[tilespmem:s15+$0x1C180] =	vst v28;
	v28 =	vsub.f32 v8, v30;
	v30 =	vsub.f32 v29, v31;
	v31 =	vadd.s32 $0x463, v7  }
0xdd: {  	v8 =	vmul.f32 v6, v12;
	v33 =	vld [tilespmem:s8+$0x1AD80];
	[tilespmem:s15+$0x1C580] =	vst v27;
	v29 =	vsub.f32 v11, v9;
	v11 =	vadd.s32 $0x21, v7  }
0xde: {  	v6 =	vmul.f32 v6, v26;
	v9 =	vsub.f32 $1.000000000e+00, v28;
	v27 =	vsub.f32 $1.000000000e+00, v30;
	v34 =	vld.idx.msk [tilespmem:v7+s28+$0x0], $0xffff  }
0xdf: {  	v35 =	vmul.f32 v5, v25;
	v12 =	vadd.s32 $0x22, v7;
	v26 =	vadd.f32 $0.0e+00, v8;
	v37 =	vld [tilespmem:s8+$0x1A980]  }
0xe0: {  	v36 =	vadd.f32 $0.0e+00, v6;
	v38 =	vsub.f32 $1.000000000e+00, v29;
	v39 =	vmul.f32 v27, v9;
	v40 =	vld.idx.msk [tilespmem:v10+s28+$0x0], $0xffff  }
0xe1: {  	v25 =	vadd.s32 $0x441, v7;
	v5 =	vmul.f32 v5, v23;
	v26 =	vadd.f32 v26, v35;
	v8 =	vld.idx.msk [tilespmem:v31+s5+$0x0], $0xffff  }
0xe2: {  	v23 =	vadd.s32 $0x462, v7;
	v41 =	vmul.f32 v27, v28;
	v6 =	vmul.f32 v38, v39;
	v42 =	vld.idx.msk [tilespmem:v11+s28+$0x0], $0xffff  }
0xe3: {  	v43 =	vadd.s32 $0x442, v7;
	v35 =	vmul.f32 v30, v9;
	v9 =	vadd.f32 v36, v5;
	v44 =	vld.idx.msk [tilespmem:v31+s26+$0x0], $0xffff  }
0xe4: {  	v5 =	vmul.f32 v38, v41;
	v24 =	vadd.f32 v26, v24;
	v27 =	vmul.f32 v6, v34;
	v45 =	vld.idx.msk [tilespmem:v12+s28+$0x0], $0xffff  }
0xe5: {  	v36 =	vmul.f32 v30, v28;
	v28 =	vadd.f32 v14, v9;
	v9 =	vmul.f32 v4, v21;
	v26 =	vld.idx.msk [tilespmem:v31+s28+$0x0], $0xffff  }
0xe6: {  	v14 =	vmul.f32 v38, v35;
	v21 =	vmul.f32 v40, v5;
	v48 =	vadd.f32 $0.0e+00, v27;
	v46 =	vld.idx.msk [tilespmem:v25+s28+$0x0], $0xffff  }
0xe7: {  	v22 =	vadd.f32 v22, v24;
	v24 =	vadd.f32 v13, v28;
	v27 =	vmul.f32 $3.200000000e+01, v32;
	v31 =	vld.idx.msk [tilespmem:v23+s5+$0x0], $0xffff  }
0xe8: {  	v13 =	vmul.f32 v38, v36;
	v40 =	vmul.f32 v42, v14;
	v32 =	vadd.f32 v48, v21;
	v21 =	vld.idx.msk [tilespmem:v43+s28+$0x0], $0xffff  }
.Ltmp2:
0xe9: {  	v30 =	vmul.f32 $3.200000000e+01, v37;
	v28 =	vmul.f32 $3.200000000e+01, v33;
	v47 =	vadd.f32 v20, v22;
	v4 =	vmovc v44;
	v34 =	vld.idx.msk [tilespmem:v23+s26+$0x0], $0xffff;
	(pc) =	sbr.rel @p1 .LBB2_3-.Ltmp2, $4  }
0xea: {  	v38 =	vmul.f32 v39, v29;
	v37 =	vmul.f32 v45, v13;
	v32 =	vadd.f32 v40, v32;
	v20 =	vld.idx.msk [tilespmem:v23+s28+$0x0], $0xffff  }
0xeb: {  	v33 =	vadd.f32 v19, v24;
	v42 =	vtrunc.f32 v30;
	v22 =	vtrunc.f32 v27;
	v23 =	vld.idx.msk [tilespmem:v43+s5+$0x0], $0xffff  }
0xec: {  	v19 =	vmul.f32 v41, v29;
	v41 =	vmul.f32 v46, v38;
	v40 =	vadd.f32 v37, v32;
	v39 =	vld.idx.msk [tilespmem:v43+s26+$0x0], $0xffff  }
0xed: {  	s7 =	sadd.s32 $0x10, s7;
	v37 =	vcvt.f32.s32 v42;
	v42 =	vtrunc.f32 v28;
	v32 =	vadd.f32 v17, v47;
	v24 =	vld.idx.msk [tilespmem:v25+s5+$0x0], $0xffff  }
0xee: {  	v17 =	vmul.f32 v29, v35;
	v60 =	vcvt.f32.s32 v42  }
0xef: {  	v61 =	vcvt.f32.s32 v22;
	v22 =	vmul.f32 v29, v36  }
0xf0: {  	v29 =	vmul.f32 v21, v19;
	v16 =	vmul.f32 $3.200000000e+01, v16  }
0xf1: {  	v59 =	vadd.f32 v41, v40;
	v18 =	vmul.f32 $3.200000000e+01, v18;
	v15 =	vmul.f32 $3.200000000e+01, v15  }
0xf2: {  	v62 =	vmul.u32 $0x21, v37;
	v58 =	vcvt.s32.f32 v37;
	v63 =	vmul.f32 v20, v17  }
0xf3: {  	v20 =	vmul.u32 $0x441, v60;
	v21 =	vmul.f32 v23, v19;
	v42 =	vmul.f32 v26, v22  }
0xf4: {  	v29 =	vadd.f32 v29, v59;
	v57 =	vcvt.s32.f32 v61;
	v23 =	vadd.s32 v61, v62  }
0xf5: {  	v25 =	vld.idx.msk [tilespmem:v25+s26+$0x0], $0xffff;
	v40 =	vcvt.s32.f32 v60;
	v59 =	vtrunc.f32 v16;
	v45 =	vadd.s32 v20, v23  }
0xf6: {  	v43 =	vld.idx.msk [tilespmem:v12+s5+$0x0], $0xffff;
	v33 =	vadd.f32 v3, v33;
	v48 =	vtrunc.f32 v18;
	v50 =	vtrunc.f32 v15  }
0xf7: {  	v44 =	vld.idx.msk [tilespmem:v11+s5+$0x0], $0xffff;
	v8 =	vmul.f32 v8, v22;
	v30 =	vsub.f32 v30, v58;
	v23 =	vmul.f32 v24, v38  }
0xf8: {  	v20 =	vmul.f32 v39, v19;
	v19 =	vmul.f32 v31, v17;
	v31 =	vadd.s32 $0x463, v45  }
0xf9: {  	v17 =	vmul.f32 v34, v17;
	v27 =	vsub.f32 v27, v57;
	v35 =	vadd.s32 $0x442, v45  }
0xfa: {  	v28 =	vsub.f32 v28, v40;
	v29 =	vadd.f32 v63, v29;
	v41 =	vadd.s32 $0x441, v45;
	v39 =	vld.idx.msk [tilespmem:v45+s5+$0x0], $0xffff  }
0xfb: {  	v24 =	vmul.f32 v25, v38;
	v25 =	vmul.f32 v43, v13;
	v46 =	vadd.s32 $0x1, v45;
	v43 =	vld.idx.msk [tilespmem:v45+s26+$0x0], $0xffff  }
0xfc: {  	v26 =	vmul.f32 v44, v14;
	v38 =	vadd.s32 $0x21, v45;
	v52 =	vsub.f32 $1.000000000e+00, v30;
	v37 =	vld.idx.msk [tilespmem:v45+s28+$0x0], $0xffff  }
0xfd: {  	v44 =	vcvt.f32.s32 v59;
	v60 =	vmul.f32 v30, v27;
	v51 =	vsub.f32 $1.000000000e+00, v27;
	v47 =	vld.idx.msk [tilespmem:v31+s5+$0x0], $0xffff  }
0xfe: {  	v3 =	vadd.f32 v42, v29;
	v42 =	vcvt.f32.s32 v48;
	v48 =	vcvt.f32.s32 v50;
	v53 =	vld.idx.msk [tilespmem:v35+s5+$0x0], $0xffff  }
0xff: {  	v54 =	vsub.f32 $1.000000000e+00, v28;
	v27 =	vmul.f32 v52, v27;
	v55 =	vmul.f32 v28, v60;
	v56 =	vld.idx.msk [tilespmem:v41+s5+$0x0], $0xffff  }
0x100: {  	v57 =	vmul.f32 v52, v51;
	v30 =	vmul.f32 v30, v51;
	v61 =	vld.idx.msk [tilespmem:v46+s5+$0x0], $0xffff  }
0x101: {  	v34 =	vadd.s32 $0x462, v45;
	v40 =	vmul.f32 v54, v60;
	v51 =	vcvt.s32.f32 v44;
	v62 =	vld.idx.msk [tilespmem:v46+s26+$0x0], $0xffff  }
0x102: {  	v45 =	vadd.s32 $0x22, v45;
	v63 =	vmul.f32 v54, v57;
	v58 =	vmul.f32 v28, v30;
	v46 =	vld.idx.msk [tilespmem:v46+s28+$0x0], $0xffff  }
0x103: {  	v57 =	vmul.f32 v57, v28;
	v29 =	vmul.f32 v54, v30;
	v30 =	vld.idx.msk [tilespmem:v38+s5+$0x0], $0xffff  }
0x104: {  	v28 =	vmul.f32 v27, v28;
	v27 =	vmul.f32 v54, v27;
	v59 =	vld.idx.msk [tilespmem:v38+s26+$0x0], $0xffff  }
0x105: {  	v2 =	vadd.f32 v2, v32;
	v38 =	vld.idx.msk [tilespmem:v38+s28+$0x0], $0xffff;
	v39 =	vmul.f32 v63, v39;
	v54 =	vmul.f32 v63, v43  }
0x106: {  	v1 =	vadd.f32 v1, v33;
	v52 =	vld.idx.msk [tilespmem:v35+s26+$0x0], $0xffff;
	v37 =	vmul.f32 v63, v37;
	v60 =	vmul.f32 v27, v61  }
0x107: {  	v16 =	vsub.f32 v16, v51;
	v32 =	vld.idx.msk [tilespmem:v45+s5+$0x0], $0xffff;
	v36 =	vmul.f32 v27, v62;
	v27 =	vmul.f32 v46, v27  }
0x108: {  	v61 =	vld.idx.msk [tilespmem:v45+s26+$0x0], $0xffff;
	v30 =	vmul.f32 v30, v29;
	v62 =	vmul.u32 $0x21, v42;
	v39 =	vadd.f32 $0.0e+00, v39  }
0x109: {  	v45 =	vld.idx.msk [tilespmem:v45+s28+$0x0], $0xffff;
	v43 =	vmul.f32 v59, v29;
	v33 =	vadd.f32 $0.0e+00, v54;
	v37 =	vadd.f32 $0.0e+00, v37  }
0x10a: {  	v63 =	vld.idx.msk [tilespmem:v41+s26+$0x0], $0xffff;
	v29 =	vmul.f32 v38, v29;
	v56 =	vmul.f32 v56, v57;
	v39 =	vadd.f32 v39, v60  }
0x10b: {  	v41 =	vld.idx.msk [tilespmem:v41+s28+$0x0], $0xffff;
	v47 =	vmul.f32 v47, v55;
	v33 =	vadd.f32 v33, v36;
	v27 =	vadd.f32 v37, v27  }
0x10c: {  	v35 =	vld.idx.msk [tilespmem:v35+s28+$0x0], $0xffff;
	v36 =	vadd.s32 v44, v62;
	v32 =	vmul.f32 v32, v40;
	v30 =	vadd.f32 v39, v30  }
0x10d: {  	v49 =	vld.idx.msk [tilespmem:v34+s5+$0x0], $0xffff;
	v62 =	vmul.f32 v53, v28;
	v33 =	vadd.f32 v43, v33;
	v54 =	vmul.f32 v61, v40  }
0x10e: {  	v59 =	vld.idx.msk [tilespmem:v34+s26+$0x0], $0xffff;
	v27 =	vadd.f32 v29, v27;
	v29 =	vadd.f32 v32, v30;
	v30 =	vmul.f32 v45, v40  }
0x10f: {  	v60 =	vld.idx.msk [tilespmem:v34+s28+$0x0], $0xffff;
	v39 =	vmul.u32 $0x441, v48;
	v61 =	vmul.f32 v63, v57;
	v33 =	vadd.f32 v54, v33  }
0x110: {  	v63 =	vld.idx.msk [tilespmem:v31+s26+$0x0], $0xffff;
	v27 =	vadd.f32 v30, v27;
	v29 =	vadd.f32 v56, v29;
	v30 =	vmul.f32 v41, v57  }
0x111: {  	v31 =	vld.idx.msk [tilespmem:v31+s28+$0x0], $0xffff;
	v43 =	vmul.f32 v52, v28;
	v28 =	vmul.f32 v35, v28;
	v33 =	vadd.f32 v61, v33  }
0x112: {  	v45 =	vmul.f32 v49, v58;
	v27 =	vadd.f32 v30, v27;
	v29 =	vadd.f32 v62, v29  }
0x113: {  	v46 =	vmul.f32 v59, v58;
	v52 =	vcvt.s32.f32 v42;
	v30 =	vadd.f32 v43, v33  }
0x114: {  	v27 =	vadd.f32 v28, v27;
	v28 =	vadd.f32 v45, v29;
	v29 =	vmul.f32 v60, v58  }
0x115: {  	v11 =	vld.idx.msk [tilespmem:v11+s26+$0x0], $0xffff;
	v50 =	vadd.s32 v39, v36;
	v49 =	vmul.f32 v63, v55;
	v30 =	vadd.f32 v46, v30  }
0x116: {  	v27 =	vadd.f32 v29, v27;
	v28 =	vadd.f32 v47, v28;
	v29 =	vmul.f32 v31, v55;
	v31 =	vld.idx.msk [tilespmem:v7+s5+$0x0], $0xffff  }
0x117: {  	v53 =	vld.idx.msk [tilespmem:v10+s5+$0x0], $0xffff;
	v18 =	vsub.f32 v18, v52;
	v36 =	vadd.s32 $0x1, v50;
	v30 =	vadd.f32 v49, v30  }
0x118: {  	v54 =	vadd.s32 $0x441, v50;
	v7 =	vld.idx.msk [tilespmem:v7+s26+$0x0], $0xffff;
	v27 =	vadd.f32 v29, v27;
	v29 =	vcvt.s32.f32 v48;
	[tilespmem:s8+$0x1BD80] =	vst v28  }
0x119: {  	v12 =	vld.idx.msk [tilespmem:v12+s26+$0x0], $0xffff;
	v4 =	vmul.f32 v4, v22;
	v58 =	vadd.s32 $0x462, v50;
	[tilespmem:s8+$0x1C180] =	vst v30;
	v30 =	vsub.f32 $1.000000000e+00, v18  }
0x11a: {  	v11 =	vmul.f32 v11, v14;
	v10 =	vld.idx.msk [tilespmem:v10+s26+$0x0], $0xffff;
	v14 =	vsub.f32 v15, v29;
	[tilespmem:s8+$0x1C580] =	vst v27;
	v27 =	vsub.f32 $1.000000000e+00, v16  }
0x11b: {  	v0 =	vadd.f32 v0, v2;
	v28 =	vadd.s32 $0x21, v50;
	v2 =	vmul.f32 v6, v31;
	v31 =	vld.idx.msk [tilespmem:v50+s28+$0x0], $0xffff  }
0x11c: {  	v1 =	vadd.f32 v9, v1;
	v57 =	vld.idx.msk [tilespmem:v36+s28+$0x0], $0xffff;
	v55 =	vsub.f32 $1.000000000e+00, v14;
	v56 =	vmul.f32 v30, v27  }
0x11d: {  	v15 =	vadd.s32 $0x22, v50;
	v6 =	vmul.f32 v6, v7;
	v7 =	vmul.f32 v5, v53;
	v62 =	vld.idx.msk [tilespmem:v54+s28+$0x0], $0xffff  }
0x11e: {  	v63 =	vld.idx.msk [tilespmem:v58+s28+$0x0], $0xffff;
	v30 =	vmul.f32 v30, v16;
	v2 =	vadd.f32 $0.0e+00, v2;
	v60 =	vmul.f32 v55, v56  }
0x11f: {  	v39 =	vadd.s32 $0x442, v50;
	v5 =	vmul.f32 v5, v10;
	v42 =	vld.idx.msk [tilespmem:v36+s26+$0x0], $0xffff;
	v6 =	vadd.f32 $0.0e+00, v6  }
0x120: {  	v59 =	vld.idx.msk [tilespmem:v28+s28+$0x0], $0xffff;
	v9 =	vmul.f32 v55, v30;
	v2 =	vadd.f32 v2, v7;
	v31 =	vmul.f32 v60, v31  }
0x121: {  	v10 =	vmul.f32 v18, v27;
	v22 =	vld.idx.msk [tilespmem:v28+s5+$0x0], $0xffff;
	v5 =	vadd.f32 v6, v5;
	v6 =	vmul.f32 v18, v16  }
0x122: {  	v61 =	vld.idx.msk [tilespmem:v15+s28+$0x0], $0xffff;
	v2 =	vadd.f32 v2, v26;
	v18 =	vadd.f32 $0.0e+00, v31;
	v31 =	vmul.f32 v57, v9  }
0x123: {  	v12 =	vmul.f32 v12, v13;
	v16 =	vmul.f32 v55, v10;
	v5 =	vadd.f32 v11, v5;
	v11 =	vld.idx.msk [tilespmem:v50+s5+$0x0], $0xffff  }
0x124: {  	v29 =	vadd.s32 $0x463, v50;
	v2 =	vadd.f32 v25, v2;
	v18 =	vadd.f32 v18, v31;
	v31 =	vld.idx.msk [tilespmem:v50+s26+$0x0], $0xffff  }
0x125: {  	v13 =	vmul.f32 v55, v6;
	v26 =	vmul.f32 v59, v16;
	v5 =	vadd.f32 v12, v5;
	v12 =	vld.idx.msk [tilespmem:v36+s5+$0x0], $0xffff  }
0x126: {  	v7 =	vld.idx.msk [tilespmem:v39+s28+$0x0], $0xffff;
	v10 =	vmul.f32 v14, v10;
	v25 =	vmul.f32 v56, v14;
	v2 =	vadd.f32 v23, v2  }
0x127: {  	v5 =	vadd.f32 v24, v5;
	v24 =	vld.idx.msk [tilespmem:v28+s26+$0x0], $0xffff;
	v18 =	vadd.f32 v26, v18;
	v26 =	vmul.f32 v61, v13  }
0x128: {  	v6 =	vmul.f32 v14, v6;
	v11 =	vmul.f32 v60, v11;
	v2 =	vadd.f32 v21, v2;
	v21 =	vld.idx.msk [tilespmem:v15+s5+$0x0], $0xffff  }
0x129: {  	v23 =	vmul.f32 v62, v25;
	v15 =	vld.idx.msk [tilespmem:v15+s26+$0x0], $0xffff;
	v18 =	vadd.f32 v26, v18;
	v28 =	vmul.f32 v60, v31  }
0x12a: {  	v26 =	vmul.f32 v30, v14;
	v11 =	vadd.f32 $0.0e+00, v11;
	v12 =	vmul.f32 v9, v12;
	v30 =	vld.idx.msk [tilespmem:v54+s26+$0x0], $0xffff  }
0x12b: {  	v9 =	vmul.f32 v9, v42;
	v18 =	vadd.f32 v23, v18;
	v23 =	vld.idx.msk [tilespmem:v54+s5+$0x0], $0xffff;
	v28 =	vadd.f32 $0.0e+00, v28  }
0x12c: {  	v22 =	vmul.f32 v22, v16;
	v14 =	vld.idx.msk [tilespmem:v58+s26+$0x0], $0xffff;
	v7 =	vmul.f32 v7, v26;
	v11 =	vadd.f32 v11, v12  }
0x12d: {  	v12 =	vld.idx.msk [tilespmem:v39+s5+$0x0], $0xffff;
	v16 =	vmul.f32 v24, v16;
	v9 =	vadd.f32 v28, v9  }
0x12e: {  	v7 =	vadd.f32 v7, v18;
	v18 =	vld.idx.msk [tilespmem:v39+s26+$0x0], $0xffff;
	v21 =	vmul.f32 v21, v13;
	v11 =	vadd.f32 v11, v22  }
0x12f: {  	v5 =	vadd.f32 v20, v5;
	v22 =	vld.idx.msk [tilespmem:v58+s5+$0x0], $0xffff;
	v13 =	vmul.f32 v15, v13;
	v9 =	vadd.f32 v16, v9  }
0x130: {  	v27 =	vld.idx.msk [tilespmem:v29+s28+$0x0], $0xffff;
	v2 =	vadd.f32 v19, v2;
	v11 =	vadd.f32 v21, v11;
	v15 =	vmul.f32 v23, v25  }
0x131: {  	v5 =	vadd.f32 v17, v5;
	v16 =	vld.idx.msk [tilespmem:v29+s5+$0x0], $0xffff;
	v23 =	vmul.f32 v30, v25;
	v9 =	vadd.f32 v13, v9  }
0x132: {  	v24 =	vmul.f32 v63, v10;
	v12 =	vmul.f32 v12, v26;
	v13 =	vld.idx.msk [tilespmem:v29+s26+$0x0], $0xffff;
	v11 =	vadd.f32 v15, v11  }
0x133: {  	[tilespmem:s14+$0x1BE00] =	vst v0;
	v2 =	vadd.f32 v8, v2;
	v15 =	vmul.f32 v18, v26;
	v9 =	vadd.f32 v23, v9  }
0x134: {  	[tilespmem:s15+$0x1C600] =	vst v3;
	v0 =	vmul.f32 v14, v10;
	v3 =	vmul.f32 v22, v10;
	v11 =	vadd.f32 v12, v11  }
0x135: {  	v7 =	vadd.f32 v24, v7;
	v21 =	vmul.f32 v27, v6;
	v9 =	vadd.f32 v15, v9  }
0x136: {  	[tilespmem:s14+$0x1C200] =	vst v1;
	v4 =	vadd.f32 v4, v5;
	v1 =	vmul.f32 v16, v6;
	v3 =	vadd.f32 v3, v11  }
0x137: {  	[tilespmem:s15+$0x1BE00] =	vst v2;
	v7 =	vadd.f32 v21, v7;
	v5 =	vmul.f32 v13, v6;
	v0 =	vadd.f32 v0, v9  }
0x138: {  	[tilespmem:s15+$0x1C200] =	vst v4;
	v1 =	vadd.f32 v1, v3  }
0x139: {  	[tilespmem:s8+$0x1C600] =	vst v7;
	v0 =	vadd.f32 v5, v0  }
0x13a: {  	s7 =	sshrl.u32 s24, $0x3;
	[tilespmem:s8+$0x1BE00] =	vst v1  }
0x13b: {  	s7 =	sadd.s32 s3, s7;
	[tilespmem:s8+$0x1C200] =	vst v0  }
0x13c: {  	[hbm4b:s7+s16] =	stream.strided.scatter [tilespmem:s29], [sflag:$0x4], $0x400, s17, s16, $0x38;
	[tilespmem:$0x1D580] =	vst v63  }
0x13d: {  	s10 =	sadd.s32 $0x8000, s7  }
0x13e: {  	[hbm4b:s10+s16] =	stream.strided.scatter [tilespmem:s30], [sflag:$0x4], $0x400, s17, s16, $0x38;
	[tilespmem:$0x1D580] =	vst v63  }
0x13f: {  	p1 =	seq.s32 s11, $0x1F;
	s7 =	sadd.s32 $0x10000, s7  }
0x140: {  	[hbm4b:s7+s16] =	stream.strided.scatter [tilespmem:s31], [sflag:$0x4], $0x400, s17, s16, $0x38;
	[tilespmem:$0x1D580] =	vst v63  }
0x141: {  	s7 =	sadd.s32 @!p1 $0x4, s12  }
0x142: {  	s8 =	sadd.s32 @!p1 s9, s7  }
0x143: {  	s8 =	sshll.u32 @!p1 s8, $0x9  }
0x144: {  	s7 =	sshll.u32 @!p1 s7, $0x7;
	s8 =	sand.u32 @!p1 $0x7F000, s8  }
0x145: {  	s7 =	sand.u32 @!p1 $0x200, s7;
	s8 =	sadd.s32 @!p1 s4, s8  }
0x146: {  	s7 =	sor.u32 @!p1 s7, s8  }
0x147: {  	s14 =	simm.s32 @!p1 $0x1A580;
	s7 =	sshrl.u32 @!p1 s7, $0x3  }
0x148: {  	s10 =	simm.s32 @!p1 $0x400;
	s8 =	simm.s32 @!p1 $0x100;
	s7 =	sadd.s32 @!p1 s1, s7  }
0x149: {  	[tilespmem:s14], [sflag:$0x2] =	stream.strided.gather @!p1 [hbm4b:s7+s8], $0x400, s10, s8, $0x38;
	[tilespmem:$0x1D580] =	vst v63  }
0x14a: {  	s15 =	simm.s32 @!p1 $0x1A980;
	s14 =	sadd.s32 @!p1 $0x8000, s7  }
0x14b: {  	[tilespmem:s15], [sflag:$0x2] =	stream.strided.gather @!p1 [hbm4b:s14+s8], $0x400, s10, s8, $0x38;
	[tilespmem:$0x1D580] =	vst v63  }
0x14c: {  	s7 =	sadd.s32 @!p1 $0x10000, s7;
	s14 =	simm.s32 @!p1 $0x1AD80  }
0x14d: {  	[tilespmem:s14], [sflag:$0x2] =	stream.strided.gather @!p1 [hbm4b:s7+s8], $0x400, s10, s8, $0x38;
	[tilespmem:$0x1D580] =	vst v63  }
0x14e: {  	_ =	swait.ge [sflag:s2], $0xC00  }
0x14f: {  	[sflag:s2] =	ssyncset.done $0x0  }
0x150: {  	s7 =	simm.s32 @!p0 $0x5;
	[sflag:s2] =	ssyncadd.s32 $0xFFFFF400  }
0x151: {  	s14 =	simm.s32 $0x0;
	_ =	swait.ge @!p0 [sflag:s7], $0xC00  }
0x152: {  	s15 =	sand.u32 $0x70, s14;
	s8 =	sand.u32 $0x300, s14;
	[sflag:s7] =	ssyncset.done @!p0 $0x0  }
0x153: {  	s14 =	sor.u32 s15, s8;
	[sflag:s7] =	ssyncadd.s32 @!p0 $0xFFFFF400  }
0x154: {  	v0 =	vld [tilespmem:s14+$0x1B580]  }
0x155: {  	v1 =	vld [tilespmem:s14+$0x1B980]  }
0x156: {  	v2 =	vld [tilespmem:s14+$0x1B180];
	_ =	sdelay $0x2  }
0x157: {  	v0 =	vmul.f32 $3.200000000e+01, v0  }
0x158: {  	v1 =	vmul.f32 $3.200000000e+01, v1  }
0x159: {  	v2 =	vmul.f32 $3.200000000e+01, v2;
	v3 =	vtrunc.f32 v0  }
0x15a: {  	v4 =	vtrunc.f32 v1;
	v3 =	vcvt.f32.s32 v3  }
0x15b: {  	v5 =	vtrunc.f32 v2;
	v4 =	vcvt.f32.s32 v4  }
0x15c: {  	v7 =	vld [tilespmem:s14+$0x1B200];
	v5 =	vcvt.f32.s32 v5;
	v6 =	vmul.u32 $0x21, v3  }
0x15d: {  	v9 =	vld [tilespmem:s14+$0x1BA00];
	v8 =	vmul.u32 $0x441, v4  }
0x15e: {  	v10 =	vld [tilespmem:s14+$0x1B600];
	v6 =	vadd.s32 v5, v6  }
0x15f: {  	v6 =	vadd.s32 v8, v6;
	_ =	sdelay $0x2  }
0x160: {  	v12 =	vmul.f32 $3.200000000e+01, v7;
	v8 =	vadd.s32 $0x463, v6  }
0x161: {  	v10 =	vmul.f32 $3.200000000e+01, v10;
	v9 =	vmul.f32 $3.200000000e+01, v9;
	v11 =	vadd.s32 $0x462, v6  }
0x162: {  	v20 =	vtrunc.f32 v12;
	v3 =	vcvt.s32.f32 v3;
	v14 =	vadd.s32 $0x441, v6;
	v13 =	vld.idx.msk [tilespmem:v6+s5+$0x0], $0xffff  }
0x163: {  	v21 =	vtrunc.f32 v9;
	v5 =	vcvt.s32.f32 v5;
	v16 =	vadd.s32 $0x22, v6;
	v15 =	vld.idx.msk [tilespmem:v6+s26+$0x0], $0xffff  }
0x164: {  	v4 =	vcvt.s32.f32 v4;
	v0 =	vsub.f32 v0, v3;
	v18 =	vadd.s32 $0x21, v6;
	v17 =	vld.idx.msk [tilespmem:v6+s28+$0x0], $0xffff  }
0x165: {  	v20 =	vcvt.f32.s32 v20;
	v2 =	vsub.f32 v2, v5;
	v3 =	vadd.s32 $0x1, v6;
	v19 =	vld.idx.msk [tilespmem:v8+s5+$0x0], $0xffff  }
0x166: {  	v21 =	vcvt.f32.s32 v21;
	v1 =	vsub.f32 v1, v4;
	v25 =	vsub.f32 $1.000000000e+00, v0;
	v5 =	vld.idx.msk [tilespmem:v11+s5+$0x0], $0xffff  }
0x167: {  	v7 =	vadd.s32 $0x442, v6;
	v4 =	vmul.f32 v0, v2;
	v24 =	vsub.f32 $1.000000000e+00, v2;
	v23 =	vld.idx.msk [tilespmem:v14+s5+$0x0], $0xffff  }
0x168: {  	v27 =	vsub.f32 $1.000000000e+00, v1;
	v2 =	vmul.f32 v25, v2;
	v6 =	vtrunc.f32 v10;
	v26 =	vld.idx.msk [tilespmem:v16+s5+$0x0], $0xffff  }
0x169: {  	v28 =	vmul.f32 v1, v4;
	v30 =	vmul.f32 v25, v24;
	v29 =	vld.idx.msk [tilespmem:v18+s5+$0x0], $0xffff  }
0x16a: {  	v0 =	vmul.f32 v0, v24;
	v4 =	vmul.f32 v27, v4;
	v24 =	vld.idx.msk [tilespmem:v3+s5+$0x0], $0xffff  }
0x16b: {  	v6 =	vcvt.f32.s32 v6;
	v25 =	vld.idx.msk [tilespmem:v3+s26+$0x0], $0xffff;
	v31 =	vmul.f32 v27, v30  }
0x16c: {  	v3 =	vld.idx.msk [tilespmem:v3+s28+$0x0], $0xffff;
	v43 =	vmul.f32 v1, v0;
	v30 =	vmul.f32 v30, v1  }
0x16d: {  	v45 =	vld.idx.msk [tilespmem:v18+s26+$0x0], $0xffff;
	v1 =	vmul.f32 v2, v1;
	v2 =	vmul.f32 v27, v2  }
0x16e: {  	v46 =	vmul.u32 $0x441, v21;
	v18 =	vld.idx.msk [tilespmem:v18+s28+$0x0], $0xffff;
	v0 =	vmul.f32 v27, v0;
	v13 =	vmul.f32 v31, v13  }
0x16f: {  	v47 =	vld.idx.msk [tilespmem:v16+s26+$0x0], $0xffff;
	v44 =	vmul.u32 $0x21, v6;
	v6 =	vcvt.s32.f32 v6;
	v15 =	vmul.f32 v31, v15  }
0x170: {  	v16 =	vld.idx.msk [tilespmem:v16+s28+$0x0], $0xffff;
	v17 =	vmul.f32 v31, v17;
	v24 =	vmul.f32 v2, v24;
	v13 =	vadd.f32 $0.0e+00, v13  }
0x171: {  	v31 =	vld.idx.msk [tilespmem:v14+s26+$0x0], $0xffff;
	v25 =	vmul.f32 v2, v25;
	v29 =	vmul.f32 v29, v0;
	v15 =	vadd.f32 $0.0e+00, v15  }
0x172: {  	v2 =	vmul.f32 v3, v2;
	v3 =	vld.idx.msk [tilespmem:v14+s28+$0x0], $0xffff;
	v17 =	vadd.f32 $0.0e+00, v17;
	v13 =	vadd.f32 v13, v24  }
0x173: {  	v22 =	vld.idx.msk [tilespmem:v7+s5+$0x0], $0xffff;
	v14 =	vadd.f32 v15, v25;
	v15 =	vmul.f32 v45, v0;
	v24 =	vmul.f32 v26, v4  }
0x174: {  	v25 =	vld.idx.msk [tilespmem:v7+s26+$0x0], $0xffff;
	v2 =	vadd.f32 v17, v2;
	v0 =	vmul.f32 v18, v0;
	v13 =	vadd.f32 v13, v29  }
0x175: {  	v7 =	vld.idx.msk [tilespmem:v7+s28+$0x0], $0xffff;
	v17 =	vmul.f32 v23, v30;
	v14 =	vadd.f32 v15, v14;
	v15 =	vmul.f32 v47, v4  }
0x176: {  	v18 =	vld.idx.msk [tilespmem:v11+s26+$0x0], $0xffff;
	v0 =	vadd.f32 v0, v2;
	v4 =	vmul.f32 v16, v4;
	v2 =	vadd.f32 v24, v13  }
0x177: {  	v11 =	vld.idx.msk [tilespmem:v11+s28+$0x0], $0xffff;
	v3 =	vmul.f32 v3, v30;
	v13 =	vadd.f32 v15, v14;
	v14 =	vmul.f32 v31, v30  }
0x178: {  	v16 =	vld.idx.msk [tilespmem:v8+s26+$0x0], $0xffff;
	v15 =	vmul.f32 v22, v1;
	v0 =	vadd.f32 v4, v0;
	v2 =	vadd.f32 v17, v2  }
0x179: {  	v5 =	vmul.f32 v5, v43;
	v4 =	vld.idx.msk [tilespmem:v8+s28+$0x0], $0xffff;
	v8 =	vadd.f32 v14, v13;
	v13 =	vmul.f32 v25, v1  }
0x17a: {  	v0 =	vadd.f32 v3, v0;
	v1 =	vmul.f32 v7, v1;
	v2 =	vadd.f32 v15, v2  }
0x17b: {  	v7 =	vmul.f32 v18, v43;
	v3 =	vadd.f32 v13, v8;
	v8 =	vmul.f32 v19, v28  }
0x17c: {  	v0 =	vadd.f32 v1, v0;
	v1 =	vadd.f32 v5, v2;
	v2 =	vmul.f32 v11, v43  }
0x17d: {  	v27 =	vadd.s32 v20, v44;
	v3 =	vadd.f32 v7, v3;
	v7 =	vmul.f32 v16, v28  }
0x17e: {  	s20 =	simm.s32 $0x10;
	s24 =	simm.s32 $0x20;
	v5 =	vadd.s32 v46, v27;
	v0 =	vadd.f32 v2, v0;
	v1 =	vadd.f32 v8, v1  }
0x17f: {  	s8 =	sand.u32 $0x300, s24;
	s7 =	sand.u32 $0x70, s20;
	v2 =	vmul.f32 v4, v28;
	v3 =	vadd.f32 v7, v3;
	v4 =	vcvt.s32.f32 v20  }
0x180: {  	s15 =	sor.u32 s7, s8;
	v10 =	vsub.f32 v10, v6;
	v7 =	vadd.s32 $0x1, v5;
	[tilespmem:s14+$0x1C980] =	vst v1  }
0x181: {  	v15 =	vld [tilespmem:s15+$0x1B580];
	v0 =	vadd.f32 v2, v0;
	v1 =	vcvt.s32.f32 v21;
	[tilespmem:s14+$0x1CD80] =	vst v3;
	v3 =	vsub.f32 v12, v4  }
0x182: {  	v6 =	vsub.f32 $1.000000000e+00, v10;
	v13 =	vld [tilespmem:s15+$0x1B980]  }
0x183: {  	v11 =	vld [tilespmem:s15+$0x1BA00];
	[tilespmem:s14+$0x1D180] =	vst v0;
	v0 =	vsub.f32 v9, v1;
	v1 =	vadd.s32 $0x21, v5;
	v4 =	vsub.f32 $1.000000000e+00, v3  }
0x184: {  	v9 =	vld.idx.msk [tilespmem:v5+s28+$0x0], $0xffff  }
0x185: {  	v14 =	vadd.s32 $0x22, v5;
	v8 =	vld [tilespmem:s15+$0x1B200];
	v16 =	vsub.f32 $1.000000000e+00, v0;
	v17 =	vmul.f32 v6, v4  }
0x186: {  	v19 =	vadd.s32 $0x441, v5;
	v15 =	vmul.f32 $3.200000000e+01, v15;
	v18 =	vld.idx.msk [tilespmem:v7+s28+$0x0], $0xffff  }
0x187: {  	v20 =	vadd.s32 $0x462, v5;
	v2 =	vld [tilespmem:s15+$0x1B180];
	v21 =	vmul.f32 v6, v3;
	v6 =	vmul.f32 v16, v17  }
0x188: {  	v48 =	vmul.f32 $3.200000000e+01, v13;
	v25 =	vmul.f32 v10, v4;
	v22 =	vld.idx.msk [tilespmem:v1+s28+$0x0], $0xffff  }
0x189: {  	v55 =	vld [tilespmem:s15+$0x1B600];
	v24 =	vadd.s32 $0x442, v5;
	v4 =	vmul.f32 v16, v21;
	v9 =	vmul.f32 v6, v9  }
0x18a: {  	v11 =	vmul.f32 $3.200000000e+01, v11;
	v3 =	vmul.f32 v10, v3;
	v26 =	vld.idx.msk [tilespmem:v14+s28+$0x0], $0xffff  }
0x18b: {  	v10 =	vld.idx.msk [tilespmem:v19+s28+$0x0], $0xffff;
	v28 =	vmul.f32 v16, v25;
	v18 =	vmul.f32 v18, v4;
	v9 =	vadd.f32 $0.0e+00, v9  }
0x18c: {  	v29 =	vld.idx.msk [tilespmem:v20+s5+$0x0], $0xffff;
	v8 =	vmul.f32 $3.200000000e+01, v8;
	v30 =	vmul.f32 $3.200000000e+01, v2  }
0x18d: {  	v49 =	vld.idx.msk [tilespmem:v19+s5+$0x0], $0xffff;
	v31 =	vmul.f32 v16, v3;
	v9 =	vadd.f32 v9, v18;
	v16 =	vmul.f32 v22, v28  }
0x18e: {  	v2 =	vld.idx.msk [tilespmem:v24+s28+$0x0], $0xffff;
	v13 =	vmul.f32 v17, v0;
	v21 =	vmul.f32 v21, v0  }
0x18f: {  	v52 =	vld.idx.msk [tilespmem:v14+s5+$0x0], $0xffff;
	v25 =	vmul.f32 v0, v25;
	v9 =	vadd.f32 v16, v9;
	v16 =	vmul.f32 v26, v31  }
0x190: {  	v12 =	vadd.s32 $0x463, v5;
	v19 =	vld.idx.msk [tilespmem:v19+s26+$0x0], $0xffff;
	v10 =	vmul.f32 v10, v13;
	v26 =	vtrunc.f32 v15  }
0x191: {  	v17 =	vld.idx.msk [tilespmem:v20+s28+$0x0], $0xffff;
	v26 =	vcvt.f32.s32 v26;
	v9 =	vadd.f32 v16, v9;
	v16 =	vtrunc.f32 v48  }
0x192: {  	v18 =	vld.idx.msk [tilespmem:v20+s26+$0x0], $0xffff;
	v20 =	vtrunc.f32 v30;
	v51 =	vcvt.f32.s32 v16  }
0x193: {  	v50 =	vmul.f32 v2, v21;
	v22 =	vld.idx.msk [tilespmem:v24+s5+$0x0], $0xffff;
	v53 =	vcvt.f32.s32 v20;
	v2 =	vmul.u32 $0x21, v26  }
0x194: {  	v10 =	vadd.f32 v10, v9;
	v9 =	vmul.f32 v0, v3;
	v0 =	vld.idx.msk [tilespmem:v14+s26+$0x0], $0xffff;
	v3 =	vmul.u32 $0x441, v51  }
0x195: {  	v59 =	vtrunc.f32 v11;
	v57 =	vtrunc.f32 v8;
	v14 =	vld.idx.msk [tilespmem:v1+s5+$0x0], $0xffff;
	v2 =	vadd.s32 v53, v2  }
0x196: {  	v41 =	vcvt.f32.s32 v59;
	v23 =	vld.idx.msk [tilespmem:v12+s5+$0x0], $0xffff;
	v40 =	vcvt.f32.s32 v57;
	v56 =	vadd.s32 v3, v2  }
0x197: {  	v27 =	vld.idx.msk [tilespmem:v12+s28+$0x0], $0xffff;
	v19 =	vmul.f32 v19, v13;
	v17 =	vmul.f32 v17, v25  }
0x198: {  	v24 =	vld.idx.msk [tilespmem:v24+s26+$0x0], $0xffff;
	v20 =	vmul.f32 v49, v13;
	v16 =	vmul.f32 v22, v21  }
0x199: {  	v54 =	vld.idx.msk [tilespmem:v1+s26+$0x0], $0xffff;
	v26 =	vcvt.s32.f32 v26;
	v1 =	vmul.f32 v18, v25;
	v18 =	vadd.s32 $0x463, v56  }
0x19a: {  	v2 =	vmul.f32 v29, v25;
	v25 =	vadd.s32 $0x462, v56;
	v22 =	vmul.f32 v14, v28;
	v14 =	vld.idx.msk [tilespmem:v12+s26+$0x0], $0xffff  }
0x19b: {  	v13 =	vmul.f32 v52, v31;
	v35 =	vcvt.s32.f32 v51;
	v34 =	vadd.s32 $0x22, v56;
	v29 =	vld.idx.msk [tilespmem:v56+s5+$0x0], $0xffff  }
0x19c: {  	v15 =	vsub.f32 v15, v26;
	v10 =	vadd.f32 v50, v10;
	v37 =	vadd.s32 $0x21, v56;
	v33 =	vld.idx.msk [tilespmem:v56+s26+$0x0], $0xffff  }
0x19d: {  	v3 =	vmul.f32 v24, v21;
	v24 =	vcvt.s32.f32 v53;
	v26 =	vadd.s32 $0x1, v56;
	v36 =	vld.idx.msk [tilespmem:v56+s28+$0x0], $0xffff  }
0x19e: {  	v27 =	vmul.f32 v27, v9;
	v32 =	vsub.f32 v48, v35;
	v62 =	vsub.f32 $1.000000000e+00, v15;
	v38 =	vld.idx.msk [tilespmem:v18+s5+$0x0], $0xffff  }
0x19f: {  	v21 =	vmul.f32 v0, v31;
	v0 =	vmul.f32 v23, v9;
	v24 =	vsub.f32 v30, v24;
	v30 =	vld.idx.msk [tilespmem:v25+s5+$0x0], $0xffff  }
0x1a0: {  	v10 =	vadd.f32 v17, v10;
	v23 =	vmul.f32 v54, v28;
	v12 =	vmul.f32 $3.200000000e+01, v55;
	v46 =	vld.idx.msk [tilespmem:v34+s5+$0x0], $0xffff  }
0x1a1: {  	v28 =	vadd.s32 $0x442, v56;
	v31 =	vadd.s32 $0x441, v56;
	v63 =	vsub.f32 $1.000000000e+00, v32;
	v17 =	vld.idx.msk [tilespmem:v37+s5+$0x0], $0xffff  }
0x1a2: {  	v58 =	vtrunc.f32 v12;
	v60 =	vmul.f32 v15, v24;
	v61 =	vsub.f32 $1.000000000e+00, v24;
	v56 =	vld.idx.msk [tilespmem:v26+s5+$0x0], $0xffff  }
0x1a3: {  	v45 =	vmul.f32 v62, v24;
	v24 =	vadd.f32 v27, v10;
	v39 =	vcvt.f32.s32 v58;
	v10 =	vld.idx.msk [tilespmem:v26+s26+$0x0], $0xffff  }
0x1a4: {  	v55 =	vmul.f32 v62, v61;
	v15 =	vmul.f32 v15, v61;
	v26 =	vld.idx.msk [tilespmem:v26+s28+$0x0], $0xffff  }
0x1a5: {  	v48 =	vmul.f32 v32, v60;
	v35 =	vmul.f32 v63, v60;
	v58 =	vld.idx.msk [tilespmem:v37+s26+$0x0], $0xffff  }
0x1a6: {  	v37 =	vld.idx.msk [tilespmem:v37+s28+$0x0], $0xffff;
	v27 =	vmul.f32 v63, v55;
	v50 =	vmul.f32 v32, v15  }
0x1a7: {  	v61 =	vld.idx.msk [tilespmem:v34+s26+$0x0], $0xffff;
	v49 =	vmul.f32 v55, v32;
	v32 =	vmul.f32 v45, v32  }
0x1a8: {  	v34 =	vld.idx.msk [tilespmem:v34+s28+$0x0], $0xffff;
	v45 =	vmul.f32 v63, v45;
	v15 =	vmul.f32 v63, v15  }
0x1a9: {  	v42 =	vld.idx.msk [tilespmem:v28+s5+$0x0], $0xffff;
	v29 =	vmul.f32 v27, v29;
	v33 =	vmul.f32 v27, v33  }
0x1aa: {  	v43 =	vld.idx.msk [tilespmem:v31+s5+$0x0], $0xffff;
	v27 =	vmul.f32 v27, v36;
	v62 =	vmul.f32 v45, v56  }
0x1ab: {  	v63 =	vld.idx.msk [tilespmem:v31+s26+$0x0], $0xffff;
	v10 =	vmul.f32 v45, v10;
	v29 =	vadd.f32 $0.0e+00, v29;
	v33 =	vadd.f32 $0.0e+00, v33  }
0x1ac: {  	v31 =	vld.idx.msk [tilespmem:v31+s28+$0x0], $0xffff;
	v17 =	vmul.f32 v17, v15;
	v26 =	vmul.f32 v26, v45;
	v27 =	vadd.f32 $0.0e+00, v27  }
0x1ad: {  	v55 =	vld.idx.msk [tilespmem:v28+s26+$0x0], $0xffff;
	v52 =	vmul.f32 v58, v15;
	v29 =	vadd.f32 v29, v62;
	v10 =	vadd.f32 v33, v10  }
0x1ae: {  	v54 =	vmul.f32 v46, v35;
	v15 =	vmul.f32 v37, v15;
	v56 =	vld.idx.msk [tilespmem:v25+s26+$0x0], $0xffff;
	v26 =	vadd.f32 v27, v26  }
0x1af: {  	v27 =	vld.idx.msk [tilespmem:v28+s28+$0x0], $0xffff;
	v28 =	vmul.f32 v61, v35;
	v17 =	vadd.f32 v29, v17;
	v10 =	vadd.f32 v52, v10  }
0x1b0: {  	v57 =	vmul.u32 $0x21, v39;
	v25 =	vld.idx.msk [tilespmem:v25+s28+$0x0], $0xffff;
	v15 =	vadd.f32 v15, v26;
	v26 =	vmul.f32 v34, v35  }
0x1b1: {  	v58 =	vld.idx.msk [tilespmem:v18+s26+$0x0], $0xffff;
	v29 =	vmul.f32 v43, v49;
	v17 =	vadd.f32 v54, v17;
	v10 =	vadd.f32 v28, v10  }
0x1b2: {  	v28 =	vmul.f32 v63, v49;
	v15 =	vadd.f32 v26, v15;
	v26 =	vmul.f32 v31, v49;
	v31 =	vld.idx.msk [tilespmem:v5+s5+$0x0], $0xffff  }
0x1b3: {  	v59 =	vmul.u32 $0x441, v41;
	v60 =	vadd.s32 v40, v57;
	v57 =	vmul.f32 v42, v32;
	v5 =	vld.idx.msk [tilespmem:v5+s26+$0x0], $0xffff  }
0x1b4: {  	v18 =	vld.idx.msk [tilespmem:v18+s28+$0x0], $0xffff;
	v17 =	vadd.f32 v29, v17;
	v10 =	vadd.f32 v28, v10;
	v28 =	vmul.f32 v55, v32  }
0x1b5: {  	v29 =	vmul.f32 v30, v50;
	v30 =	vld.idx.msk [tilespmem:v7+s5+$0x0], $0xffff;
	v15 =	vadd.f32 v26, v15;
	v26 =	vmul.f32 v27, v32  }
0x1b6: {  	v27 =	vld.idx.msk [tilespmem:v7+s26+$0x0], $0xffff;
	v17 =	vadd.f32 v57, v17;
	v7 =	vadd.f32 v28, v10;
	v10 =	vmul.f32 v56, v50  }
0x1b7: {  	s20 =	simm.s32 $0x40;
	s8 =	simm.s32 $0x20;
	v25 =	vmul.f32 v25, v50;
	v28 =	vmul.f32 v38, v48;
	v15 =	vadd.f32 v26, v15  }
0x1b8: {  	s10 =	sand.u32 $0x300, s20;
	s7 =	sand.u32 $0x70, s8;
	v5 =	vmul.f32 v6, v5;
	v26 =	vadd.f32 v29, v17;
	v10 =	vadd.f32 v10, v7  }
0x1b9: {  	s8 =	sor.u32 s7, s10;
	v29 =	vmul.f32 v58, v48;
	v7 =	vadd.s32 v59, v60;
	v25 =	vadd.f32 v25, v15  }
0x1ba: {  	v62 =	vld [tilespmem:s8+$0x1B980];
	v59 =	vcvt.s32.f32 v40;
	v60 =	vcvt.s32.f32 v39;
	v61 =	vadd.s32 $0x463, v7  }
0x1bb: {  	v17 =	vld [tilespmem:s8+$0x1B200];
	v30 =	vmul.f32 v4, v30;
	v26 =	vadd.f32 v28, v26;
	v28 =	vmul.f32 v18, v48  }
0x1bc: {  	v15 =	vld [tilespmem:s8+$0x1BA00];
	v29 =	vadd.f32 v29, v10;
	v10 =	vadd.s32 $0x1, v7;
	v33 =	vsub.f32 v12, v60  }
0x1bd: {  	v18 =	vld [tilespmem:s8+$0x1B600];
	v32 =	vsub.f32 v8, v59;
	v25 =	vadd.f32 v28, v25;
	[tilespmem:s15+$0x1C980] =	vst v26;
	v26 =	vcvt.s32.f32 v41  }
0x1be: {  	v5 =	vadd.f32 $0.0e+00, v5;
	v8 =	vmul.f32 v6, v31;
	v48 =	vld [tilespmem:s8+$0x1B580];
	[tilespmem:s15+$0x1CD80] =	vst v29;
	v31 =	vsub.f32 $1.000000000e+00, v33  }
0x1bf: {  	v28 =	vld [tilespmem:s8+$0x1B180];
	[tilespmem:s15+$0x1D180] =	vst v25;
	v29 =	vsub.f32 v11, v26;
	v11 =	vadd.s32 $0x21, v7;
	v26 =	vsub.f32 $1.000000000e+00, v32  }
0x1c0: {  	v27 =	vmul.f32 v4, v27;
	v55 =	vadd.s32 $0x442, v7;
	v12 =	vadd.s32 $0x22, v7;
	v63 =	vld.idx.msk [tilespmem:v7+s28+$0x0], $0xffff  }
0x1c1: {  	v6 =	vadd.f32 $0.0e+00, v8;
	v51 =	vld.idx.msk [tilespmem:v10+s28+$0x0], $0xffff;
	v49 =	vsub.f32 $1.000000000e+00, v29;
	v50 =	vmul.f32 v31, v26  }
0x1c2: {  	v53 =	vadd.s32 $0x462, v7;
	v27 =	vadd.f32 v5, v27;
	v25 =	vadd.s32 $0x441, v7;
	v8 =	vld.idx.msk [tilespmem:v61+s5+$0x0], $0xffff  }
0x1c3: {  	v30 =	vadd.f32 v6, v30;
	v52 =	vmul.f32 v31, v32;
	v4 =	vld.idx.msk [tilespmem:v61+s26+$0x0], $0xffff;
	v6 =	vmul.f32 v49, v50  }
0x1c4: {  	v9 =	vmul.f32 v14, v9;
	v23 =	vadd.f32 v23, v27;
	v34 =	vmul.f32 v33, v26;
	v54 =	vld.idx.msk [tilespmem:v11+s28+$0x0], $0xffff  }
0x1c5: {  	v56 =	vld.idx.msk [tilespmem:v12+s28+$0x0], $0xffff;
	v5 =	vmul.f32 v49, v52;
	v31 =	vmul.f32 v6, v63  }
0x1c6: {  	v36 =	vmul.f32 v33, v32;
	v59 =	vadd.f32 v21, v23;
	v21 =	vld.idx.msk [tilespmem:v55+s28+$0x0], $0xffff;
	v22 =	vadd.f32 v30, v22  }
0x1c7: {  	v35 =	vld.idx.msk [tilespmem:v53+s26+$0x0], $0xffff;
	v14 =	vmul.f32 v49, v34;
	v57 =	vmul.f32 v51, v5;
	v30 =	vadd.f32 $0.0e+00, v31  }
0x1c8: {  	v27 =	vmul.f32 $3.200000000e+01, v28;
	v22 =	vadd.f32 v13, v22;
	v58 =	vld.idx.msk [tilespmem:v25+s28+$0x0], $0xffff  }
0x1c9: {  	v39 =	vld.idx.msk [tilespmem:v55+s26+$0x0], $0xffff;
	v13 =	vmul.f32 v49, v36;
	v23 =	vadd.f32 v30, v57;
	v60 =	vmul.f32 v54, v14  }
0x1ca: {  	s24 =	sadd.s32 s9, s12;
	v26 =	vld.idx.msk [tilespmem:v61+s28+$0x0], $0xffff;
	v28 =	vmul.f32 $3.200000000e+01, v62;
	v33 =	vadd.f32 v19, v59;
	v38 =	vmul.f32 v50, v29  }
0x1cb: {  	s7 =	sshll.u32 s24, $0x9;
	[tilespmem:s14+$0x1D200] =	vst v24;
	v24 =	vld.idx.msk [tilespmem:v25+s5+$0x0], $0xffff;
	v62 =	vmul.f32 v56, v13;
	v30 =	vmul.f32 $3.200000000e+01, v48;
	v32 =	vadd.f32 v60, v23  }
0x1cc: {  	s7 =	sand.u32 $0x3F000, s7;
	v19 =	vmul.f32 v52, v29;
	v42 =	vtrunc.f32 v28;
	v61 =	vadd.f32 v20, v22;
	v20 =	vld.idx.msk [tilespmem:v53+s28+$0x0], $0xffff  }
0x1cd: {  	s7 =	sor.u32 s7, s13;
	v41 =	vmul.f32 v58, v38;
	v63 =	vtrunc.f32 v30;
	v23 =	vld.idx.msk [tilespmem:v55+s5+$0x0], $0xffff;
	v40 =	vadd.f32 v62, v32  }
0x1ce: {  	s13 =	sor.u32 s4, s7;
	s7 =	simm.s32 $0x30;
	v22 =	vtrunc.f32 v27;
	v31 =	vld.idx.msk [tilespmem:v53+s5+$0x0], $0xffff;
	v37 =	vcvt.f32.s32 v63;
	v32 =	vadd.f32 v16, v61  }
.LBB2_5:
0x1cf: {  	p0 =	sne.s32 s7, $0x1F0;
	v34 =	vmul.f32 v29, v34;
	v43 =	vld.idx.msk [tilespmem:v25+s26+$0x0], $0xffff;
	v16 =	vadd.f32 v41, v40;
	v25 =	vmul.f32 v21, v19  }
0x1d0: {  	v40 =	vcvt.f32.s32 v22;
	v41 =	vcvt.f32.s32 v42;
	v22 =	vmul.u32 $0x21, v37;
	v42 =	vld.idx.msk [tilespmem:v12+s5+$0x0], $0xffff  }
0x1d1: {  	v21 =	vmul.f32 v29, v36;
	v29 =	vld.idx.msk [tilespmem:v12+s26+$0x0], $0xffff;
	v12 =	vadd.f32 v25, v16;
	v20 =	vmul.f32 v20, v34  }
0x1d2: {  	v33 =	vadd.f32 v3, v33;
	v25 =	vmul.u32 $0x441, v41;
	v16 =	vmul.f32 v23, v19;
	v36 =	vld.idx.msk [tilespmem:v11+s5+$0x0], $0xffff  }
0x1d3: {  	v3 =	vadd.s32 v40, v22;
	v22 =	vmul.f32 v26, v21;
	v11 =	vld.idx.msk [tilespmem:v11+s26+$0x0], $0xffff;
	v12 =	vadd.f32 v20, v12  }
0x1d4: {  	v44 =	vadd.s32 v25, v3;
	v20 =	vmul.f32 v24, v38;
	v3 =	vmul.f32 v39, v19;
	v25 =	vld.idx.msk [tilespmem:v10+s5+$0x0], $0xffff  }
0x1d5: {  	v31 =	vmul.f32 v31, v34;
	v19 =	vmul.f32 v43, v38;
	v23 =	vld.idx.msk [tilespmem:v10+s26+$0x0], $0xffff;
	v24 =	vadd.f32 v22, v12  }
0x1d6: {  	v32 =	vadd.f32 v2, v32;
	v34 =	vmul.f32 v35, v34;
	v22 =	vmul.f32 v42, v13;
	v12 =	vld.idx.msk [tilespmem:v7+s5+$0x0], $0xffff  }
0x1d7: {  	v10 =	vadd.s32 $0x463, v44;
	v13 =	vmul.f32 v29, v13;
	v26 =	vld.idx.msk [tilespmem:v7+s26+$0x0], $0xffff;
	[tilespmem:s15+$0x1D200] =	vst v24;
	v7 =	vadd.f32 v1, v33  }
0x1d8: {  	v35 =	vmul.f32 v8, v21;
	v2 =	vmovc v31;
	v33 =	vadd.s32 $0x462, v44;
	v24 =	vmul.f32 v36, v14;
	v1 =	vmovc v34  }
0x1d9: {  	v8 =	vmul.f32 $3.200000000e+01, v17;
	v31 =	vadd.s32 $0x442, v44;
	v14 =	vmul.f32 v11, v14;
	v34 =	vld.idx.msk [tilespmem:v44+s5+$0x0], $0xffff  }
0x1da: {  	v17 =	vadd.s32 $0x441, v44;
	v29 =	vmul.f32 $3.200000000e+01, v18;
	v11 =	vmul.f32 $3.200000000e+01, v15;
	v36 =	vld.idx.msk [tilespmem:v44+s26+$0x0], $0xffff  }
0x1db: {  	v18 =	vcvt.s32.f32 v37;
	v37 =	vadd.s32 $0x22, v44;
	v15 =	vcvt.s32.f32 v40;
	v38 =	vld.idx.msk [tilespmem:v44+s28+$0x0], $0xffff  }
0x1dc: {  	v39 =	vcvt.s32.f32 v41;
	v42 =	vtrunc.f32 v8;
	v40 =	vadd.s32 $0x21, v44;
	v41 =	vld.idx.msk [tilespmem:v10+s5+$0x0], $0xffff  }
0x1dd: {  	v18 =	vsub.f32 v30, v18;
	v15 =	vsub.f32 v27, v15;
	v27 =	vadd.s32 $0x1, v44;
	v30 =	vld.idx.msk [tilespmem:v33+s5+$0x0], $0xffff  }
0x1de: {  	v32 =	vadd.f32 v0, v32;
	v0 =	vmovc v35;
	v45 =	vtrunc.f32 v11;
	v44 =	vtrunc.f32 v29;
	v43 =	vld.idx.msk [tilespmem:v31+s5+$0x0], $0xffff  }
0x1df: {  	v28 =	vsub.f32 v28, v39;
	v42 =	vcvt.f32.s32 v42;
	v35 =	vmul.f32 v18, v15;
	v39 =	vld.idx.msk [tilespmem:v17+s5+$0x0], $0xffff  }
0x1e0: {  	v47 =	vsub.f32 $1.000000000e+00, v18;
	v45 =	vcvt.f32.s32 v45;
	v46 =	vsub.f32 $1.000000000e+00, v15;
	v48 =	vld.idx.msk [tilespmem:v37+s5+$0x0], $0xffff;
	[tilespmem:s14+$0x1CA00] =	vst v32  }
0x1e1: {  	v44 =	vcvt.f32.s32 v44;
	v49 =	vmul.f32 v28, v35;
	v32 =	vsub.f32 $1.000000000e+00, v28;
	v50 =	vld.idx.msk [tilespmem:v40+s5+$0x0], $0xffff  }
0x1e2: {  	v7 =	vadd.f32 v9, v7;
	v51 =	vmul.f32 v47, v46;
	v18 =	vmul.f32 v18, v46;
	v46 =	vld.idx.msk [tilespmem:v27+s5+$0x0], $0xffff  }
0x1e3: {  	v9 =	vmul.f32 v47, v15;
	v15 =	vmul.f32 v32, v35;
	v35 =	vld.idx.msk [tilespmem:v27+s26+$0x0], $0xffff  }
0x1e4: {  	v52 =	vmul.f32 v28, v18;
	v47 =	vmul.f32 v32, v51;
	v27 =	vld.idx.msk [tilespmem:v27+s28+$0x0], $0xffff;
	[tilespmem:s14+$0x1CE00] =	vst v7;
	s14 =	smov.u32 s15;
	s15 =	smov.u32 s8  }
0x1e5: {  	v53 =	vmul.u32 $0x21, v44;
	v7 =	vmul.f32 v51, v28;
	v28 =	vmul.f32 v9, v28;
	v51 =	vld.idx.msk [tilespmem:v40+s26+$0x0], $0xffff  }
0x1e6: {  	v54 =	vmul.u32 $0x441, v45;
	v9 =	vmul.f32 v32, v9;
	v34 =	vmul.f32 v47, v34;
	v40 =	vld.idx.msk [tilespmem:v40+s28+$0x0], $0xffff  }
0x1e7: {  	v53 =	vadd.s32 v42, v53;
	v18 =	vmul.f32 v32, v18;
	v32 =	vmul.f32 v47, v36;
	v36 =	vld.idx.msk [tilespmem:v37+s26+$0x0], $0xffff  }
0x1e8: {  	v38 =	vmul.f32 v47, v38;
	v34 =	vadd.f32 $0.0e+00, v34;
	v46 =	vmul.f32 v9, v46;
	v37 =	vld.idx.msk [tilespmem:v37+s28+$0x0], $0xffff  }
0x1e9: {  	v32 =	vadd.f32 $0.0e+00, v32;
	v47 =	vmul.f32 v50, v18;
	v35 =	vmul.f32 v9, v35;
	v50 =	vld.idx.msk [tilespmem:v17+s26+$0x0], $0xffff  }
0x1ea: {  	v38 =	vadd.f32 $0.0e+00, v38;
	v34 =	vadd.f32 v34, v46;
	v9 =	vmul.f32 v27, v9;
	v17 =	vld.idx.msk [tilespmem:v17+s28+$0x0], $0xffff  }
0x1eb: {  	v27 =	vadd.f32 v32, v35;
	v32 =	vmul.f32 v51, v18;
	v35 =	vmul.f32 v48, v15;
	v46 =	vld.idx.msk [tilespmem:v31+s26+$0x0], $0xffff  }
0x1ec: {  	v9 =	vadd.f32 v38, v9;
	v34 =	vadd.f32 v34, v47;
	v18 =	vmul.f32 v40, v18;
	v31 =	vld.idx.msk [tilespmem:v31+s28+$0x0], $0xffff  }
0x1ed: {  	v27 =	vadd.f32 v32, v27;
	v32 =	vmul.f32 v36, v15;
	v36 =	vmul.f32 v39, v7;
	v38 =	vld.idx.msk [tilespmem:v33+s26+$0x0], $0xffff  }
0x1ee: {  	v9 =	vadd.f32 v18, v9;
	v18 =	vadd.f32 v35, v34;
	v15 =	vmul.f32 v37, v15;
	v33 =	vld.idx.msk [tilespmem:v33+s28+$0x0], $0xffff  }
0x1ef: {  	v34 =	vmul.f32 v43, v28;
	v27 =	vadd.f32 v32, v27;
	v32 =	vmul.f32 v50, v7;
	v35 =	vld.idx.msk [tilespmem:v10+s26+$0x0], $0xffff  }
0x1f0: {  	v9 =	vadd.f32 v15, v9;
	v15 =	vadd.f32 v36, v18;
	v7 =	vmul.f32 v17, v7;
	v10 =	vld.idx.msk [tilespmem:v10+s28+$0x0], $0xffff  }
0x1f1: {  	v17 =	vadd.f32 v32, v27;
	v18 =	vmul.f32 v46, v28;
	v27 =	vmul.f32 v30, v52  }
0x1f2: {  	v7 =	vadd.f32 v7, v9;
	v9 =	vadd.f32 v34, v15;
	v15 =	vmul.f32 v31, v28  }
0x1f3: {  	s20 =	sadd.s32 $0x20, s20;
	v28 =	vmul.f32 v41, v49;
	v17 =	vadd.f32 v18, v17;
	v18 =	vmul.f32 v38, v52  }
0x1f4: {  	s10 =	sand.u32 $0x300, s20;
	s8 =	sand.u32 $0x70, s7;
	v15 =	vadd.f32 v15, v7;
	v9 =	vadd.f32 v27, v9;
	v27 =	vmul.f32 v33, v52  }
0x1f5: {  	s8 =	sor.u32 s8, s10;
	v7 =	vadd.s32 v54, v53;
	v18 =	vadd.f32 v18, v17;
	v30 =	vmul.f32 v35, v49  }
0x1f6: {  	v27 =	vadd.f32 v27, v15;
	v9 =	vadd.f32 v28, v9;
	v10 =	vmul.f32 v10, v49;
	v17 =	vld [tilespmem:s8+$0x1B200]  }
0x1f7: {  	v31 =	vcvt.s32.f32 v44;
	v28 =	vadd.f32 v30, v18;
	v30 =	vcvt.s32.f32 v42;
	v15 =	vld [tilespmem:s8+$0x1BA00]  }
0x1f8: {  	v27 =	vadd.f32 v10, v27;
	v10 =	vadd.s32 $0x1, v7;
	v18 =	vld [tilespmem:s8+$0x1B600];
	[tilespmem:s15+$0x1C980] =	vst v9;
	v9 =	vcvt.s32.f32 v45  }
0x1f9: {  	v32 =	vld [tilespmem:s8+$0x1B180];
	[tilespmem:s15+$0x1CD80] =	vst v28;
	v28 =	vsub.f32 v8, v30;
	v30 =	vsub.f32 v29, v31;
	v31 =	vadd.s32 $0x463, v7  }
0x1fa: {  	v8 =	vmul.f32 v6, v12;
	v33 =	vld [tilespmem:s8+$0x1B980];
	[tilespmem:s15+$0x1D180] =	vst v27;
	v29 =	vsub.f32 v11, v9;
	v11 =	vadd.s32 $0x21, v7  }
0x1fb: {  	v6 =	vmul.f32 v6, v26;
	v9 =	vsub.f32 $1.000000000e+00, v28;
	v27 =	vsub.f32 $1.000000000e+00, v30;
	v35 =	vld.idx.msk [tilespmem:v7+s28+$0x0], $0xffff  }
0x1fc: {  	v34 =	vmul.f32 v5, v25;
	v12 =	vadd.s32 $0x22, v7;
	v26 =	vadd.f32 $0.0e+00, v8;
	v37 =	vld [tilespmem:s8+$0x1B580]  }
0x1fd: {  	v36 =	vadd.f32 $0.0e+00, v6;
	v38 =	vsub.f32 $1.000000000e+00, v29;
	v39 =	vmul.f32 v27, v9;
	v40 =	vld.idx.msk [tilespmem:v10+s28+$0x0], $0xffff  }
0x1fe: {  	v5 =	vmul.f32 v5, v23;
	v25 =	vadd.s32 $0x441, v7;
	v26 =	vadd.f32 v26, v34;
	v8 =	vld.idx.msk [tilespmem:v31+s5+$0x0], $0xffff  }
0x1ff: {  	v23 =	vadd.s32 $0x462, v7;
	v41 =	vmul.f32 v27, v28;
	v6 =	vmul.f32 v38, v39;
	v42 =	vld.idx.msk [tilespmem:v11+s28+$0x0], $0xffff  }
0x200: {  	v43 =	vadd.s32 $0x442, v7;
	v34 =	vmul.f32 v30, v9;
	v9 =	vadd.f32 v36, v5;
	v44 =	vld.idx.msk [tilespmem:v31+s26+$0x0], $0xffff  }
0x201: {  	v5 =	vmul.f32 v38, v41;
	v24 =	vadd.f32 v26, v24;
	v27 =	vmul.f32 v6, v35;
	v45 =	vld.idx.msk [tilespmem:v12+s28+$0x0], $0xffff  }
0x202: {  	v36 =	vmul.f32 v30, v28;
	v28 =	vadd.f32 v14, v9;
	v9 =	vmul.f32 v4, v21;
	v26 =	vld.idx.msk [tilespmem:v31+s28+$0x0], $0xffff  }
0x203: {  	v14 =	vmul.f32 v38, v34;
	v21 =	vmul.f32 v40, v5;
	v48 =	vadd.f32 $0.0e+00, v27;
	v46 =	vld.idx.msk [tilespmem:v25+s28+$0x0], $0xffff  }
0x204: {  	v22 =	vadd.f32 v22, v24;
	v24 =	vadd.f32 v13, v28;
	v27 =	vmul.f32 $3.200000000e+01, v32;
	v31 =	vld.idx.msk [tilespmem:v23+s5+$0x0], $0xffff  }
0x205: {  	v13 =	vmul.f32 v38, v36;
	v40 =	vmul.f32 v42, v14;
	v32 =	vadd.f32 v48, v21;
	v21 =	vld.idx.msk [tilespmem:v43+s28+$0x0], $0xffff  }
.Ltmp3:
0x206: {  	v30 =	vmul.f32 $3.200000000e+01, v37;
	v28 =	vmul.f32 $3.200000000e+01, v33;
	v47 =	vadd.f32 v20, v22;
	v4 =	vmovc v44;
	v35 =	vld.idx.msk [tilespmem:v23+s26+$0x0], $0xffff;
	(pc) =	sbr.rel @p0 .LBB2_5-.Ltmp3, $4  }
0x207: {  	v38 =	vmul.f32 v39, v29;
	v37 =	vmul.f32 v45, v13;
	v32 =	vadd.f32 v40, v32;
	v20 =	vld.idx.msk [tilespmem:v23+s28+$0x0], $0xffff  }
0x208: {  	v33 =	vadd.f32 v19, v24;
	v42 =	vtrunc.f32 v30;
	v22 =	vtrunc.f32 v27;
	v23 =	vld.idx.msk [tilespmem:v43+s5+$0x0], $0xffff  }
0x209: {  	v19 =	vmul.f32 v41, v29;
	v41 =	vmul.f32 v46, v38;
	v40 =	vadd.f32 v37, v32;
	v39 =	vld.idx.msk [tilespmem:v43+s26+$0x0], $0xffff  }
0x20a: {  	s7 =	sadd.s32 $0x10, s7;
	v37 =	vcvt.f32.s32 v42;
	v42 =	vtrunc.f32 v28;
	v32 =	vadd.f32 v16, v47;
	v24 =	vld.idx.msk [tilespmem:v25+s5+$0x0], $0xffff  }
0x20b: {  	v16 =	vmul.f32 v29, v34;
	v56 =	vcvt.f32.s32 v42  }
0x20c: {  	v55 =	vadd.f32 v41, v40;
	v60 =	vcvt.f32.s32 v22;
	v61 =	vmul.u32 $0x21, v37  }
0x20d: {  	v22 =	vmul.f32 v29, v36;
	v62 =	vmul.f32 v21, v19;
	v57 =	vmul.u32 $0x441, v56  }
0x20e: {  	v17 =	vmul.f32 $3.200000000e+01, v17;
	v18 =	vmul.f32 $3.200000000e+01, v18;
	v58 =	vadd.s32 v60, v61  }
0x20f: {  	v25 =	vld.idx.msk [tilespmem:v25+s26+$0x0], $0xffff;
	v15 =	vmul.f32 $3.200000000e+01, v15;
	v63 =	vmul.f32 v20, v16;
	v45 =	vadd.s32 v57, v58  }
0x210: {  	v43 =	vld.idx.msk [tilespmem:v12+s5+$0x0], $0xffff;
	v33 =	vadd.f32 v3, v33;
	v21 =	vmul.f32 v23, v19;
	v42 =	vmul.f32 v26, v22  }
0x211: {  	v29 =	vadd.f32 v62, v55;
	v59 =	vcvt.s32.f32 v60;
	v40 =	vcvt.s32.f32 v56  }
0x212: {  	v20 =	vmul.f32 v39, v19;
	v19 =	vmul.f32 v31, v16;
	v31 =	vadd.s32 $0x463, v45  }
0x213: {  	v44 =	vld.idx.msk [tilespmem:v11+s5+$0x0], $0xffff;
	v48 =	vtrunc.f32 v18;
	v16 =	vmul.f32 v35, v16;
	v34 =	vadd.s32 $0x462, v45  }
0x214: {  	v60 =	vcvt.s32.f32 v37;
	v23 =	vmul.f32 v24, v38;
	v35 =	vadd.s32 $0x442, v45;
	v39 =	vld.idx.msk [tilespmem:v45+s5+$0x0], $0xffff  }
0x215: {  	v24 =	vmul.f32 v25, v38;
	v25 =	vmul.f32 v43, v13;
	v41 =	vadd.s32 $0x441, v45;
	v43 =	vld.idx.msk [tilespmem:v45+s26+$0x0], $0xffff  }
0x216: {  	v50 =	vtrunc.f32 v15;
	v27 =	vsub.f32 v27, v59;
	v46 =	vadd.s32 $0x1, v45;
	v37 =	vld.idx.msk [tilespmem:v45+s28+$0x0], $0xffff  }
0x217: {  	v61 =	vtrunc.f32 v17;
	v28 =	vsub.f32 v28, v40;
	v30 =	vsub.f32 v30, v60;
	v47 =	vld.idx.msk [tilespmem:v31+s5+$0x0], $0xffff  }
0x218: {  	v29 =	vadd.f32 v63, v29;
	v26 =	vmul.f32 v44, v14;
	v38 =	vadd.s32 $0x21, v45;
	v49 =	vld.idx.msk [tilespmem:v34+s5+$0x0], $0xffff  }
0x219: {  	v44 =	vcvt.f32.s32 v61;
	v51 =	vsub.f32 $1.000000000e+00, v27;
	v52 =	vsub.f32 $1.000000000e+00, v30;
	v53 =	vld.idx.msk [tilespmem:v35+s5+$0x0], $0xffff  }
0x21a: {  	v3 =	vadd.f32 v42, v29;
	v42 =	vcvt.f32.s32 v48;
	v62 =	vmul.f32 v30, v27;
	v56 =	vld.idx.msk [tilespmem:v41+s5+$0x0], $0xffff  }
0x21b: {  	v54 =	vsub.f32 $1.000000000e+00, v28;
	v30 =	vmul.f32 v30, v51;
	v57 =	vmul.f32 v52, v51;
	v51 =	vld.idx.msk [tilespmem:v46+s5+$0x0], $0xffff  }
0x21c: {  	v48 =	vcvt.f32.s32 v50;
	v55 =	vmul.f32 v28, v62;
	v36 =	vld.idx.msk [tilespmem:v46+s26+$0x0], $0xffff  }
0x21d: {  	v45 =	vadd.s32 $0x22, v45;
	v27 =	vmul.f32 v52, v27;
	v40 =	vmul.f32 v54, v62;
	v46 =	vld.idx.msk [tilespmem:v46+s28+$0x0], $0xffff  }
0x21e: {  	v58 =	vmul.f32 v28, v30;
	v29 =	vmul.f32 v54, v30;
	v59 =	vld.idx.msk [tilespmem:v38+s5+$0x0], $0xffff  }
0x21f: {  	v62 =	vld.idx.msk [tilespmem:v38+s26+$0x0], $0xffff;
	v63 =	vmul.f32 v54, v57;
	v57 =	vmul.f32 v57, v28  }
0x220: {  	v2 =	vadd.f32 v2, v32;
	v38 =	vld.idx.msk [tilespmem:v38+s28+$0x0], $0xffff;
	v28 =	vmul.f32 v27, v28;
	v27 =	vmul.f32 v54, v27  }
0x221: {  	v1 =	vadd.f32 v1, v33;
	v50 =	vld.idx.msk [tilespmem:v34+s26+$0x0], $0xffff;
	v39 =	vmul.f32 v63, v39;
	v61 =	vmul.f32 v63, v43  }
0x222: {  	v54 =	vmul.u32 $0x21, v42;
	v60 =	vld.idx.msk [tilespmem:v45+s5+$0x0], $0xffff;
	v37 =	vmul.f32 v63, v37;
	v63 =	vmul.f32 v27, v51  }
0x223: {  	v52 =	vld.idx.msk [tilespmem:v45+s26+$0x0], $0xffff;
	v36 =	vmul.f32 v27, v36;
	v27 =	vmul.f32 v46, v27;
	v39 =	vadd.f32 $0.0e+00, v39  }
0x224: {  	v45 =	vld.idx.msk [tilespmem:v45+s28+$0x0], $0xffff;
	v30 =	vmul.f32 v59, v29;
	v33 =	vadd.f32 $0.0e+00, v61;
	v37 =	vadd.f32 $0.0e+00, v37  }
0x225: {  	v59 =	vld.idx.msk [tilespmem:v41+s26+$0x0], $0xffff;
	v43 =	vmul.f32 v62, v29;
	v29 =	vmul.f32 v38, v29;
	v39 =	vadd.f32 v39, v63  }
0x226: {  	v41 =	vld.idx.msk [tilespmem:v41+s28+$0x0], $0xffff;
	v62 =	vmul.f32 v56, v57;
	v33 =	vadd.f32 v33, v36;
	v27 =	vadd.f32 v37, v27  }
0x227: {  	v51 =	vld.idx.msk [tilespmem:v34+s28+$0x0], $0xffff;
	v36 =	vadd.s32 v44, v54;
	v54 =	vmul.f32 v53, v28;
	v37 =	vmul.f32 v47, v55  }
0x228: {  	v53 =	vcvt.s32.f32 v48;
	v32 =	vmul.f32 v60, v40;
	v60 =	vld.idx.msk [tilespmem:v35+s26+$0x0], $0xffff;
	v30 =	vadd.f32 v39, v30  }
0x229: {  	v35 =	vld.idx.msk [tilespmem:v35+s28+$0x0], $0xffff;
	v61 =	vmul.f32 v52, v40;
	v45 =	vmul.f32 v45, v40;
	v33 =	vadd.f32 v43, v33  }
0x22a: {  	v56 =	vld.idx.msk [tilespmem:v31+s26+$0x0], $0xffff;
	v39 =	vmul.u32 $0x441, v48;
	v27 =	vadd.f32 v29, v27;
	v63 =	vadd.f32 v32, v30  }
0x22b: {  	v31 =	vld.idx.msk [tilespmem:v31+s28+$0x0], $0xffff;
	v52 =	vmul.f32 v59, v57;
	v59 =	vmul.f32 v41, v57;
	v33 =	vadd.f32 v61, v33  }
0x22c: {  	v43 =	vmul.f32 v51, v58;
	v27 =	vadd.f32 v45, v27;
	v29 =	vadd.f32 v62, v63  }
0x22d: {  	v61 =	vmul.f32 v49, v58;
	v33 =	vadd.f32 v52, v33;
	v60 =	vmul.f32 v60, v28  }
0x22e: {  	v45 =	vld.idx.msk [tilespmem:v11+s26+$0x0], $0xffff;
	v27 =	vadd.f32 v59, v27;
	v28 =	vmul.f32 v35, v28;
	v29 =	vadd.f32 v54, v29  }
0x22f: {  	v46 =	vmul.f32 v56, v55;
	v63 =	vmul.f32 v50, v58;
	v62 =	vadd.f32 v60, v33  }
0x230: {  	v47 =	vmul.f32 v31, v55;
	v27 =	vadd.f32 v28, v27;
	v41 =	vadd.f32 v61, v29  }
0x231: {  	v51 =	vcvt.s32.f32 v42;
	v50 =	vcvt.s32.f32 v44;
	v30 =	vadd.f32 v63, v62  }
0x232: {  	v12 =	vld.idx.msk [tilespmem:v12+s26+$0x0], $0xffff;
	v33 =	vadd.s32 v39, v36;
	v27 =	vadd.f32 v43, v27;
	v28 =	vadd.f32 v37, v41  }
0x233: {  	v55 =	vld.idx.msk [tilespmem:v10+s26+$0x0], $0xffff;
	v36 =	vadd.s32 $0x1, v33;
	v11 =	vmul.f32 v45, v14;
	v30 =	vadd.f32 v46, v30  }
0x234: {  	v49 =	vld.idx.msk [tilespmem:v7+s5+$0x0], $0xffff;
	v14 =	vsub.f32 v15, v53;
	v15 =	vadd.s32 $0x22, v33;
	v27 =	vadd.f32 v47, v27;
	[tilespmem:s8+$0x1C980] =	vst v28  }
0x235: {  	v8 =	vmul.f32 v8, v22;
	v4 =	vmul.f32 v4, v22;
	v54 =	vld.idx.msk [tilespmem:v7+s26+$0x0], $0xffff;
	v32 =	vadd.s32 $0x441, v33;
	[tilespmem:s8+$0x1CD80] =	vst v30  }
0x236: {  	v18 =	vsub.f32 v18, v51;
	v52 =	vld.idx.msk [tilespmem:v10+s5+$0x0], $0xffff;
	v17 =	vsub.f32 v17, v50;
	v39 =	vadd.s32 $0x442, v33;
	[tilespmem:s8+$0x1D180] =	vst v27  }
0x237: {  	v0 =	vadd.f32 v0, v2;
	v12 =	vmul.f32 v12, v13;
	v35 =	vadd.s32 $0x462, v33;
	v59 =	vld.idx.msk [tilespmem:v33+s28+$0x0], $0xffff  }
0x238: {  	v57 =	vsub.f32 $1.000000000e+00, v18;
	v48 =	vmul.f32 v5, v55;
	v56 =	vsub.f32 $1.000000000e+00, v17;
	v61 =	vld.idx.msk [tilespmem:v36+s28+$0x0], $0xffff  }
0x239: {  	v58 =	vmul.f32 v6, v49;
	v29 =	vadd.s32 $0x463, v33;
	v60 =	vsub.f32 $1.000000000e+00, v14;
	v47 =	vld.idx.msk [tilespmem:v15+s28+$0x0], $0xffff  }
0x23a: {  	v37 =	vmul.f32 v57, v56;
	v62 =	vmul.f32 v6, v54;
	v28 =	vadd.s32 $0x21, v33;
	v51 =	vld.idx.msk [tilespmem:v32+s28+$0x0], $0xffff  }
0x23b: {  	v63 =	vmul.f32 v5, v52;
	v2 =	vadd.f32 $0.0e+00, v58;
	v49 =	vmul.f32 v18, v56;
	v52 =	vld.idx.msk [tilespmem:v39+s28+$0x0], $0xffff  }
0x23c: {  	v30 =	vmul.f32 v57, v17;
	v46 =	vmul.f32 v60, v37;
	v6 =	vadd.f32 $0.0e+00, v62;
	v56 =	vld.idx.msk [tilespmem:v35+s28+$0x0], $0xffff  }
0x23d: {  	v2 =	vadd.f32 v2, v63;
	v53 =	vmul.f32 v60, v49;
	v10 =	vmul.f32 v14, v49;
	v57 =	vld.idx.msk [tilespmem:v33+s5+$0x0], $0xffff  }
0x23e: {  	v62 =	vmul.f32 v37, v14;
	v37 =	vld.idx.msk [tilespmem:v36+s26+$0x0], $0xffff;
	v5 =	vadd.f32 v6, v48;
	v6 =	vmul.f32 v18, v17  }
0x23f: {  	v2 =	vadd.f32 v2, v26;
	v50 =	vmul.f32 v60, v30;
	v44 =	vmul.f32 v30, v14;
	v45 =	vld.idx.msk [tilespmem:v28+s28+$0x0], $0xffff  }
0x240: {  	v1 =	vadd.f32 v9, v1;
	v58 =	vmul.f32 v60, v6;
	v60 =	vld.idx.msk [tilespmem:v33+s26+$0x0], $0xffff;
	v6 =	vmul.f32 v14, v6  }
0x241: {  	v2 =	vadd.f32 v25, v2;
	v31 =	vmul.f32 v46, v59;
	v55 =	vmul.f32 v61, v50;
	v61 =	vld.idx.msk [tilespmem:v36+s5+$0x0], $0xffff  }
0x242: {  	v27 =	vld.idx.msk [tilespmem:v29+s28+$0x0], $0xffff;
	v5 =	vadd.f32 v11, v5;
	v42 =	vmul.f32 v51, v62;
	v11 =	vmul.f32 v46, v57  }
0x243: {  	v2 =	vadd.f32 v23, v2;
	v40 =	vld.idx.msk [tilespmem:v28+s5+$0x0], $0xffff;
	v7 =	vmul.f32 v52, v44;
	v9 =	vmul.f32 v50, v37  }
0x244: {  	v43 =	vld.idx.msk [tilespmem:v28+s26+$0x0], $0xffff;
	v51 =	vmul.f32 v56, v10;
	v5 =	vadd.f32 v12, v5;
	v63 =	vmul.f32 v47, v58  }
0x245: {  	v54 =	vadd.f32 $0.0e+00, v31;
	v59 =	vmul.f32 v45, v53;
	v45 =	vld.idx.msk [tilespmem:v15+s5+$0x0], $0xffff;
	v46 =	vmul.f32 v46, v60  }
0x246: {  	v2 =	vadd.f32 v21, v2;
	v11 =	vadd.f32 $0.0e+00, v11;
	v15 =	vld.idx.msk [tilespmem:v15+s26+$0x0], $0xffff;
	v12 =	vmul.f32 v50, v61  }
0x247: {  	v47 =	vld.idx.msk [tilespmem:v32+s5+$0x0], $0xffff;
	v56 =	vmul.f32 v27, v6;
	v18 =	vadd.f32 v54, v55;
	v28 =	vadd.f32 $0.0e+00, v46  }
0x248: {  	v48 =	vld.idx.msk [tilespmem:v32+s26+$0x0], $0xffff;
	v5 =	vadd.f32 v24, v5;
	v22 =	vmul.f32 v40, v53;
	v11 =	vadd.f32 v11, v12  }
0x249: {  	v49 =	vld.idx.msk [tilespmem:v39+s5+$0x0], $0xffff;
	v17 =	vmul.f32 v43, v53;
	v18 =	vadd.f32 v59, v18;
	v9 =	vadd.f32 v28, v9  }
0x24a: {  	v2 =	vadd.f32 v19, v2;
	v50 =	vld.idx.msk [tilespmem:v39+s26+$0x0], $0xffff;
	v21 =	vmul.f32 v45, v58;
	v11 =	vadd.f32 v11, v22  }
0x24b: {  	v52 =	vld.idx.msk [tilespmem:v35+s5+$0x0], $0xffff;
	v18 =	vadd.f32 v63, v18;
	v13 =	vmul.f32 v15, v58;
	v9 =	vadd.f32 v17, v9  }
0x24c: {  	v53 =	vld.idx.msk [tilespmem:v35+s26+$0x0], $0xffff;
	v5 =	vadd.f32 v20, v5;
	v54 =	vmul.f32 v47, v62;
	v11 =	vadd.f32 v21, v11  }
0x24d: {  	v57 =	vmul.f32 v48, v62;
	v55 =	vld.idx.msk [tilespmem:v29+s5+$0x0], $0xffff;
	v18 =	vadd.f32 v42, v18;
	v9 =	vadd.f32 v13, v9  }
0x24e: {  	v2 =	vadd.f32 v8, v2;
	v12 =	vmul.f32 v49, v44;
	v58 =	vld.idx.msk [tilespmem:v29+s26+$0x0], $0xffff;
	v11 =	vadd.f32 v54, v11  }
0x24f: {  	v59 =	vmul.f32 v50, v44;
	v7 =	vadd.f32 v7, v18;
	v9 =	vadd.f32 v57, v9  }
0x250: {  	[tilespmem:s14+$0x1CA00] =	vst v0;
	v60 =	vmul.f32 v52, v10;
	v5 =	vadd.f32 v16, v5;
	v11 =	vadd.f32 v12, v11  }
0x251: {  	[tilespmem:s14+$0x1CE00] =	vst v1;
	v61 =	vmul.f32 v53, v10;
	v7 =	vadd.f32 v51, v7;
	v9 =	vadd.f32 v59, v9  }
0x252: {  	[tilespmem:s15+$0x1D200] =	vst v3;
	v62 =	vmul.f32 v55, v6;
	v4 =	vadd.f32 v4, v5;
	v3 =	vadd.f32 v60, v11  }
0x253: {  	[tilespmem:s15+$0x1CA00] =	vst v2;
	v63 =	vmul.f32 v58, v6;
	v7 =	vadd.f32 v56, v7;
	v0 =	vadd.f32 v61, v9  }
0x254: {  	[tilespmem:s15+$0x1CE00] =	vst v4;
	v1 =	vadd.f32 v62, v3  }
0x255: {  	s7 =	sshrl.u32 s13, $0x3;
	[tilespmem:s8+$0x1D200] =	vst v7;
	v0 =	vadd.f32 v63, v0  }
0x256: {  	s7 =	sadd.s32 s7, s3;
	[tilespmem:s8+$0x1CA00] =	vst v1  }
0x257: {  	s20 =	sadd.s32 $0x20, s7;
	[tilespmem:s8+$0x1CE00] =	vst v0  }
0x258: {  	[hbm4b:s20+s16] =	stream.strided.scatter [tilespmem:s0], [sflag:$0x5], $0x400, s17, s16, $0x38;
	[tilespmem:$0x1D580] =	vst v63  }
.Ltmp4:
0x259: {  	_ = 	snop;
	(pc) =	sbr.rel @p1 .LBB2_8-.Ltmp4, $4  }
0x25a: {  	s24 =	sadd.s32 $0x8020, s7  }
0x25b: {  	[hbm4b:s24+s16] =	stream.strided.scatter [tilespmem:s18], [sflag:$0x5], $0x400, s17, s16, $0x38;
	[tilespmem:$0x1D580] =	vst v63  }
0x25c: {  	s7 =	sadd.s32 $0x10020, s7  }
0x25d: {  	[hbm4b:s7+s16] =	stream.strided.scatter [tilespmem:s19], [sflag:$0x5], $0x400, s17, s16, $0x38;
	[tilespmem:$0x1D580] =	vst v63  }
0x25e: {  	s7 =	sadd.s32 $0x6, s12  }
0x25f: {  	s8 =	sadd.s32 s9, s7  }
0x260: {  	s8 =	sshll.u32 s8, $0x9  }
0x261: {  	s7 =	sshll.u32 s7, $0x7;
	s8 =	sand.u32 $0x7F000, s8  }
0x262: {  	s7 =	sand.u32 $0x300, s7;
	s8 =	sadd.s32 s4, s8  }
0x263: {  	s7 =	sor.u32 s7, s8  }
0x264: {  	s7 =	sshrl.u32 s7, $0x3  }
0x265: {  	s7 =	sadd.s32 s1, s7  }
0x266: {  	[tilespmem:s21], [sflag:$0x3] =	stream.strided.gather [hbm4b:s7+s16], $0x400, s17, s16, $0x38;
	[tilespmem:$0x1D580] =	vst v63  }
.Ltmp5:
0x267: {  	_ = 	snop;
	(pc) =	sbr.rel .LBB2_2-.Ltmp5, $4  }
0x268: {  	s24 =	sadd.s32 $0x8000, s7  }
0x269: {  	[tilespmem:s22], [sflag:$0x3] =	stream.strided.gather [hbm4b:s24+s16], $0x400, s17, s16, $0x38;
	[tilespmem:$0x1D580] =	vst v63  }
0x26a: {  	s11 =	sadd.s32 $0x1, s11;
	s7 =	sadd.s32 $0x10000, s7  }
0x26b: {  	[tilespmem:s23], [sflag:$0x3] =	stream.strided.gather [hbm4b:s7+s16], $0x400, s17, s16, $0x38;
	[tilespmem:$0x1D580] =	vst v63  }
.LBB2_9:
0x26c: {  	_ =	sfence.sel $0x180000  }
0x26d: {  	[bflag:$0x0] =	sbarrier.arrive $0xFFFF  }
0x26e: {  	_ =	strace $0x90000047  }
0x26f: {  	s0 =	stileid.u32;
	[bflag:$0x2] =	sbarrier.arrive $0xFFFF  }
0x270: {  	p0 =	sne.s32 s0, $0x0;
	s0 =	rddreg [dreg:$0x3]  }
0x271: {  	s0 =	sadd.s32 @!p0 $0x100000, s0  }
0x272: {  	[sflag:s0] =	ssyncadd.tile.s32 @!p0 $0x1;
	_ =	shalt  }
.Lfunc_end2:
_tile_overlayer_lowered:
.L_overlay_start_2:
0x273: {  	(tag) =	ssettag $0x2  }
0x274: {  	s0 =	rddreg [dreg:$0x0];
	s2 =	stileid.u32  }
0x275: {  	s1 =	rddreg [dreg:$0x1];
	p0 =	sne.s32 s2, $0x0  }
0x276: {  	s3 =	rddreg [dreg:$0x2];
	[bflag:$0x3] =	sbarrier.arrive $0xFFFF;
	s2 =	simm.s32 @!p0 $0x1C06  }
0x277: {  	[timem:s3], [sflag:s2] =	dma.local @!p0 [hbm:s0], s1  }
0x278: {  	s0 =	simm.s32 @!p0 $0x6  }
0x279: {  	_ =	swait.ge @!p0 [sflag:s0], s1  }
0x27a: {  	s1 =	ssub.s32 @!p0 $0x0, s1;
	[sflag:s0] =	ssyncset.done @!p0 $0x0  }
0x27b: {  	[sflag:s0] =	ssyncadd.s32 @!p0 s1  }
0x27c: {  	[bflag:$0x3] =	sbarrier.arrive $0xFFFF  }
0x27d: {  	_ =	shalt  }

</sc_bundles>
